<compile_context>
chip_gen: v7x
topology: tpu7x:2x2x1
jax: 0.10.2.dev20260603
libtpu: 0.0.44.dev20260713+nightly
codegen_flags: <defaults>
</compile_context>

<pallas_src>
import functools

import jax
import jax.numpy as jnp
from jax import lax
from jax.experimental import pallas as pl
from jax.experimental.pallas import tpu as pltpu
from jax.experimental.pallas import tpu_sc as plsc

N = 10000
D_IN = 256
D_HID = 1024
D_OUT = 256
E = 160000

NPAD = 10240
DH = 128
C = 128
EALL = E + N
EPAD = 172032
CHUNKS = EPAD // C
DEG_CH = CHUNKS // 32
PROP_CH = CHUNKS // 16
EPADP = 196608
HALF = 48
ROWS_PT = NPAD // 16
DW = 128

_mesh = plsc.VectorSubcoreMesh(core_axis_name="c", subcore_axis_name="s")


def _make_deg_kernel(dw):
    @functools.partial(
        pl.kernel,
        out_type=jax.ShapeDtypeStruct((2, NPAD, dw), jnp.float32),
        mesh=_mesh,
        scratch_types=[
            pltpu.VMEM((PROP_CH, C), jnp.int32),
            pltpu.VMEM((C, dw), jnp.float32),
            pltpu.MemorySpace.VMEM_SHARED((NPAD, dw), jnp.float32),
        ],
    )
    def deg_kernel(dst_hbm, zeros_hbm, ones_hbm, out_hbm, idx_v, ones_v, accum):
        c = lax.axis_index("c")
        s = lax.axis_index("s")
        pltpu.sync_copy(zeros_hbm, accum.at[pl.ds(s * ROWS_PT, ROWS_PT)])
        pltpu.sync_copy(ones_hbm, ones_v)
        pltpu.sync_copy(dst_hbm.at[s], idx_v)
        plsc.subcore_barrier()

        @pl.loop(0, DEG_CH)
        def _(j):
            pltpu.sync_copy(ones_v, accum.at[idx_v.at[2 * j + c]], add=True)

        plsc.subcore_barrier()
        pltpu.sync_copy(
            accum.at[pl.ds(s * ROWS_PT, ROWS_PT)],
            out_hbm.at[c, pl.ds(s * ROWS_PT, ROWS_PT)],
        )

    return deg_kernel


_deg_kernel = _make_deg_kernel(DW)


@functools.partial(
    pl.kernel,
    out_type=(
        jax.ShapeDtypeStruct((NPAD, DH), jnp.float32),
        jax.ShapeDtypeStruct((NPAD, DH), jnp.float32),
    ),
    mesh=_mesh,
    scratch_types=[
        pltpu.VMEM((HALF, C), jnp.int32),
        pltpu.VMEM((HALF, C), jnp.int32),
        pltpu.VMEM((C, DH), jnp.float32),
        pltpu.VMEM((C, DH), jnp.float32),
        pltpu.MemorySpace.VMEM_SHARED((NPAD, DH), jnp.float32),
        pltpu.SemaphoreType.DMA,
        pltpu.SemaphoreType.DMA,
    ],
)
def _prop_kernel(src_hbm, dst_hbm, xs0_hbm, xs1_hbm, zeros_hbm,
                 out0_hbm, out1_hbm, src_v, dst_v, rows0_v, rows1_v,
                 accum, sem0, sem1):
    c = lax.axis_index("c")
    s = lax.axis_index("s")
    pltpu.sync_copy(zeros_hbm, accum.at[pl.ds(s * ROWS_PT, ROWS_PT)])
    plsc.subcore_barrier()

    def run_edges(xs_hbm):
        for h in range(2):
            pltpu.sync_copy(src_hbm.at[s, pl.ds(h * HALF, HALF)], src_v)
            pltpu.sync_copy(dst_hbm.at[s, pl.ds(h * HALF, HALF)], dst_v)

            @pl.loop(0, HALF // 2)
            def _(g):
                j = 2 * g
                d0 = pltpu.async_copy(xs_hbm.at[src_v.at[j]], rows0_v, sem0)
                d1 = pltpu.async_copy(
                    xs_hbm.at[src_v.at[j + 1]], rows1_v, sem1)
                d0.wait()
                pltpu.sync_copy(rows0_v, accum.at[dst_v.at[j]], add=True)
                d1.wait()
                pltpu.sync_copy(rows1_v, accum.at[dst_v.at[j + 1]], add=True)

    @pl.when(c == 0)
    def _():
        run_edges(xs0_hbm)

    @pl.when(c == 1)
    def _():
        run_edges(xs1_hbm)

    plsc.subcore_barrier()
    rows = pl.ds(s * ROWS_PT, ROWS_PT)

    @pl.when(c == 0)
    def _():
        pltpu.sync_copy(accum.at[rows], out0_hbm.at[rows])

    @pl.when(c == 1)
    def _():
        pltpu.sync_copy(accum.at[rows], out1_hbm.at[rows])


def _scale_body(parts_ref, x_ref, dinv_ref, xs0_ref, xs1_ref):
    deg = parts_ref[0, :, 0] + parts_ref[1, :, 0]
    dinv = jnp.where(deg > 0, lax.rsqrt(deg), 0.0)
    dinv_ref[...] = dinv
    xs = x_ref[...] * dinv[:, None]
    xs0_ref[...] = xs[:, :DH]
    xs1_ref[...] = xs[:, DH:]


def _scale(parts, x_pad):
    blk = 1024
    grid = NPAD // blk
    return pl.pallas_call(
        _scale_body,
        grid=(grid,),
        in_specs=[
            pl.BlockSpec((2, blk, DW), lambda i: (0, i, 0)),
            pl.BlockSpec((blk, D_IN), lambda i: (i, 0)),
        ],
        out_specs=[
            pl.BlockSpec((blk,), lambda i: (i,)),
            pl.BlockSpec((blk, DH), lambda i: (i, 0)),
            pl.BlockSpec((blk, DH), lambda i: (i, 0)),
        ],
        out_shape=[
            jax.ShapeDtypeStruct((NPAD,), jnp.float32),
            jax.ShapeDtypeStruct((NPAD, DH), jnp.float32),
            jax.ShapeDtypeStruct((NPAD, DH), jnp.float32),
        ],
    )(parts, x_pad)


def _mlp_body(p0_ref, p1_ref, dinv_ref, w1_ref, b1_ref, w2_ref,
              q0_ref, q1_ref):
    dinv = dinv_ref[...]
    p = jnp.concatenate([p0_ref[...], p1_ref[...]], axis=1) * dinv[:, None]
    h = jnp.maximum(
        jnp.dot(p, w1_ref[...], preferred_element_type=jnp.float32)
        + b1_ref[...][None, :],
        0.0,
    )
    q = jnp.dot(h, w2_ref[...], preferred_element_type=jnp.float32)
    q = q * dinv[:, None]
    q0_ref[...] = q[:, :DH]
    q1_ref[...] = q[:, DH:]


def _mlp(p0, p1, dinv, W1, b1, W2):
    blk = 512
    grid = NPAD // blk
    return pl.pallas_call(
        _mlp_body,
        grid=(grid,),
        in_specs=[
            pl.BlockSpec((blk, DH), lambda i: (i, 0)),
            pl.BlockSpec((blk, DH), lambda i: (i, 0)),
            pl.BlockSpec((blk,), lambda i: (i,)),
            pl.BlockSpec((D_IN, D_HID), lambda i: (0, 0)),
            pl.BlockSpec((D_HID,), lambda i: (0,)),
            pl.BlockSpec((D_HID, D_OUT), lambda i: (0, 0)),
        ],
        out_specs=[
            pl.BlockSpec((blk, DH), lambda i: (i, 0)),
            pl.BlockSpec((blk, DH), lambda i: (i, 0)),
        ],
        out_shape=[
            jax.ShapeDtypeStruct((NPAD, DH), jnp.float32),
            jax.ShapeDtypeStruct((NPAD, DH), jnp.float32),
        ],
    )(p0, p1, dinv, W1, b1, W2)


def _final_body(r0_ref, r1_ref, dinv_ref, b2_ref, out_ref):
    r = jnp.concatenate([r0_ref[...], r1_ref[...]], axis=1)
    out_ref[...] = r * dinv_ref[...][:, None] + b2_ref[...][None, :]


def _final(r0, r1, dinv, b2):
    blk = 1024
    grid = NPAD // blk
    return pl.pallas_call(
        _final_body,
        grid=(grid,),
        in_specs=[
            pl.BlockSpec((blk, DH), lambda i: (i, 0)),
            pl.BlockSpec((blk, DH), lambda i: (i, 0)),
            pl.BlockSpec((blk,), lambda i: (i,)),
            pl.BlockSpec((D_OUT,), lambda i: (0,)),
        ],
        out_specs=pl.BlockSpec((blk, D_OUT), lambda i: (i, 0)),
        out_shape=jax.ShapeDtypeStruct((NPAD, D_OUT), jnp.float32),
    )(r0, r1, dinv, b2)


@jax.jit
def _run(x, edge_index, W1, b1, W2, b2):
    i32 = jnp.int32
    loops = jnp.arange(N, dtype=i32)
    padc = jnp.arange(EPADP - EALL, dtype=i32)
    src = jnp.concatenate([
        edge_index[0].astype(i32), loops, padc % N,
    ])
    dst = jnp.concatenate([
        edge_index[1].astype(i32), loops, N + padc % (NPAD - N),
    ])
    src_p = src.reshape(16, 2 * HALF, C)
    dst_p = dst.reshape(16, 2 * HALF, C)
    dst_d = dst[:EPAD].reshape(16, PROP_CH, C)
    x_pad = jnp.pad(x, ((0, NPAD - N), (0, 0)))

    zeros_dw = jnp.zeros((ROWS_PT, DW), jnp.float32)
    ones_dw = jnp.ones((C, DW), jnp.float32)
    zeros_dh = jnp.zeros((ROWS_PT, DH), jnp.float32)

    parts = _deg_kernel(dst_d, zeros_dw, ones_dw)
    dinv, xs0, xs1 = _scale(parts, x_pad)
    p0, p1 = _prop_kernel(src_p, dst_p, xs0, xs1, zeros_dh)
    q0, q1 = _mlp(p0, p1, dinv, W1, b1, W2)
    r0, r1 = _prop_kernel(src_p, dst_p, q0, q1, zeros_dh)
    out = _final(r0, r1, dinv, b2)
    return out[:N]


def kernel(x, edge_index, W1, b1, W2, b2):
    return _run(x, edge_index, W1, b1, W2, b2)

# --- scband reference (transcript-rebuilt; emitter-appended) ---
"""Pipeline reference for scband-gcnclassifier-28887950033747 (READ-ONLY COPY).

The authoritative reference and input builder live on the scoring server;
editing this copy changes nothing except your own understanding.
"""

import jax, jax.numpy as jnp
import numpy as np

N_NODES = 10000
D_IN = 256
D_HID = 1024
D_OUT = 256
N_EDGES = 160000


def gcn_conv(x, edge_index, W, b, num_nodes):
    # GCNConv (Kipf & Welling): x' = D^{-1/2} (A + I) D^{-1/2} (x W) + b
    x = x @ W
    src = jnp.concatenate([edge_index[0], jnp.arange(num_nodes, dtype=edge_index.dtype)])
    dst = jnp.concatenate([edge_index[1], jnp.arange(num_nodes, dtype=edge_index.dtype)])
    ones = jnp.ones_like(dst, dtype=x.dtype)
    deg = jax.ops.segment_sum(ones, dst, num_segments=num_nodes)
    deg_inv_sqrt = jnp.where(deg > 0, 1.0 / jnp.sqrt(deg), 0.0)
    norm = deg_inv_sqrt[src] * deg_inv_sqrt[dst]
    msg = x[src] * norm[:, None]
    out = jax.ops.segment_sum(msg, dst, num_segments=num_nodes)
    return out + b


def setup_inputs(seed: int = 0) -> dict:
    key = jax.random.key(seed)
    k_x, k_e, k_w1, k_b1, k_w2, k_b2 = jax.random.split(key, 6)
    x = jax.random.normal(k_x, (N_NODES, D_IN), dtype=jnp.float32)
    edge_index = jax.random.randint(k_e, (2, N_EDGES), 0, N_NODES, dtype=jnp.int64)
    s1 = 1.0 / np.sqrt(D_IN)
    s2 = 1.0 / np.sqrt(D_HID)
    W1 = jax.random.uniform(k_w1, (D_IN, D_HID), minval=-s1, maxval=s1, dtype=jnp.float32)
    b1 = jax.random.uniform(k_b1, (D_HID,), minval=-s1, maxval=s1, dtype=jnp.float32)
    W2 = jax.random.uniform(k_w2, (D_HID, D_OUT), minval=-s2, maxval=s2, dtype=jnp.float32)
    b2 = jax.random.uniform(k_b2, (D_OUT,), minval=-s2, maxval=s2, dtype=jnp.float32)
    return {"x": x, "edge_index": edge_index, "W1": W1, "b1": b1, "W2": W2, "b2": b2}


def reference(x, edge_index, W1, b1, W2, b2):
    h = gcn_conv(x, edge_index, W1, b1, N_NODES)
    h = jax.nn.relu(h)
    out = gcn_conv(h, edge_index, W2, b2, N_NODES)
    return out

if __name__ == "__main__":
    import jax
    _d = setup_inputs()
    print(jax.jit(kernel)(*tuple(_d.values())))

</pallas_src>

<mosaic_0001>
#map = affine_map<(d0, d1) -> (0, 0, 0)>
#map1 = affine_map<(d0, d1) -> (0, 0)>
module attributes {stable_mosaic.version = 14 : i64} {
  func.func @_prop_kernel(%arg0: i32, %arg1: i32, %arg2: memref<16x96x128xi32, #tpu.memory_space<hbm>>, %arg3: memref<16x96x128xi32, #tpu.memory_space<hbm>>, %arg4: memref<10240x128xf32, #tpu.memory_space<hbm>>, %arg5: memref<10240x128xf32, #tpu.memory_space<hbm>>, %arg6: memref<640x128xf32, #tpu.memory_space<hbm>>, %arg7: memref<10240x128xf32, #tpu.memory_space<hbm>>, %arg8: memref<10240x128xf32, #tpu.memory_space<hbm>>, %arg9: memref<48x128xi32, #tpu.memory_space<vmem>>, %arg10: memref<48x128xi32, #tpu.memory_space<vmem>>, %arg11: memref<128x128xf32, #tpu.memory_space<vmem>>, %arg12: memref<128x128xf32, #tpu.memory_space<vmem>>, %arg13: memref<10240x128xf32, #tpu.memory_space<vmem_shared>>, %arg14: memref<!tpu.dma_semaphore, #tpu.memory_space<semaphore_mem>>, %arg15: memref<!tpu.dma_semaphore, #tpu.memory_space<semaphore_mem>>) attributes {dimension_semantics = [#tpu.dimension_semantics<core_parallel>, #tpu.dimension_semantics<subcore_parallel>], iteration_bounds = array<i64: 2, 16>, scalar_prefetch = 0 : i64, scratch_operands = 7 : i64, tpu.core_type = #tpu.core_type<sc_vector_subcore>, window_params = [{transform_indices = #map}, {transform_indices = #map}, {transform_indices = #map1}, {transform_indices = #map1}, {transform_indices = #map1}, {transform_indices = #map1}, {transform_indices = #map1}]} {
    %mul3A = arith.constant 640 : i32
    %mul3A_0 = arith.muli %arg1, %mul3A : i32
    "tpu.region"() ({
      %run_scoped3A = tpu.sem_alloc : memref<!tpu.dma_semaphore, #tpu.memory_space<semaphore_mem>>
      %dma_start3A = arith.constant 0 : i32
      %dma_start3A_21 = tpu.memref_slice %arg13[%mul3A_0, %dma_start3A] : memref<10240x128xf32, #tpu.memory_space<vmem_shared>> -> memref<640x128xf32, #tpu.memory_space<vmem_shared>>
      tpu.enqueue_dma source(%arg6 : memref<640x128xf32, #tpu.memory_space<hbm>>) target(%dma_start3A_21 : memref<640x128xf32, #tpu.memory_space<vmem_shared>>) target_semaphore(%run_scoped3A : memref<!tpu.dma_semaphore, #tpu.memory_space<semaphore_mem>>)
      %dma_wait3A = arith.constant 0 : i32
      %dma_wait3A_22 = tpu.memref_slice %arg13[%mul3A_0, %dma_wait3A] : memref<10240x128xf32, #tpu.memory_space<vmem_shared>> -> memref<640x128xf32, #tpu.memory_space<vmem_shared>>
      tpu.wait_dma2 semaphore(%run_scoped3A : memref<!tpu.dma_semaphore, #tpu.memory_space<semaphore_mem>>) src(%arg6 : memref<640x128xf32, #tpu.memory_space<hbm>>) dst(%dma_wait3A_22 : memref<640x128xf32, #tpu.memory_space<vmem_shared>>)
      tpu.yield
    }) : () -> ()
    %barrier3A = arith.constant 0 : index
    tpu.barrier barrier_id(%barrier3A)
    %eq3A = arith.constant 0 : i32
    %eq3A_1 = arith.cmpi eq, %arg0, %eq3A : i32
    %convert_element_type3A = arith.extui %eq3A_1 : i1 to i32
    %cond3A = arith.constant 0 : i32
    %cond3A_2 = arith.cmpi ne, %convert_element_type3A, %cond3A : i32
    scf.if %cond3A_2 {
      "tpu.region"() ({
        %run_scoped3A = tpu.sem_alloc : memref<!tpu.dma_semaphore, #tpu.memory_space<semaphore_mem>>
        %dma_start3A = arith.constant 0 : i32
        %dma_start3A_30 = arith.constant 0 : i32
        %dma_start3A_31 = tpu.memref_slice %arg2[%arg1, %dma_start3A, %dma_start3A_30] : memref<16x96x128xi32, #tpu.memory_space<hbm>> -> memref<1x48x128xi32, #tpu.memory_space<hbm>>
        %dma_start3A_32 = tpu.memref_squeeze %dma_start3A_31 : memref<1x48x128xi32, #tpu.memory_space<hbm>> -> memref<48x128xi32, #tpu.memory_space<hbm>>
        %dma_start3A_33 = arith.constant 0 : i32
        %dma_start3A_34 = arith.constant 0 : i32
        %dma_start3A_35 = tpu.memref_slice %arg2[%arg1, %dma_start3A_33, %dma_start3A_34] : memref<16x96x128xi32, #tpu.memory_space<hbm>> -> memref<1x48x128xi32, #tpu.memory_space<hbm>>
        %dma_start3A_36 = tpu.memref_squeeze %dma_start3A_35 : memref<1x48x128xi32, #tpu.memory_space<hbm>> -> memref<48x128xi32, #tpu.memory_space<hbm>>
        tpu.enqueue_dma source(%dma_start3A_36 : memref<48x128xi32, #tpu.memory_space<hbm>>) target(%arg9 : memref<48x128xi32, #tpu.memory_space<vmem>>) target_semaphore(%run_scoped3A : memref<!tpu.dma_semaphore, #tpu.memory_space<semaphore_mem>>)
        %dma_wait3A = arith.constant 0 : i32
        %dma_wait3A_37 = arith.constant 0 : i32
        %dma_wait3A_38 = tpu.memref_slice %arg2[%arg1, %dma_wait3A, %dma_wait3A_37] : memref<16x96x128xi32, #tpu.memory_space<hbm>> -> memref<1x48x128xi32, #tpu.memory_space<hbm>>
        %dma_wait3A_39 = tpu.memref_squeeze %dma_wait3A_38 : memref<1x48x128xi32, #tpu.memory_space<hbm>> -> memref<48x128xi32, #tpu.memory_space<hbm>>
        %dma_wait3A_40 = arith.constant 0 : i32
        %dma_wait3A_41 = arith.constant 0 : i32
        %dma_wait3A_42 = tpu.memref_slice %arg2[%arg1, %dma_wait3A_40, %dma_wait3A_41] : memref<16x96x128xi32, #tpu.memory_space<hbm>> -> memref<1x48x128xi32, #tpu.memory_space<hbm>>
        %dma_wait3A_43 = tpu.memref_squeeze %dma_wait3A_42 : memref<1x48x128xi32, #tpu.memory_space<hbm>> -> memref<48x128xi32, #tpu.memory_space<hbm>>
        tpu.wait_dma2 semaphore(%run_scoped3A : memref<!tpu.dma_semaphore, #tpu.memory_space<semaphore_mem>>) src(%dma_wait3A_43 : memref<48x128xi32, #tpu.memory_space<hbm>>) dst(%arg9 : memref<48x128xi32, #tpu.memory_space<vmem>>)
        tpu.yield
      }) : () -> ()
      "tpu.region"() ({
        %run_scoped3A = tpu.sem_alloc : memref<!tpu.dma_semaphore, #tpu.memory_space<semaphore_mem>>
        %dma_start3A = arith.constant 0 : i32
        %dma_start3A_30 = arith.constant 0 : i32
        %dma_start3A_31 = tpu.memref_slice %arg3[%arg1, %dma_start3A, %dma_start3A_30] : memref<16x96x128xi32, #tpu.memory_space<hbm>> -> memref<1x48x128xi32, #tpu.memory_space<hbm>>
        %dma_start3A_32 = tpu.memref_squeeze %dma_start3A_31 : memref<1x48x128xi32, #tpu.memory_space<hbm>> -> memref<48x128xi32, #tpu.memory_space<hbm>>
        %dma_start3A_33 = arith.constant 0 : i32
        %dma_start3A_34 = arith.constant 0 : i32
        %dma_start3A_35 = tpu.memref_slice %arg3[%arg1, %dma_start3A_33, %dma_start3A_34] : memref<16x96x128xi32, #tpu.memory_space<hbm>> -> memref<1x48x128xi32, #tpu.memory_space<hbm>>
        %dma_start3A_36 = tpu.memref_squeeze %dma_start3A_35 : memref<1x48x128xi32, #tpu.memory_space<hbm>> -> memref<48x128xi32, #tpu.memory_space<hbm>>
        tpu.enqueue_dma source(%dma_start3A_36 : memref<48x128xi32, #tpu.memory_space<hbm>>) target(%arg10 : memref<48x128xi32, #tpu.memory_space<vmem>>) target_semaphore(%run_scoped3A : memref<!tpu.dma_semaphore, #tpu.memory_space<semaphore_mem>>)
        %dma_wait3A = arith.constant 0 : i32
        %dma_wait3A_37 = arith.constant 0 : i32
        %dma_wait3A_38 = tpu.memref_slice %arg3[%arg1, %dma_wait3A, %dma_wait3A_37] : memref<16x96x128xi32, #tpu.memory_space<hbm>> -> memref<1x48x128xi32, #tpu.memory_space<hbm>>
        %dma_wait3A_39 = tpu.memref_squeeze %dma_wait3A_38 : memref<1x48x128xi32, #tpu.memory_space<hbm>> -> memref<48x128xi32, #tpu.memory_space<hbm>>
        %dma_wait3A_40 = arith.constant 0 : i32
        %dma_wait3A_41 = arith.constant 0 : i32
        %dma_wait3A_42 = tpu.memref_slice %arg3[%arg1, %dma_wait3A_40, %dma_wait3A_41] : memref<16x96x128xi32, #tpu.memory_space<hbm>> -> memref<1x48x128xi32, #tpu.memory_space<hbm>>
        %dma_wait3A_43 = tpu.memref_squeeze %dma_wait3A_42 : memref<1x48x128xi32, #tpu.memory_space<hbm>> -> memref<48x128xi32, #tpu.memory_space<hbm>>
        tpu.wait_dma2 semaphore(%run_scoped3A : memref<!tpu.dma_semaphore, #tpu.memory_space<semaphore_mem>>) src(%dma_wait3A_43 : memref<48x128xi32, #tpu.memory_space<hbm>>) dst(%arg10 : memref<48x128xi32, #tpu.memory_space<vmem>>)
        tpu.yield
      }) : () -> ()
      %scan3A = arith.constant 0 : i32
      %scan3A_21 = arith.constant 24 : i32
      %scan3A_22 = arith.addi %scan3A, %scan3A_21 : i32
      %scan3A_23 = arith.constant 1 : i32
      scf.for %scan3A_30 = %scan3A to %scan3A_22 step %scan3A_23  : i32 {
        %mul3A_31 = arith.constant 1 : i32
        %mul3A_32 = arith.muli %scan3A_30, %mul3A_31 : i32
        %add3A = arith.constant 0 : i32
        %add3A_33 = arith.addi %add3A, %mul3A_32 : i32
        %mul3A_34 = arith.constant 2 : i32
        %mul3A_35 = arith.muli %mul3A_34, %add3A_33 : i32
        %dma_start3A = arith.constant 0 : i32
        %dma_start3A_36 = tpu.memref_slice %arg9[%mul3A_35, %dma_start3A] : memref<48x128xi32, #tpu.memory_space<vmem>> -> memref<1x128xi32, #tpu.memory_space<vmem>>
        %dma_start3A_37 = tpu.memref_squeeze %dma_start3A_36 : memref<1x128xi32, #tpu.memory_space<vmem>> -> memref<128xi32, #tpu.memory_space<vmem>>
        %dma_start3A_38 = arith.constant 0 : i32
        %dma_start3A_39 = arith.constant 0 : i32
        %dma_start3A_40 = tpu.memref_slice %arg4[%dma_start3A_38, %dma_start3A_39] : memref<10240x128xf32, #tpu.memory_space<hbm>> -> memref<10240x128xf32, #tpu.memory_space<hbm>>
        tpu.enqueue_indirect_dma source(%dma_start3A_40 : memref<10240x128xf32, #tpu.memory_space<hbm>>) target(%arg11 : memref<128x128xf32, #tpu.memory_space<vmem>>) offsets(%dma_start3A_37 : memref<128xi32, #tpu.memory_space<vmem>>) semaphore(%arg14 : memref<!tpu.dma_semaphore, #tpu.memory_space<semaphore_mem>>)
        %add3A_41 = arith.constant 1 : i32
        %add3A_42 = arith.addi %mul3A_35, %add3A_41 : i32
        %dma_start3A_43 = arith.constant 0 : i32
        %dma_start3A_44 = tpu.memref_slice %arg9[%add3A_42, %dma_start3A_43] : memref<48x128xi32, #tpu.memory_space<vmem>> -> memref<1x128xi32, #tpu.memory_space<vmem>>
        %dma_start3A_45 = tpu.memref_squeeze %dma_start3A_44 : memref<1x128xi32, #tpu.memory_space<vmem>> -> memref<128xi32, #tpu.memory_space<vmem>>
        %dma_start3A_46 = arith.constant 0 : i32
        %dma_start3A_47 = arith.constant 0 : i32
        %dma_start3A_48 = tpu.memref_slice %arg4[%dma_start3A_46, %dma_start3A_47] : memref<10240x128xf32, #tpu.memory_space<hbm>> -> memref<10240x128xf32, #tpu.memory_space<hbm>>
        tpu.enqueue_indirect_dma source(%dma_start3A_48 : memref<10240x128xf32, #tpu.memory_space<hbm>>) target(%arg12 : memref<128x128xf32, #tpu.memory_space<vmem>>) offsets(%dma_start3A_45 : memref<128xi32, #tpu.memory_space<vmem>>) semaphore(%arg15 : memref<!tpu.dma_semaphore, #tpu.memory_space<semaphore_mem>>)
        %dma_wait3A = arith.constant 0 : i32
        %dma_wait3A_49 = tpu.memref_slice %arg9[%mul3A_35, %dma_wait3A] : memref<48x128xi32, #tpu.memory_space<vmem>> -> memref<1x128xi32, #tpu.memory_space<vmem>>
        %dma_wait3A_50 = tpu.memref_squeeze %dma_wait3A_49 : memref<1x128xi32, #tpu.memory_space<vmem>> -> memref<128xi32, #tpu.memory_space<vmem>>
        %dma_wait3A_51 = arith.constant 0 : i32
        %dma_wait3A_52 = arith.constant 0 : i32
        %dma_wait3A_53 = tpu.memref_slice %arg4[%dma_wait3A_51, %dma_wait3A_52] : memref<10240x128xf32, #tpu.memory_space<hbm>> -> memref<10240x128xf32, #tpu.memory_space<hbm>>
        tpu.wait_indirect_dma semaphore(%arg14 : memref<!tpu.dma_semaphore, #tpu.memory_space<semaphore_mem>>) src(%dma_wait3A_53 : memref<10240x128xf32, #tpu.memory_space<hbm>>) dst(%arg11 : memref<128x128xf32, #tpu.memory_space<vmem>>)
        "tpu.region"() ({
          %run_scoped3A = tpu.sem_alloc : memref<!tpu.dma_semaphore, #tpu.memory_space<semaphore_mem>>
          %dma_start3A_62 = arith.constant 0 : i32
          %dma_start3A_63 = tpu.memref_slice %arg10[%mul3A_35, %dma_start3A_62] : memref<48x128xi32, #tpu.memory_space<vmem>> -> memref<1x128xi32, #tpu.memory_space<vmem>>
          %dma_start3A_64 = tpu.memref_squeeze %dma_start3A_63 : memref<1x128xi32, #tpu.memory_space<vmem>> -> memref<128xi32, #tpu.memory_space<vmem>>
          %dma_start3A_65 = arith.constant 0 : i32
          %dma_start3A_66 = arith.constant 0 : i32
          %dma_start3A_67 = tpu.memref_slice %arg13[%dma_start3A_65, %dma_start3A_66] : memref<10240x128xf32, #tpu.memory_space<vmem_shared>> -> memref<10240x128xf32, #tpu.memory_space<vmem_shared>>
          tpu.enqueue_indirect_dma source(%arg11 : memref<128x128xf32, #tpu.memory_space<vmem>>) target(%dma_start3A_67 : memref<10240x128xf32, #tpu.memory_space<vmem_shared>>) offsets(%dma_start3A_64 : memref<128xi32, #tpu.memory_space<vmem>>) semaphore(%run_scoped3A : memref<!tpu.dma_semaphore, #tpu.memory_space<semaphore_mem>>) {add = true}
          %dma_wait3A_68 = arith.constant 0 : i32
          %dma_wait3A_69 = tpu.memref_slice %arg10[%mul3A_35, %dma_wait3A_68] : memref<48x128xi32, #tpu.memory_space<vmem>> -> memref<1x128xi32, #tpu.memory_space<vmem>>
          %dma_wait3A_70 = tpu.memref_squeeze %dma_wait3A_69 : memref<1x128xi32, #tpu.memory_space<vmem>> -> memref<128xi32, #tpu.memory_space<vmem>>
          %dma_wait3A_71 = arith.constant 0 : i32
          %dma_wait3A_72 = arith.constant 0 : i32
          %dma_wait3A_73 = tpu.memref_slice %arg13[%dma_wait3A_71, %dma_wait3A_72] : memref<10240x128xf32, #tpu.memory_space<vmem_shared>> -> memref<10240x128xf32, #tpu.memory_space<vmem_shared>>
          tpu.wait_indirect_dma semaphore(%run_scoped3A : memref<!tpu.dma_semaphore, #tpu.memory_space<semaphore_mem>>) src(%arg11 : memref<128x128xf32, #tpu.memory_space<vmem>>) dst(%dma_wait3A_73 : memref<10240x128xf32, #tpu.memory_space<vmem_shared>>)
          tpu.yield
        }) : () -> ()
        %dma_wait3A_54 = arith.constant 0 : i32
        %dma_wait3A_55 = tpu.memref_slice %arg9[%add3A_42, %dma_wait3A_54] : memref<48x128xi32, #tpu.memory_space<vmem>> -> memref<1x128xi32, #tpu.memory_space<vmem>>
        %dma_wait3A_56 = tpu.memref_squeeze %dma_wait3A_55 : memref<1x128xi32, #tpu.memory_space<vmem>> -> memref<128xi32, #tpu.memory_space<vmem>>
        %dma_wait3A_57 = arith.constant 0 : i32
        %dma_wait3A_58 = arith.constant 0 : i32
        %dma_wait3A_59 = tpu.memref_slice %arg4[%dma_wait3A_57, %dma_wait3A_58] : memref<10240x128xf32, #tpu.memory_space<hbm>> -> memref<10240x128xf32, #tpu.memory_space<hbm>>
        tpu.wait_indirect_dma semaphore(%arg15 : memref<!tpu.dma_semaphore, #tpu.memory_space<semaphore_mem>>) src(%dma_wait3A_59 : memref<10240x128xf32, #tpu.memory_space<hbm>>) dst(%arg12 : memref<128x128xf32, #tpu.memory_space<vmem>>)
        %add3A_60 = arith.constant 1 : i32
        %add3A_61 = arith.addi %mul3A_35, %add3A_60 : i32
        "tpu.region"() ({
          %run_scoped3A = tpu.sem_alloc : memref<!tpu.dma_semaphore, #tpu.memory_space<semaphore_mem>>
          %dma_start3A_62 = arith.constant 0 : i32
          %dma_start3A_63 = tpu.memref_slice %arg10[%add3A_61, %dma_start3A_62] : memref<48x128xi32, #tpu.memory_space<vmem>> -> memref<1x128xi32, #tpu.memory_space<vmem>>
          %dma_start3A_64 = tpu.memref_squeeze %dma_start3A_63 : memref<1x128xi32, #tpu.memory_space<vmem>> -> memref<128xi32, #tpu.memory_space<vmem>>
          %dma_start3A_65 = arith.constant 0 : i32
          %dma_start3A_66 = arith.constant 0 : i32
          %dma_start3A_67 = tpu.memref_slice %arg13[%dma_start3A_65, %dma_start3A_66] : memref<10240x128xf32, #tpu.memory_space<vmem_shared>> -> memref<10240x128xf32, #tpu.memory_space<vmem_shared>>
          tpu.enqueue_indirect_dma source(%arg12 : memref<128x128xf32, #tpu.memory_space<vmem>>) target(%dma_start3A_67 : memref<10240x128xf32, #tpu.memory_space<vmem_shared>>) offsets(%dma_start3A_64 : memref<128xi32, #tpu.memory_space<vmem>>) semaphore(%run_scoped3A : memref<!tpu.dma_semaphore, #tpu.memory_space<semaphore_mem>>) {add = true}
          %dma_wait3A_68 = arith.constant 0 : i32
          %dma_wait3A_69 = tpu.memref_slice %arg10[%add3A_61, %dma_wait3A_68] : memref<48x128xi32, #tpu.memory_space<vmem>> -> memref<1x128xi32, #tpu.memory_space<vmem>>
          %dma_wait3A_70 = tpu.memref_squeeze %dma_wait3A_69 : memref<1x128xi32, #tpu.memory_space<vmem>> -> memref<128xi32, #tpu.memory_space<vmem>>
          %dma_wait3A_71 = arith.constant 0 : i32
          %dma_wait3A_72 = arith.constant 0 : i32
          %dma_wait3A_73 = tpu.memref_slice %arg13[%dma_wait3A_71, %dma_wait3A_72] : memref<10240x128xf32, #tpu.memory_space<vmem_shared>> -> memref<10240x128xf32, #tpu.memory_space<vmem_shared>>
          tpu.wait_indirect_dma semaphore(%run_scoped3A : memref<!tpu.dma_semaphore, #tpu.memory_space<semaphore_mem>>) src(%arg12 : memref<128x128xf32, #tpu.memory_space<vmem>>) dst(%dma_wait3A_73 : memref<10240x128xf32, #tpu.memory_space<vmem_shared>>)
          tpu.yield
        }) : () -> ()
      }
      %scan3A_24 = arith.constant 24 : i32
      "tpu.region"() ({
        %run_scoped3A = tpu.sem_alloc : memref<!tpu.dma_semaphore, #tpu.memory_space<semaphore_mem>>
        %dma_start3A = arith.constant 48 : i32
        %dma_start3A_30 = arith.constant 0 : i32
        %dma_start3A_31 = tpu.memref_slice %arg2[%arg1, %dma_start3A, %dma_start3A_30] : memref<16x96x128xi32, #tpu.memory_space<hbm>> -> memref<1x48x128xi32, #tpu.memory_space<hbm>>
        %dma_start3A_32 = tpu.memref_squeeze %dma_start3A_31 : memref<1x48x128xi32, #tpu.memory_space<hbm>> -> memref<48x128xi32, #tpu.memory_space<hbm>>
        %dma_start3A_33 = arith.constant 48 : i32
        %dma_start3A_34 = arith.constant 0 : i32
        %dma_start3A_35 = tpu.memref_slice %arg2[%arg1, %dma_start3A_33, %dma_start3A_34] : memref<16x96x128xi32, #tpu.memory_space<hbm>> -> memref<1x48x128xi32, #tpu.memory_space<hbm>>
        %dma_start3A_36 = tpu.memref_squeeze %dma_start3A_35 : memref<1x48x128xi32, #tpu.memory_space<hbm>> -> memref<48x128xi32, #tpu.memory_space<hbm>>
        tpu.enqueue_dma source(%dma_start3A_36 : memref<48x128xi32, #tpu.memory_space<hbm>>) target(%arg9 : memref<48x128xi32, #tpu.memory_space<vmem>>) target_semaphore(%run_scoped3A : memref<!tpu.dma_semaphore, #tpu.memory_space<semaphore_mem>>)
        %dma_wait3A = arith.constant 48 : i32
        %dma_wait3A_37 = arith.constant 0 : i32
        %dma_wait3A_38 = tpu.memref_slice %arg2[%arg1, %dma_wait3A, %dma_wait3A_37] : memref<16x96x128xi32, #tpu.memory_space<hbm>> -> memref<1x48x128xi32, #tpu.memory_space<hbm>>
        %dma_wait3A_39 = tpu.memref_squeeze %dma_wait3A_38 : memref<1x48x128xi32, #tpu.memory_space<hbm>> -> memref<48x128xi32, #tpu.memory_space<hbm>>
        %dma_wait3A_40 = arith.constant 48 : i32
        %dma_wait3A_41 = arith.constant 0 : i32
        %dma_wait3A_42 = tpu.memref_slice %arg2[%arg1, %dma_wait3A_40, %dma_wait3A_41] : memref<16x96x128xi32, #tpu.memory_space<hbm>> -> memref<1x48x128xi32, #tpu.memory_space<hbm>>
        %dma_wait3A_43 = tpu.memref_squeeze %dma_wait3A_42 : memref<1x48x128xi32, #tpu.memory_space<hbm>> -> memref<48x128xi32, #tpu.memory_space<hbm>>
        tpu.wait_dma2 semaphore(%run_scoped3A : memref<!tpu.dma_semaphore, #tpu.memory_space<semaphore_mem>>) src(%dma_wait3A_43 : memref<48x128xi32, #tpu.memory_space<hbm>>) dst(%arg9 : memref<48x128xi32, #tpu.memory_space<vmem>>)
        tpu.yield
      }) : () -> ()
      "tpu.region"() ({
        %run_scoped3A = tpu.sem_alloc : memref<!tpu.dma_semaphore, #tpu.memory_space<semaphore_mem>>
        %dma_start3A = arith.constant 48 : i32
        %dma_start3A_30 = arith.constant 0 : i32
        %dma_start3A_31 = tpu.memref_slice %arg3[%arg1, %dma_start3A, %dma_start3A_30] : memref<16x96x128xi32, #tpu.memory_space<hbm>> -> memref<1x48x128xi32, #tpu.memory_space<hbm>>
        %dma_start3A_32 = tpu.memref_squeeze %dma_start3A_31 : memref<1x48x128xi32, #tpu.memory_space<hbm>> -> memref<48x128xi32, #tpu.memory_space<hbm>>
        %dma_start3A_33 = arith.constant 48 : i32
        %dma_start3A_34 = arith.constant 0 : i32
        %dma_start3A_35 = tpu.memref_slice %arg3[%arg1, %dma_start3A_33, %dma_start3A_34] : memref<16x96x128xi32, #tpu.memory_space<hbm>> -> memref<1x48x128xi32, #tpu.memory_space<hbm>>
        %dma_start3A_36 = tpu.memref_squeeze %dma_start3A_35 : memref<1x48x128xi32, #tpu.memory_space<hbm>> -> memref<48x128xi32, #tpu.memory_space<hbm>>
        tpu.enqueue_dma source(%dma_start3A_36 : memref<48x128xi32, #tpu.memory_space<hbm>>) target(%arg10 : memref<48x128xi32, #tpu.memory_space<vmem>>) target_semaphore(%run_scoped3A : memref<!tpu.dma_semaphore, #tpu.memory_space<semaphore_mem>>)
        %dma_wait3A = arith.constant 48 : i32
        %dma_wait3A_37 = arith.constant 0 : i32
        %dma_wait3A_38 = tpu.memref_slice %arg3[%arg1, %dma_wait3A, %dma_wait3A_37] : memref<16x96x128xi32, #tpu.memory_space<hbm>> -> memref<1x48x128xi32, #tpu.memory_space<hbm>>
        %dma_wait3A_39 = tpu.memref_squeeze %dma_wait3A_38 : memref<1x48x128xi32, #tpu.memory_space<hbm>> -> memref<48x128xi32, #tpu.memory_space<hbm>>
        %dma_wait3A_40 = arith.constant 48 : i32
        %dma_wait3A_41 = arith.constant 0 : i32
        %dma_wait3A_42 = tpu.memref_slice %arg3[%arg1, %dma_wait3A_40, %dma_wait3A_41] : memref<16x96x128xi32, #tpu.memory_space<hbm>> -> memref<1x48x128xi32, #tpu.memory_space<hbm>>
        %dma_wait3A_43 = tpu.memref_squeeze %dma_wait3A_42 : memref<1x48x128xi32, #tpu.memory_space<hbm>> -> memref<48x128xi32, #tpu.memory_space<hbm>>
        tpu.wait_dma2 semaphore(%run_scoped3A : memref<!tpu.dma_semaphore, #tpu.memory_space<semaphore_mem>>) src(%dma_wait3A_43 : memref<48x128xi32, #tpu.memory_space<hbm>>) dst(%arg10 : memref<48x128xi32, #tpu.memory_space<vmem>>)
        tpu.yield
      }) : () -> ()
      %scan3A_25 = arith.constant 0 : i32
      %scan3A_26 = arith.constant 24 : i32
      %scan3A_27 = arith.addi %scan3A_25, %scan3A_26 : i32
      %scan3A_28 = arith.constant 1 : i32
      scf.for %scan3A_30 = %scan3A_25 to %scan3A_27 step %scan3A_28  : i32 {
        %mul3A_31 = arith.constant 1 : i32
        %mul3A_32 = arith.muli %scan3A_30, %mul3A_31 : i32
        %add3A = arith.constant 0 : i32
        %add3A_33 = arith.addi %add3A, %mul3A_32 : i32
        %mul3A_34 = arith.constant 2 : i32
        %mul3A_35 = arith.muli %mul3A_34, %add3A_33 : i32
        %dma_start3A = arith.constant 0 : i32
        %dma_start3A_36 = tpu.memref_slice %arg9[%mul3A_35, %dma_start3A] : memref<48x128xi32, #tpu.memory_space<vmem>> -> memref<1x128xi32, #tpu.memory_space<vmem>>
        %dma_start3A_37 = tpu.memref_squeeze %dma_start3A_36 : memref<1x128xi32, #tpu.memory_space<vmem>> -> memref<128xi32, #tpu.memory_space<vmem>>
        %dma_start3A_38 = arith.constant 0 : i32
        %dma_start3A_39 = arith.constant 0 : i32
        %dma_start3A_40 = tpu.memref_slice %arg4[%dma_start3A_38, %dma_start3A_39] : memref<10240x128xf32, #tpu.memory_space<hbm>> -> memref<10240x128xf32, #tpu.memory_space<hbm>>
        tpu.enqueue_indirect_dma source(%dma_start3A_40 : memref<10240x128xf32, #tpu.memory_space<hbm>>) target(%arg11 : memref<128x128xf32, #tpu.memory_space<vmem>>) offsets(%dma_start3A_37 : memref<128xi32, #tpu.memory_space<vmem>>) semaphore(%arg14 : memref<!tpu.dma_semaphore, #tpu.memory_space<semaphore_mem>>)
        %add3A_41 = arith.constant 1 : i32
        %add3A_42 = arith.addi %mul3A_35, %add3A_41 : i32
        %dma_start3A_43 = arith.constant 0 : i32
        %dma_start3A_44 = tpu.memref_slice %arg9[%add3A_42, %dma_start3A_43] : memref<48x128xi32, #tpu.memory_space<vmem>> -> memref<1x128xi32, #tpu.memory_space<vmem>>
        %dma_start3A_45 = tpu.memref_squeeze %dma_start3A_44 : memref<1x128xi32, #tpu.memory_space<vmem>> -> memref<128xi32, #tpu.memory_space<vmem>>
        %dma_start3A_46 = arith.constant 0 : i32
        %dma_start3A_47 = arith.constant 0 : i32
        %dma_start3A_48 = tpu.memref_slice %arg4[%dma_start3A_46, %dma_start3A_47] : memref<10240x128xf32, #tpu.memory_space<hbm>> -> memref<10240x128xf32, #tpu.memory_space<hbm>>
        tpu.enqueue_indirect_dma source(%dma_start3A_48 : memref<10240x128xf32, #tpu.memory_space<hbm>>) target(%arg12 : memref<128x128xf32, #tpu.memory_space<vmem>>) offsets(%dma_start3A_45 : memref<128xi32, #tpu.memory_space<vmem>>) semaphore(%arg15 : memref<!tpu.dma_semaphore, #tpu.memory_space<semaphore_mem>>)
        %dma_wait3A = arith.constant 0 : i32
        %dma_wait3A_49 = tpu.memref_slice %arg9[%mul3A_35, %dma_wait3A] : memref<48x128xi32, #tpu.memory_space<vmem>> -> memref<1x128xi32, #tpu.memory_space<vmem>>
        %dma_wait3A_50 = tpu.memref_squeeze %dma_wait3A_49 : memref<1x128xi32, #tpu.memory_space<vmem>> -> memref<128xi32, #tpu.memory_space<vmem>>
        %dma_wait3A_51 = arith.constant 0 : i32
        %dma_wait3A_52 = arith.constant 0 : i32
        %dma_wait3A_53 = tpu.memref_slice %arg4[%dma_wait3A_51, %dma_wait3A_52] : memref<10240x128xf32, #tpu.memory_space<hbm>> -> memref<10240x128xf32, #tpu.memory_space<hbm>>
        tpu.wait_indirect_dma semaphore(%arg14 : memref<!tpu.dma_semaphore, #tpu.memory_space<semaphore_mem>>) src(%dma_wait3A_53 : memref<10240x128xf32, #tpu.memory_space<hbm>>) dst(%arg11 : memref<128x128xf32, #tpu.memory_space<vmem>>)
        "tpu.region"() ({
          %run_scoped3A = tpu.sem_alloc : memref<!tpu.dma_semaphore, #tpu.memory_space<semaphore_mem>>
          %dma_start3A_62 = arith.constant 0 : i32
          %dma_start3A_63 = tpu.memref_slice %arg10[%mul3A_35, %dma_start3A_62] : memref<48x128xi32, #tpu.memory_space<vmem>> -> memref<1x128xi32, #tpu.memory_space<vmem>>
          %dma_start3A_64 = tpu.memref_squeeze %dma_start3A_63 : memref<1x128xi32, #tpu.memory_space<vmem>> -> memref<128xi32, #tpu.memory_space<vmem>>
          %dma_start3A_65 = arith.constant 0 : i32
          %dma_start3A_66 = arith.constant 0 : i32
          %dma_start3A_67 = tpu.memref_slice %arg13[%dma_start3A_65, %dma_start3A_66] : memref<10240x128xf32, #tpu.memory_space<vmem_shared>> -> memref<10240x128xf32, #tpu.memory_space<vmem_shared>>
          tpu.enqueue_indirect_dma source(%arg11 : memref<128x128xf32, #tpu.memory_space<vmem>>) target(%dma_start3A_67 : memref<10240x128xf32, #tpu.memory_space<vmem_shared>>) offsets(%dma_start3A_64 : memref<128xi32, #tpu.memory_space<vmem>>) semaphore(%run_scoped3A : memref<!tpu.dma_semaphore, #tpu.memory_space<semaphore_mem>>) {add = true}
          %dma_wait3A_68 = arith.constant 0 : i32
          %dma_wait3A_69 = tpu.memref_slice %arg10[%mul3A_35, %dma_wait3A_68] : memref<48x128xi32, #tpu.memory_space<vmem>> -> memref<1x128xi32, #tpu.memory_space<vmem>>
          %dma_wait3A_70 = tpu.memref_squeeze %dma_wait3A_69 : memref<1x128xi32, #tpu.memory_space<vmem>> -> memref<128xi32, #tpu.memory_space<vmem>>
          %dma_wait3A_71 = arith.constant 0 : i32
          %dma_wait3A_72 = arith.constant 0 : i32
          %dma_wait3A_73 = tpu.memref_slice %arg13[%dma_wait3A_71, %dma_wait3A_72] : memref<10240x128xf32, #tpu.memory_space<vmem_shared>> -> memref<10240x128xf32, #tpu.memory_space<vmem_shared>>
          tpu.wait_indirect_dma semaphore(%run_scoped3A : memref<!tpu.dma_semaphore, #tpu.memory_space<semaphore_mem>>) src(%arg11 : memref<128x128xf32, #tpu.memory_space<vmem>>) dst(%dma_wait3A_73 : memref<10240x128xf32, #tpu.memory_space<vmem_shared>>)
          tpu.yield
        }) : () -> ()
        %dma_wait3A_54 = arith.constant 0 : i32
        %dma_wait3A_55 = tpu.memref_slice %arg9[%add3A_42, %dma_wait3A_54] : memref<48x128xi32, #tpu.memory_space<vmem>> -> memref<1x128xi32, #tpu.memory_space<vmem>>
        %dma_wait3A_56 = tpu.memref_squeeze %dma_wait3A_55 : memref<1x128xi32, #tpu.memory_space<vmem>> -> memref<128xi32, #tpu.memory_space<vmem>>
        %dma_wait3A_57 = arith.constant 0 : i32
        %dma_wait3A_58 = arith.constant 0 : i32
        %dma_wait3A_59 = tpu.memref_slice %arg4[%dma_wait3A_57, %dma_wait3A_58] : memref<10240x128xf32, #tpu.memory_space<hbm>> -> memref<10240x128xf32, #tpu.memory_space<hbm>>
        tpu.wait_indirect_dma semaphore(%arg15 : memref<!tpu.dma_semaphore, #tpu.memory_space<semaphore_mem>>) src(%dma_wait3A_59 : memref<10240x128xf32, #tpu.memory_space<hbm>>) dst(%arg12 : memref<128x128xf32, #tpu.memory_space<vmem>>)
        %add3A_60 = arith.constant 1 : i32
        %add3A_61 = arith.addi %mul3A_35, %add3A_60 : i32
        "tpu.region"() ({
          %run_scoped3A = tpu.sem_alloc : memref<!tpu.dma_semaphore, #tpu.memory_space<semaphore_mem>>
          %dma_start3A_62 = arith.constant 0 : i32
          %dma_start3A_63 = tpu.memref_slice %arg10[%add3A_61, %dma_start3A_62] : memref<48x128xi32, #tpu.memory_space<vmem>> -> memref<1x128xi32, #tpu.memory_space<vmem>>
          %dma_start3A_64 = tpu.memref_squeeze %dma_start3A_63 : memref<1x128xi32, #tpu.memory_space<vmem>> -> memref<128xi32, #tpu.memory_space<vmem>>
          %dma_start3A_65 = arith.constant 0 : i32
          %dma_start3A_66 = arith.constant 0 : i32
          %dma_start3A_67 = tpu.memref_slice %arg13[%dma_start3A_65, %dma_start3A_66] : memref<10240x128xf32, #tpu.memory_space<vmem_shared>> -> memref<10240x128xf32, #tpu.memory_space<vmem_shared>>
          tpu.enqueue_indirect_dma source(%arg12 : memref<128x128xf32, #tpu.memory_space<vmem>>) target(%dma_start3A_67 : memref<10240x128xf32, #tpu.memory_space<vmem_shared>>) offsets(%dma_start3A_64 : memref<128xi32, #tpu.memory_space<vmem>>) semaphore(%run_scoped3A : memref<!tpu.dma_semaphore, #tpu.memory_space<semaphore_mem>>) {add = true}
          %dma_wait3A_68 = arith.constant 0 : i32
          %dma_wait3A_69 = tpu.memref_slice %arg10[%add3A_61, %dma_wait3A_68] : memref<48x128xi32, #tpu.memory_space<vmem>> -> memref<1x128xi32, #tpu.memory_space<vmem>>
          %dma_wait3A_70 = tpu.memref_squeeze %dma_wait3A_69 : memref<1x128xi32, #tpu.memory_space<vmem>> -> memref<128xi32, #tpu.memory_space<vmem>>
          %dma_wait3A_71 = arith.constant 0 : i32
          %dma_wait3A_72 = arith.constant 0 : i32
          %dma_wait3A_73 = tpu.memref_slice %arg13[%dma_wait3A_71, %dma_wait3A_72] : memref<10240x128xf32, #tpu.memory_space<vmem_shared>> -> memref<10240x128xf32, #tpu.memory_space<vmem_shared>>
          tpu.wait_indirect_dma semaphore(%run_scoped3A : memref<!tpu.dma_semaphore, #tpu.memory_space<semaphore_mem>>) src(%arg12 : memref<128x128xf32, #tpu.memory_space<vmem>>) dst(%dma_wait3A_73 : memref<10240x128xf32, #tpu.memory_space<vmem_shared>>)
          tpu.yield
        }) : () -> ()
      }
      %scan3A_29 = arith.constant 24 : i32
    } else {
    }
    %eq3A_3 = arith.constant 1 : i32
    %eq3A_4 = arith.cmpi eq, %arg0, %eq3A_3 : i32
    %convert_element_type3A_5 = arith.extui %eq3A_4 : i1 to i32
    %cond3A_6 = arith.constant 0 : i32
    %cond3A_7 = arith.cmpi ne, %convert_element_type3A_5, %cond3A_6 : i32
    scf.if %cond3A_7 {
      "tpu.region"() ({
        %run_scoped3A = tpu.sem_alloc : memref<!tpu.dma_semaphore, #tpu.memory_space<semaphore_mem>>
        %dma_start3A = arith.constant 0 : i32
        %dma_start3A_30 = arith.constant 0 : i32
        %dma_start3A_31 = tpu.memref_slice %arg2[%arg1, %dma_start3A, %dma_start3A_30] : memref<16x96x128xi32, #tpu.memory_space<hbm>> -> memref<1x48x128xi32, #tpu.memory_space<hbm>>
        %dma_start3A_32 = tpu.memref_squeeze %dma_start3A_31 : memref<1x48x128xi32, #tpu.memory_space<hbm>> -> memref<48x128xi32, #tpu.memory_space<hbm>>
        %dma_start3A_33 = arith.constant 0 : i32
        %dma_start3A_34 = arith.constant 0 : i32
        %dma_start3A_35 = tpu.memref_slice %arg2[%arg1, %dma_start3A_33, %dma_start3A_34] : memref<16x96x128xi32, #tpu.memory_space<hbm>> -> memref<1x48x128xi32, #tpu.memory_space<hbm>>
        %dma_start3A_36 = tpu.memref_squeeze %dma_start3A_35 : memref<1x48x128xi32, #tpu.memory_space<hbm>> -> memref<48x128xi32, #tpu.memory_space<hbm>>
        tpu.enqueue_dma source(%dma_start3A_36 : memref<48x128xi32, #tpu.memory_space<hbm>>) target(%arg9 : memref<48x128xi32, #tpu.memory_space<vmem>>) target_semaphore(%run_scoped3A : memref<!tpu.dma_semaphore, #tpu.memory_space<semaphore_mem>>)
        %dma_wait3A = arith.constant 0 : i32
        %dma_wait3A_37 = arith.constant 0 : i32
        %dma_wait3A_38 = tpu.memref_slice %arg2[%arg1, %dma_wait3A, %dma_wait3A_37] : memref<16x96x128xi32, #tpu.memory_space<hbm>> -> memref<1x48x128xi32, #tpu.memory_space<hbm>>
        %dma_wait3A_39 = tpu.memref_squeeze %dma_wait3A_38 : memref<1x48x128xi32, #tpu.memory_space<hbm>> -> memref<48x128xi32, #tpu.memory_space<hbm>>
        %dma_wait3A_40 = arith.constant 0 : i32
        %dma_wait3A_41 = arith.constant 0 : i32
        %dma_wait3A_42 = tpu.memref_slice %arg2[%arg1, %dma_wait3A_40, %dma_wait3A_41] : memref<16x96x128xi32, #tpu.memory_space<hbm>> -> memref<1x48x128xi32, #tpu.memory_space<hbm>>
        %dma_wait3A_43 = tpu.memref_squeeze %dma_wait3A_42 : memref<1x48x128xi32, #tpu.memory_space<hbm>> -> memref<48x128xi32, #tpu.memory_space<hbm>>
        tpu.wait_dma2 semaphore(%run_scoped3A : memref<!tpu.dma_semaphore, #tpu.memory_space<semaphore_mem>>) src(%dma_wait3A_43 : memref<48x128xi32, #tpu.memory_space<hbm>>) dst(%arg9 : memref<48x128xi32, #tpu.memory_space<vmem>>)
        tpu.yield
      }) : () -> ()
      "tpu.region"() ({
        %run_scoped3A = tpu.sem_alloc : memref<!tpu.dma_semaphore, #tpu.memory_space<semaphore_mem>>
        %dma_start3A = arith.constant 0 : i32
        %dma_start3A_30 = arith.constant 0 : i32
        %dma_start3A_31 = tpu.memref_slice %arg3[%arg1, %dma_start3A, %dma_start3A_30] : memref<16x96x128xi32, #tpu.memory_space<hbm>> -> memref<1x48x128xi32, #tpu.memory_space<hbm>>
        %dma_start3A_32 = tpu.memref_squeeze %dma_start3A_31 : memref<1x48x128xi32, #tpu.memory_space<hbm>> -> memref<48x128xi32, #tpu.memory_space<hbm>>
        %dma_start3A_33 = arith.constant 0 : i32
        %dma_start3A_34 = arith.constant 0 : i32
        %dma_start3A_35 = tpu.memref_slice %arg3[%arg1, %dma_start3A_33, %dma_start3A_34] : memref<16x96x128xi32, #tpu.memory_space<hbm>> -> memref<1x48x128xi32, #tpu.memory_space<hbm>>
        %dma_start3A_36 = tpu.memref_squeeze %dma_start3A_35 : memref<1x48x128xi32, #tpu.memory_space<hbm>> -> memref<48x128xi32, #tpu.memory_space<hbm>>
        tpu.enqueue_dma source(%dma_start3A_36 : memref<48x128xi32, #tpu.memory_space<hbm>>) target(%arg10 : memref<48x128xi32, #tpu.memory_space<vmem>>) target_semaphore(%run_scoped3A : memref<!tpu.dma_semaphore, #tpu.memory_space<semaphore_mem>>)
        %dma_wait3A = arith.constant 0 : i32
        %dma_wait3A_37 = arith.constant 0 : i32
        %dma_wait3A_38 = tpu.memref_slice %arg3[%arg1, %dma_wait3A, %dma_wait3A_37] : memref<16x96x128xi32, #tpu.memory_space<hbm>> -> memref<1x48x128xi32, #tpu.memory_space<hbm>>
        %dma_wait3A_39 = tpu.memref_squeeze %dma_wait3A_38 : memref<1x48x128xi32, #tpu.memory_space<hbm>> -> memref<48x128xi32, #tpu.memory_space<hbm>>
        %dma_wait3A_40 = arith.constant 0 : i32
        %dma_wait3A_41 = arith.constant 0 : i32
        %dma_wait3A_42 = tpu.memref_slice %arg3[%arg1, %dma_wait3A_40, %dma_wait3A_41] : memref<16x96x128xi32, #tpu.memory_space<hbm>> -> memref<1x48x128xi32, #tpu.memory_space<hbm>>
        %dma_wait3A_43 = tpu.memref_squeeze %dma_wait3A_42 : memref<1x48x128xi32, #tpu.memory_space<hbm>> -> memref<48x128xi32, #tpu.memory_space<hbm>>
        tpu.wait_dma2 semaphore(%run_scoped3A : memref<!tpu.dma_semaphore, #tpu.memory_space<semaphore_mem>>) src(%dma_wait3A_43 : memref<48x128xi32, #tpu.memory_space<hbm>>) dst(%arg10 : memref<48x128xi32, #tpu.memory_space<vmem>>)
        tpu.yield
      }) : () -> ()
      %scan3A = arith.constant 0 : i32
      %scan3A_21 = arith.constant 24 : i32
      %scan3A_22 = arith.addi %scan3A, %scan3A_21 : i32
      %scan3A_23 = arith.constant 1 : i32
      scf.for %scan3A_30 = %scan3A to %scan3A_22 step %scan3A_23  : i32 {
        %mul3A_31 = arith.constant 1 : i32
        %mul3A_32 = arith.muli %scan3A_30, %mul3A_31 : i32
        %add3A = arith.constant 0 : i32
        %add3A_33 = arith.addi %add3A, %mul3A_32 : i32
        %mul3A_34 = arith.constant 2 : i32
        %mul3A_35 = arith.muli %mul3A_34, %add3A_33 : i32
        %dma_start3A = arith.constant 0 : i32
        %dma_start3A_36 = tpu.memref_slice %arg9[%mul3A_35, %dma_start3A] : memref<48x128xi32, #tpu.memory_space<vmem>> -> memref<1x128xi32, #tpu.memory_space<vmem>>
        %dma_start3A_37 = tpu.memref_squeeze %dma_start3A_36 : memref<1x128xi32, #tpu.memory_space<vmem>> -> memref<128xi32, #tpu.memory_space<vmem>>
        %dma_start3A_38 = arith.constant 0 : i32
        %dma_start3A_39 = arith.constant 0 : i32
        %dma_start3A_40 = tpu.memref_slice %arg5[%dma_start3A_38, %dma_start3A_39] : memref<10240x128xf32, #tpu.memory_space<hbm>> -> memref<10240x128xf32, #tpu.memory_space<hbm>>
        tpu.enqueue_indirect_dma source(%dma_start3A_40 : memref<10240x128xf32, #tpu.memory_space<hbm>>) target(%arg11 : memref<128x128xf32, #tpu.memory_space<vmem>>) offsets(%dma_start3A_37 : memref<128xi32, #tpu.memory_space<vmem>>) semaphore(%arg14 : memref<!tpu.dma_semaphore, #tpu.memory_space<semaphore_mem>>)
        %add3A_41 = arith.constant 1 : i32
        %add3A_42 = arith.addi %mul3A_35, %add3A_41 : i32
        %dma_start3A_43 = arith.constant 0 : i32
        %dma_start3A_44 = tpu.memref_slice %arg9[%add3A_42, %dma_start3A_43] : memref<48x128xi32, #tpu.memory_space<vmem>> -> memref<1x128xi32, #tpu.memory_space<vmem>>
        %dma_start3A_45 = tpu.memref_squeeze %dma_start3A_44 : memref<1x128xi32, #tpu.memory_space<vmem>> -> memref<128xi32, #tpu.memory_space<vmem>>
        %dma_start3A_46 = arith.constant 0 : i32
        %dma_start3A_47 = arith.constant 0 : i32
        %dma_start3A_48 = tpu.memref_slice %arg5[%dma_start3A_46, %dma_start3A_47] : memref<10240x128xf32, #tpu.memory_space<hbm>> -> memref<10240x128xf32, #tpu.memory_space<hbm>>
        tpu.enqueue_indirect_dma source(%dma_start3A_48 : memref<10240x128xf32, #tpu.memory_space<hbm>>) target(%arg12 : memref<128x128xf32, #tpu.memory_space<vmem>>) offsets(%dma_start3A_45 : memref<128xi32, #tpu.memory_space<vmem>>) semaphore(%arg15 : memref<!tpu.dma_semaphore, #tpu.memory_space<semaphore_mem>>)
        %dma_wait3A = arith.constant 0 : i32
        %dma_wait3A_49 = tpu.memref_slice %arg9[%mul3A_35, %dma_wait3A] : memref<48x128xi32, #tpu.memory_space<vmem>> -> memref<1x128xi32, #tpu.memory_space<vmem>>
        %dma_wait3A_50 = tpu.memref_squeeze %dma_wait3A_49 : memref<1x128xi32, #tpu.memory_space<vmem>> -> memref<128xi32, #tpu.memory_space<vmem>>
        %dma_wait3A_51 = arith.constant 0 : i32
        %dma_wait3A_52 = arith.constant 0 : i32
        %dma_wait3A_53 = tpu.memref_slice %arg5[%dma_wait3A_51, %dma_wait3A_52] : memref<10240x128xf32, #tpu.memory_space<hbm>> -> memref<10240x128xf32, #tpu.memory_space<hbm>>
        tpu.wait_indirect_dma semaphore(%arg14 : memref<!tpu.dma_semaphore, #tpu.memory_space<semaphore_mem>>) src(%dma_wait3A_53 : memref<10240x128xf32, #tpu.memory_space<hbm>>) dst(%arg11 : memref<128x128xf32, #tpu.memory_space<vmem>>)
        "tpu.region"() ({
          %run_scoped3A = tpu.sem_alloc : memref<!tpu.dma_semaphore, #tpu.memory_space<semaphore_mem>>
          %dma_start3A_62 = arith.constant 0 : i32
          %dma_start3A_63 = tpu.memref_slice %arg10[%mul3A_35, %dma_start3A_62] : memref<48x128xi32, #tpu.memory_space<vmem>> -> memref<1x128xi32, #tpu.memory_space<vmem>>
          %dma_start3A_64 = tpu.memref_squeeze %dma_start3A_63 : memref<1x128xi32, #tpu.memory_space<vmem>> -> memref<128xi32, #tpu.memory_space<vmem>>
          %dma_start3A_65 = arith.constant 0 : i32
          %dma_start3A_66 = arith.constant 0 : i32
          %dma_start3A_67 = tpu.memref_slice %arg13[%dma_start3A_65, %dma_start3A_66] : memref<10240x128xf32, #tpu.memory_space<vmem_shared>> -> memref<10240x128xf32, #tpu.memory_space<vmem_shared>>
          tpu.enqueue_indirect_dma source(%arg11 : memref<128x128xf32, #tpu.memory_space<vmem>>) target(%dma_start3A_67 : memref<10240x128xf32, #tpu.memory_space<vmem_shared>>) offsets(%dma_start3A_64 : memref<128xi32, #tpu.memory_space<vmem>>) semaphore(%run_scoped3A : memref<!tpu.dma_semaphore, #tpu.memory_space<semaphore_mem>>) {add = true}
          %dma_wait3A_68 = arith.constant 0 : i32
          %dma_wait3A_69 = tpu.memref_slice %arg10[%mul3A_35, %dma_wait3A_68] : memref<48x128xi32, #tpu.memory_space<vmem>> -> memref<1x128xi32, #tpu.memory_space<vmem>>
          %dma_wait3A_70 = tpu.memref_squeeze %dma_wait3A_69 : memref<1x128xi32, #tpu.memory_space<vmem>> -> memref<128xi32, #tpu.memory_space<vmem>>
          %dma_wait3A_71 = arith.constant 0 : i32
          %dma_wait3A_72 = arith.constant 0 : i32
          %dma_wait3A_73 = tpu.memref_slice %arg13[%dma_wait3A_71, %dma_wait3A_72] : memref<10240x128xf32, #tpu.memory_space<vmem_shared>> -> memref<10240x128xf32, #tpu.memory_space<vmem_shared>>
          tpu.wait_indirect_dma semaphore(%run_scoped3A : memref<!tpu.dma_semaphore, #tpu.memory_space<semaphore_mem>>) src(%arg11 : memref<128x128xf32, #tpu.memory_space<vmem>>) dst(%dma_wait3A_73 : memref<10240x128xf32, #tpu.memory_space<vmem_shared>>)
          tpu.yield
        }) : () -> ()
        %dma_wait3A_54 = arith.constant 0 : i32
        %dma_wait3A_55 = tpu.memref_slice %arg9[%add3A_42, %dma_wait3A_54] : memref<48x128xi32, #tpu.memory_space<vmem>> -> memref<1x128xi32, #tpu.memory_space<vmem>>
        %dma_wait3A_56 = tpu.memref_squeeze %dma_wait3A_55 : memref<1x128xi32, #tpu.memory_space<vmem>> -> memref<128xi32, #tpu.memory_space<vmem>>
        %dma_wait3A_57 = arith.constant 0 : i32
        %dma_wait3A_58 = arith.constant 0 : i32
        %dma_wait3A_59 = tpu.memref_slice %arg5[%dma_wait3A_57, %dma_wait3A_58] : memref<10240x128xf32, #tpu.memory_space<hbm>> -> memref<10240x128xf32, #tpu.memory_space<hbm>>
        tpu.wait_indirect_dma semaphore(%arg15 : memref<!tpu.dma_semaphore, #tpu.memory_space<semaphore_mem>>) src(%dma_wait3A_59 : memref<10240x128xf32, #tpu.memory_space<hbm>>) dst(%arg12 : memref<128x128xf32, #tpu.memory_space<vmem>>)
        %add3A_60 = arith.constant 1 : i32
        %add3A_61 = arith.addi %mul3A_35, %add3A_60 : i32
        "tpu.region"() ({
          %run_scoped3A = tpu.sem_alloc : memref<!tpu.dma_semaphore, #tpu.memory_space<semaphore_mem>>
          %dma_start3A_62 = arith.constant 0 : i32
          %dma_start3A_63 = tpu.memref_slice %arg10[%add3A_61, %dma_start3A_62] : memref<48x128xi32, #tpu.memory_space<vmem>> -> memref<1x128xi32, #tpu.memory_space<vmem>>
          %dma_start3A_64 = tpu.memref_squeeze %dma_start3A_63 : memref<1x128xi32, #tpu.memory_space<vmem>> -> memref<128xi32, #tpu.memory_space<vmem>>
          %dma_start3A_65 = arith.constant 0 : i32
          %dma_start3A_66 = arith.constant 0 : i32
          %dma_start3A_67 = tpu.memref_slice %arg13[%dma_start3A_65, %dma_start3A_66] : memref<10240x128xf32, #tpu.memory_space<vmem_shared>> -> memref<10240x128xf32, #tpu.memory_space<vmem_shared>>
          tpu.enqueue_indirect_dma source(%arg12 : memref<128x128xf32, #tpu.memory_space<vmem>>) target(%dma_start3A_67 : memref<10240x128xf32, #tpu.memory_space<vmem_shared>>) offsets(%dma_start3A_64 : memref<128xi32, #tpu.memory_space<vmem>>) semaphore(%run_scoped3A : memref<!tpu.dma_semaphore, #tpu.memory_space<semaphore_mem>>) {add = true}
          %dma_wait3A_68 = arith.constant 0 : i32
          %dma_wait3A_69 = tpu.memref_slice %arg10[%add3A_61, %dma_wait3A_68] : memref<48x128xi32, #tpu.memory_space<vmem>> -> memref<1x128xi32, #tpu.memory_space<vmem>>
          %dma_wait3A_70 = tpu.memref_squeeze %dma_wait3A_69 : memref<1x128xi32, #tpu.memory_space<vmem>> -> memref<128xi32, #tpu.memory_space<vmem>>
          %dma_wait3A_71 = arith.constant 0 : i32
          %dma_wait3A_72 = arith.constant 0 : i32
          %dma_wait3A_73 = tpu.memref_slice %arg13[%dma_wait3A_71, %dma_wait3A_72] : memref<10240x128xf32, #tpu.memory_space<vmem_shared>> -> memref<10240x128xf32, #tpu.memory_space<vmem_shared>>
          tpu.wait_indirect_dma semaphore(%run_scoped3A : memref<!tpu.dma_semaphore, #tpu.memory_space<semaphore_mem>>) src(%arg12 : memref<128x128xf32, #tpu.memory_space<vmem>>) dst(%dma_wait3A_73 : memref<10240x128xf32, #tpu.memory_space<vmem_shared>>)
          tpu.yield
        }) : () -> ()
      }
      %scan3A_24 = arith.constant 24 : i32
      "tpu.region"() ({
        %run_scoped3A = tpu.sem_alloc : memref<!tpu.dma_semaphore, #tpu.memory_space<semaphore_mem>>
        %dma_start3A = arith.constant 48 : i32
        %dma_start3A_30 = arith.constant 0 : i32
        %dma_start3A_31 = tpu.memref_slice %arg2[%arg1, %dma_start3A, %dma_start3A_30] : memref<16x96x128xi32, #tpu.memory_space<hbm>> -> memref<1x48x128xi32, #tpu.memory_space<hbm>>
        %dma_start3A_32 = tpu.memref_squeeze %dma_start3A_31 : memref<1x48x128xi32, #tpu.memory_space<hbm>> -> memref<48x128xi32, #tpu.memory_space<hbm>>
        %dma_start3A_33 = arith.constant 48 : i32
        %dma_start3A_34 = arith.constant 0 : i32
        %dma_start3A_35 = tpu.memref_slice %arg2[%arg1, %dma_start3A_33, %dma_start3A_34] : memref<16x96x128xi32, #tpu.memory_space<hbm>> -> memref<1x48x128xi32, #tpu.memory_space<hbm>>
        %dma_start3A_36 = tpu.memref_squeeze %dma_start3A_35 : memref<1x48x128xi32, #tpu.memory_space<hbm>> -> memref<48x128xi32, #tpu.memory_space<hbm>>
        tpu.enqueue_dma source(%dma_start3A_36 : memref<48x128xi32, #tpu.memory_space<hbm>>) target(%arg9 : memref<48x128xi32, #tpu.memory_space<vmem>>) target_semaphore(%run_scoped3A : memref<!tpu.dma_semaphore, #tpu.memory_space<semaphore_mem>>)
        %dma_wait3A = arith.constant 48 : i32
        %dma_wait3A_37 = arith.constant 0 : i32
        %dma_wait3A_38 = tpu.memref_slice %arg2[%arg1, %dma_wait3A, %dma_wait3A_37] : memref<16x96x128xi32, #tpu.memory_space<hbm>> -> memref<1x48x128xi32, #tpu.memory_space<hbm>>
        %dma_wait3A_39 = tpu.memref_squeeze %dma_wait3A_38 : memref<1x48x128xi32, #tpu.memory_space<hbm>> -> memref<48x128xi32, #tpu.memory_space<hbm>>
        %dma_wait3A_40 = arith.constant 48 : i32
        %dma_wait3A_41 = arith.constant 0 : i32
        %dma_wait3A_42 = tpu.memref_slice %arg2[%arg1, %dma_wait3A_40, %dma_wait3A_41] : memref<16x96x128xi32, #tpu.memory_space<hbm>> -> memref<1x48x128xi32, #tpu.memory_space<hbm>>
        %dma_wait3A_43 = tpu.memref_squeeze %dma_wait3A_42 : memref<1x48x128xi32, #tpu.memory_space<hbm>> -> memref<48x128xi32, #tpu.memory_space<hbm>>
        tpu.wait_dma2 semaphore(%run_scoped3A : memref<!tpu.dma_semaphore, #tpu.memory_space<semaphore_mem>>) src(%dma_wait3A_43 : memref<48x128xi32, #tpu.memory_space<hbm>>) dst(%arg9 : memref<48x128xi32, #tpu.memory_space<vmem>>)
        tpu.yield
      }) : () -> ()
      "tpu.region"() ({
        %run_scoped3A = tpu.sem_alloc : memref<!tpu.dma_semaphore, #tpu.memory_space<semaphore_mem>>
        %dma_start3A = arith.constant 48 : i32
        %dma_start3A_30 = arith.constant 0 : i32
        %dma_start3A_31 = tpu.memref_slice %arg3[%arg1, %dma_start3A, %dma_start3A_30] : memref<16x96x128xi32, #tpu.memory_space<hbm>> -> memref<1x48x128xi32, #tpu.memory_space<hbm>>
        %dma_start3A_32 = tpu.memref_squeeze %dma_start3A_31 : memref<1x48x128xi32, #tpu.memory_space<hbm>> -> memref<48x128xi32, #tpu.memory_space<hbm>>
        %dma_start3A_33 = arith.constant 48 : i32
        %dma_start3A_34 = arith.constant 0 : i32
        %dma_start3A_35 = tpu.memref_slice %arg3[%arg1, %dma_start3A_33, %dma_start3A_34] : memref<16x96x128xi32, #tpu.memory_space<hbm>> -> memref<1x48x128xi32, #tpu.memory_space<hbm>>
        %dma_start3A_36 = tpu.memref_squeeze %dma_start3A_35 : memref<1x48x128xi32, #tpu.memory_space<hbm>> -> memref<48x128xi32, #tpu.memory_space<hbm>>
        tpu.enqueue_dma source(%dma_start3A_36 : memref<48x128xi32, #tpu.memory_space<hbm>>) target(%arg10 : memref<48x128xi32, #tpu.memory_space<vmem>>) target_semaphore(%run_scoped3A : memref<!tpu.dma_semaphore, #tpu.memory_space<semaphore_mem>>)
        %dma_wait3A = arith.constant 48 : i32
        %dma_wait3A_37 = arith.constant 0 : i32
        %dma_wait3A_38 = tpu.memref_slice %arg3[%arg1, %dma_wait3A, %dma_wait3A_37] : memref<16x96x128xi32, #tpu.memory_space<hbm>> -> memref<1x48x128xi32, #tpu.memory_space<hbm>>
        %dma_wait3A_39 = tpu.memref_squeeze %dma_wait3A_38 : memref<1x48x128xi32, #tpu.memory_space<hbm>> -> memref<48x128xi32, #tpu.memory_space<hbm>>
        %dma_wait3A_40 = arith.constant 48 : i32
        %dma_wait3A_41 = arith.constant 0 : i32
        %dma_wait3A_42 = tpu.memref_slice %arg3[%arg1, %dma_wait3A_40, %dma_wait3A_41] : memref<16x96x128xi32, #tpu.memory_space<hbm>> -> memref<1x48x128xi32, #tpu.memory_space<hbm>>
        %dma_wait3A_43 = tpu.memref_squeeze %dma_wait3A_42 : memref<1x48x128xi32, #tpu.memory_space<hbm>> -> memref<48x128xi32, #tpu.memory_space<hbm>>
        tpu.wait_dma2 semaphore(%run_scoped3A : memref<!tpu.dma_semaphore, #tpu.memory_space<semaphore_mem>>) src(%dma_wait3A_43 : memref<48x128xi32, #tpu.memory_space<hbm>>) dst(%arg10 : memref<48x128xi32, #tpu.memory_space<vmem>>)
        tpu.yield
      }) : () -> ()
      %scan3A_25 = arith.constant 0 : i32
      %scan3A_26 = arith.constant 24 : i32
      %scan3A_27 = arith.addi %scan3A_25, %scan3A_26 : i32
      %scan3A_28 = arith.constant 1 : i32
      scf.for %scan3A_30 = %scan3A_25 to %scan3A_27 step %scan3A_28  : i32 {
        %mul3A_31 = arith.constant 1 : i32
        %mul3A_32 = arith.muli %scan3A_30, %mul3A_31 : i32
        %add3A = arith.constant 0 : i32
        %add3A_33 = arith.addi %add3A, %mul3A_32 : i32
        %mul3A_34 = arith.constant 2 : i32
        %mul3A_35 = arith.muli %mul3A_34, %add3A_33 : i32
        %dma_start3A = arith.constant 0 : i32
        %dma_start3A_36 = tpu.memref_slice %arg9[%mul3A_35, %dma_start3A] : memref<48x128xi32, #tpu.memory_space<vmem>> -> memref<1x128xi32, #tpu.memory_space<vmem>>
        %dma_start3A_37 = tpu.memref_squeeze %dma_start3A_36 : memref<1x128xi32, #tpu.memory_space<vmem>> -> memref<128xi32, #tpu.memory_space<vmem>>
        %dma_start3A_38 = arith.constant 0 : i32
        %dma_start3A_39 = arith.constant 0 : i32
        %dma_start3A_40 = tpu.memref_slice %arg5[%dma_start3A_38, %dma_start3A_39] : memref<10240x128xf32, #tpu.memory_space<hbm>> -> memref<10240x128xf32, #tpu.memory_space<hbm>>
        tpu.enqueue_indirect_dma source(%dma_start3A_40 : memref<10240x128xf32, #tpu.memory_space<hbm>>) target(%arg11 : memref<128x128xf32, #tpu.memory_space<vmem>>) offsets(%dma_start3A_37 : memref<128xi32, #tpu.memory_space<vmem>>) semaphore(%arg14 : memref<!tpu.dma_semaphore, #tpu.memory_space<semaphore_mem>>)
        %add3A_41 = arith.constant 1 : i32
        %add3A_42 = arith.addi %mul3A_35, %add3A_41 : i32
        %dma_start3A_43 = arith.constant 0 : i32
        %dma_start3A_44 = tpu.memref_slice %arg9[%add3A_42, %dma_start3A_43] : memref<48x128xi32, #tpu.memory_space<vmem>> -> memref<1x128xi32, #tpu.memory_space<vmem>>
        %dma_start3A_45 = tpu.memref_squeeze %dma_start3A_44 : memref<1x128xi32, #tpu.memory_space<vmem>> -> memref<128xi32, #tpu.memory_space<vmem>>
        %dma_start3A_46 = arith.constant 0 : i32
        %dma_start3A_47 = arith.constant 0 : i32
        %dma_start3A_48 = tpu.memref_slice %arg5[%dma_start3A_46, %dma_start3A_47] : memref<10240x128xf32, #tpu.memory_space<hbm>> -> memref<10240x128xf32, #tpu.memory_space<hbm>>
        tpu.enqueue_indirect_dma source(%dma_start3A_48 : memref<10240x128xf32, #tpu.memory_space<hbm>>) target(%arg12 : memref<128x128xf32, #tpu.memory_space<vmem>>) offsets(%dma_start3A_45 : memref<128xi32, #tpu.memory_space<vmem>>) semaphore(%arg15 : memref<!tpu.dma_semaphore, #tpu.memory_space<semaphore_mem>>)
        %dma_wait3A = arith.constant 0 : i32
        %dma_wait3A_49 = tpu.memref_slice %arg9[%mul3A_35, %dma_wait3A] : memref<48x128xi32, #tpu.memory_space<vmem>> -> memref<1x128xi32, #tpu.memory_space<vmem>>
        %dma_wait3A_50 = tpu.memref_squeeze %dma_wait3A_49 : memref<1x128xi32, #tpu.memory_space<vmem>> -> memref<128xi32, #tpu.memory_space<vmem>>
        %dma_wait3A_51 = arith.constant 0 : i32
        %dma_wait3A_52 = arith.constant 0 : i32
        %dma_wait3A_53 = tpu.memref_slice %arg5[%dma_wait3A_51, %dma_wait3A_52] : memref<10240x128xf32, #tpu.memory_space<hbm>> -> memref<10240x128xf32, #tpu.memory_space<hbm>>
        tpu.wait_indirect_dma semaphore(%arg14 : memref<!tpu.dma_semaphore, #tpu.memory_space<semaphore_mem>>) src(%dma_wait3A_53 : memref<10240x128xf32, #tpu.memory_space<hbm>>) dst(%arg11 : memref<128x128xf32, #tpu.memory_space<vmem>>)
        "tpu.region"() ({
          %run_scoped3A = tpu.sem_alloc : memref<!tpu.dma_semaphore, #tpu.memory_space<semaphore_mem>>
          %dma_start3A_62 = arith.constant 0 : i32
          %dma_start3A_63 = tpu.memref_slice %arg10[%mul3A_35, %dma_start3A_62] : memref<48x128xi32, #tpu.memory_space<vmem>> -> memref<1x128xi32, #tpu.memory_space<vmem>>
          %dma_start3A_64 = tpu.memref_squeeze %dma_start3A_63 : memref<1x128xi32, #tpu.memory_space<vmem>> -> memref<128xi32, #tpu.memory_space<vmem>>
          %dma_start3A_65 = arith.constant 0 : i32
          %dma_start3A_66 = arith.constant 0 : i32
          %dma_start3A_67 = tpu.memref_slice %arg13[%dma_start3A_65, %dma_start3A_66] : memref<10240x128xf32, #tpu.memory_space<vmem_shared>> -> memref<10240x128xf32, #tpu.memory_space<vmem_shared>>
          tpu.enqueue_indirect_dma source(%arg11 : memref<128x128xf32, #tpu.memory_space<vmem>>) target(%dma_start3A_67 : memref<10240x128xf32, #tpu.memory_space<vmem_shared>>) offsets(%dma_start3A_64 : memref<128xi32, #tpu.memory_space<vmem>>) semaphore(%run_scoped3A : memref<!tpu.dma_semaphore, #tpu.memory_space<semaphore_mem>>) {add = true}
          %dma_wait3A_68 = arith.constant 0 : i32
          %dma_wait3A_69 = tpu.memref_slice %arg10[%mul3A_35, %dma_wait3A_68] : memref<48x128xi32, #tpu.memory_space<vmem>> -> memref<1x128xi32, #tpu.memory_space<vmem>>
          %dma_wait3A_70 = tpu.memref_squeeze %dma_wait3A_69 : memref<1x128xi32, #tpu.memory_space<vmem>> -> memref<128xi32, #tpu.memory_space<vmem>>
          %dma_wait3A_71 = arith.constant 0 : i32
          %dma_wait3A_72 = arith.constant 0 : i32
          %dma_wait3A_73 = tpu.memref_slice %arg13[%dma_wait3A_71, %dma_wait3A_72] : memref<10240x128xf32, #tpu.memory_space<vmem_shared>> -> memref<10240x128xf32, #tpu.memory_space<vmem_shared>>
          tpu.wait_indirect_dma semaphore(%run_scoped3A : memref<!tpu.dma_semaphore, #tpu.memory_space<semaphore_mem>>) src(%arg11 : memref<128x128xf32, #tpu.memory_space<vmem>>) dst(%dma_wait3A_73 : memref<10240x128xf32, #tpu.memory_space<vmem_shared>>)
          tpu.yield
        }) : () -> ()
        %dma_wait3A_54 = arith.constant 0 : i32
        %dma_wait3A_55 = tpu.memref_slice %arg9[%add3A_42, %dma_wait3A_54] : memref<48x128xi32, #tpu.memory_space<vmem>> -> memref<1x128xi32, #tpu.memory_space<vmem>>
        %dma_wait3A_56 = tpu.memref_squeeze %dma_wait3A_55 : memref<1x128xi32, #tpu.memory_space<vmem>> -> memref<128xi32, #tpu.memory_space<vmem>>
        %dma_wait3A_57 = arith.constant 0 : i32
        %dma_wait3A_58 = arith.constant 0 : i32
        %dma_wait3A_59 = tpu.memref_slice %arg5[%dma_wait3A_57, %dma_wait3A_58] : memref<10240x128xf32, #tpu.memory_space<hbm>> -> memref<10240x128xf32, #tpu.memory_space<hbm>>
        tpu.wait_indirect_dma semaphore(%arg15 : memref<!tpu.dma_semaphore, #tpu.memory_space<semaphore_mem>>) src(%dma_wait3A_59 : memref<10240x128xf32, #tpu.memory_space<hbm>>) dst(%arg12 : memref<128x128xf32, #tpu.memory_space<vmem>>)
        %add3A_60 = arith.constant 1 : i32
        %add3A_61 = arith.addi %mul3A_35, %add3A_60 : i32
        "tpu.region"() ({
          %run_scoped3A = tpu.sem_alloc : memref<!tpu.dma_semaphore, #tpu.memory_space<semaphore_mem>>
          %dma_start3A_62 = arith.constant 0 : i32
          %dma_start3A_63 = tpu.memref_slice %arg10[%add3A_61, %dma_start3A_62] : memref<48x128xi32, #tpu.memory_space<vmem>> -> memref<1x128xi32, #tpu.memory_space<vmem>>
          %dma_start3A_64 = tpu.memref_squeeze %dma_start3A_63 : memref<1x128xi32, #tpu.memory_space<vmem>> -> memref<128xi32, #tpu.memory_space<vmem>>
          %dma_start3A_65 = arith.constant 0 : i32
          %dma_start3A_66 = arith.constant 0 : i32
          %dma_start3A_67 = tpu.memref_slice %arg13[%dma_start3A_65, %dma_start3A_66] : memref<10240x128xf32, #tpu.memory_space<vmem_shared>> -> memref<10240x128xf32, #tpu.memory_space<vmem_shared>>
          tpu.enqueue_indirect_dma source(%arg12 : memref<128x128xf32, #tpu.memory_space<vmem>>) target(%dma_start3A_67 : memref<10240x128xf32, #tpu.memory_space<vmem_shared>>) offsets(%dma_start3A_64 : memref<128xi32, #tpu.memory_space<vmem>>) semaphore(%run_scoped3A : memref<!tpu.dma_semaphore, #tpu.memory_space<semaphore_mem>>) {add = true}
          %dma_wait3A_68 = arith.constant 0 : i32
          %dma_wait3A_69 = tpu.memref_slice %arg10[%add3A_61, %dma_wait3A_68] : memref<48x128xi32, #tpu.memory_space<vmem>> -> memref<1x128xi32, #tpu.memory_space<vmem>>
          %dma_wait3A_70 = tpu.memref_squeeze %dma_wait3A_69 : memref<1x128xi32, #tpu.memory_space<vmem>> -> memref<128xi32, #tpu.memory_space<vmem>>
          %dma_wait3A_71 = arith.constant 0 : i32
          %dma_wait3A_72 = arith.constant 0 : i32
          %dma_wait3A_73 = tpu.memref_slice %arg13[%dma_wait3A_71, %dma_wait3A_72] : memref<10240x128xf32, #tpu.memory_space<vmem_shared>> -> memref<10240x128xf32, #tpu.memory_space<vmem_shared>>
          tpu.wait_indirect_dma semaphore(%run_scoped3A : memref<!tpu.dma_semaphore, #tpu.memory_space<semaphore_mem>>) src(%arg12 : memref<128x128xf32, #tpu.memory_space<vmem>>) dst(%dma_wait3A_73 : memref<10240x128xf32, #tpu.memory_space<vmem_shared>>)
          tpu.yield
        }) : () -> ()
      }
      %scan3A_29 = arith.constant 24 : i32
    } else {
    }
    %barrier3A_8 = arith.constant 0 : index
    tpu.barrier barrier_id(%barrier3A_8)
    %mul3A_9 = arith.constant 640 : i32
    %mul3A_10 = arith.muli %arg1, %mul3A_9 : i32
    %eq3A_11 = arith.constant 0 : i32
    %eq3A_12 = arith.cmpi eq, %arg0, %eq3A_11 : i32
    %convert_element_type3A_13 = arith.extui %eq3A_12 : i1 to i32
    %cond3A_14 = arith.constant 0 : i32
    %cond3A_15 = arith.cmpi ne, %convert_element_type3A_13, %cond3A_14 : i32
    scf.if %cond3A_15 {
      "tpu.region"() ({
        %run_scoped3A = tpu.sem_alloc : memref<!tpu.dma_semaphore, #tpu.memory_space<semaphore_mem>>
        %dma_start3A = arith.constant 0 : i32
        %dma_start3A_21 = tpu.memref_slice %arg7[%mul3A_10, %dma_start3A] : memref<10240x128xf32, #tpu.memory_space<hbm>> -> memref<640x128xf32, #tpu.memory_space<hbm>>
        %dma_start3A_22 = arith.constant 0 : i32
        %dma_start3A_23 = tpu.memref_slice %arg13[%mul3A_10, %dma_start3A_22] : memref<10240x128xf32, #tpu.memory_space<vmem_shared>> -> memref<640x128xf32, #tpu.memory_space<vmem_shared>>
        tpu.enqueue_dma source(%dma_start3A_23 : memref<640x128xf32, #tpu.memory_space<vmem_shared>>) target(%dma_start3A_21 : memref<640x128xf32, #tpu.memory_space<hbm>>) target_semaphore(%run_scoped3A : memref<!tpu.dma_semaphore, #tpu.memory_space<semaphore_mem>>)
        %dma_wait3A = arith.constant 0 : i32
        %dma_wait3A_24 = tpu.memref_slice %arg7[%mul3A_10, %dma_wait3A] : memref<10240x128xf32, #tpu.memory_space<hbm>> -> memref<640x128xf32, #tpu.memory_space<hbm>>
        %dma_wait3A_25 = arith.constant 0 : i32
        %dma_wait3A_26 = tpu.memref_slice %arg13[%mul3A_10, %dma_wait3A_25] : memref<10240x128xf32, #tpu.memory_space<vmem_shared>> -> memref<640x128xf32, #tpu.memory_space<vmem_shared>>
        tpu.wait_dma2 semaphore(%run_scoped3A : memref<!tpu.dma_semaphore, #tpu.memory_space<semaphore_mem>>) src(%dma_wait3A_26 : memref<640x128xf32, #tpu.memory_space<vmem_shared>>) dst(%dma_wait3A_24 : memref<640x128xf32, #tpu.memory_space<hbm>>)
        tpu.yield
      }) : () -> ()
    } else {
    }
    %eq3A_16 = arith.constant 1 : i32
    %eq3A_17 = arith.cmpi eq, %arg0, %eq3A_16 : i32
    %convert_element_type3A_18 = arith.extui %eq3A_17 : i1 to i32
    %cond3A_19 = arith.constant 0 : i32
    %cond3A_20 = arith.cmpi ne, %convert_element_type3A_18, %cond3A_19 : i32
    scf.if %cond3A_20 {
      "tpu.region"() ({
        %run_scoped3A = tpu.sem_alloc : memref<!tpu.dma_semaphore, #tpu.memory_space<semaphore_mem>>
        %dma_start3A = arith.constant 0 : i32
        %dma_start3A_21 = tpu.memref_slice %arg8[%mul3A_10, %dma_start3A] : memref<10240x128xf32, #tpu.memory_space<hbm>> -> memref<640x128xf32, #tpu.memory_space<hbm>>
        %dma_start3A_22 = arith.constant 0 : i32
        %dma_start3A_23 = tpu.memref_slice %arg13[%mul3A_10, %dma_start3A_22] : memref<10240x128xf32, #tpu.memory_space<vmem_shared>> -> memref<640x128xf32, #tpu.memory_space<vmem_shared>>
        tpu.enqueue_dma source(%dma_start3A_23 : memref<640x128xf32, #tpu.memory_space<vmem_shared>>) target(%dma_start3A_21 : memref<640x128xf32, #tpu.memory_space<hbm>>) target_semaphore(%run_scoped3A : memref<!tpu.dma_semaphore, #tpu.memory_space<semaphore_mem>>)
        %dma_wait3A = arith.constant 0 : i32
        %dma_wait3A_24 = tpu.memref_slice %arg8[%mul3A_10, %dma_wait3A] : memref<10240x128xf32, #tpu.memory_space<hbm>> -> memref<640x128xf32, #tpu.memory_space<hbm>>
        %dma_wait3A_25 = arith.constant 0 : i32
        %dma_wait3A_26 = tpu.memref_slice %arg13[%mul3A_10, %dma_wait3A_25] : memref<10240x128xf32, #tpu.memory_space<vmem_shared>> -> memref<640x128xf32, #tpu.memory_space<vmem_shared>>
        tpu.wait_dma2 semaphore(%run_scoped3A : memref<!tpu.dma_semaphore, #tpu.memory_space<semaphore_mem>>) src(%dma_wait3A_26 : memref<640x128xf32, #tpu.memory_space<vmem_shared>>) dst(%dma_wait3A_24 : memref<640x128xf32, #tpu.memory_space<hbm>>)
        tpu.yield
      }) : () -> ()
    } else {
    }
    return
  }
}

#map = affine_map<(d0, d1) -> (0, 0, 0)>
#map1 = affine_map<(d0, d1) -> (0, 0)>
module attributes {stable_mosaic.version = 14 : i64} {
  func.func @deg_kernel(%arg0: i32, %arg1: i32, %arg2: memref<16x84x128xi32, #tpu.memory_space<hbm>>, %arg3: memref<640x128xf32, #tpu.memory_space<hbm>>, %arg4: memref<128x128xf32, #tpu.memory_space<hbm>>, %arg5: memref<2x10240x128xf32, #tpu.memory_space<hbm>>, %arg6: memref<84x128xi32, #tpu.memory_space<vmem>>, %arg7: memref<128x128xf32, #tpu.memory_space<vmem>>, %arg8: memref<10240x128xf32, #tpu.memory_space<vmem_shared>>) attributes {dimension_semantics = [#tpu.dimension_semantics<core_parallel>, #tpu.dimension_semantics<subcore_parallel>], iteration_bounds = array<i64: 2, 16>, scalar_prefetch = 0 : i64, scratch_operands = 3 : i64, tpu.core_type = #tpu.core_type<sc_vector_subcore>, window_params = [{transform_indices = #map}, {transform_indices = #map1}, {transform_indices = #map1}, {transform_indices = #map}]} {
    %mul3A = arith.constant 640 : i32
    %mul3A_0 = arith.muli %arg1, %mul3A : i32
    "tpu.region"() ({
      %run_scoped3A = tpu.sem_alloc : memref<!tpu.dma_semaphore, #tpu.memory_space<semaphore_mem>>
      %dma_start3A = arith.constant 0 : i32
      %dma_start3A_10 = tpu.memref_slice %arg8[%mul3A_0, %dma_start3A] : memref<10240x128xf32, #tpu.memory_space<vmem_shared>> -> memref<640x128xf32, #tpu.memory_space<vmem_shared>>
      tpu.enqueue_dma source(%arg3 : memref<640x128xf32, #tpu.memory_space<hbm>>) target(%dma_start3A_10 : memref<640x128xf32, #tpu.memory_space<vmem_shared>>) target_semaphore(%run_scoped3A : memref<!tpu.dma_semaphore, #tpu.memory_space<semaphore_mem>>)
      %dma_wait3A = arith.constant 0 : i32
      %dma_wait3A_11 = tpu.memref_slice %arg8[%mul3A_0, %dma_wait3A] : memref<10240x128xf32, #tpu.memory_space<vmem_shared>> -> memref<640x128xf32, #tpu.memory_space<vmem_shared>>
      tpu.wait_dma2 semaphore(%run_scoped3A : memref<!tpu.dma_semaphore, #tpu.memory_space<semaphore_mem>>) src(%arg3 : memref<640x128xf32, #tpu.memory_space<hbm>>) dst(%dma_wait3A_11 : memref<640x128xf32, #tpu.memory_space<vmem_shared>>)
      tpu.yield
    }) : () -> ()
    "tpu.region"() ({
      %run_scoped3A = tpu.sem_alloc : memref<!tpu.dma_semaphore, #tpu.memory_space<semaphore_mem>>
      tpu.enqueue_dma source(%arg4 : memref<128x128xf32, #tpu.memory_space<hbm>>) target(%arg7 : memref<128x128xf32, #tpu.memory_space<vmem>>) target_semaphore(%run_scoped3A : memref<!tpu.dma_semaphore, #tpu.memory_space<semaphore_mem>>)
      tpu.wait_dma2 semaphore(%run_scoped3A : memref<!tpu.dma_semaphore, #tpu.memory_space<semaphore_mem>>) src(%arg4 : memref<128x128xf32, #tpu.memory_space<hbm>>) dst(%arg7 : memref<128x128xf32, #tpu.memory_space<vmem>>)
      tpu.yield
    }) : () -> ()
    "tpu.region"() ({
      %run_scoped3A = tpu.sem_alloc : memref<!tpu.dma_semaphore, #tpu.memory_space<semaphore_mem>>
      %dma_start3A = arith.constant 0 : i32
      %dma_start3A_10 = arith.constant 0 : i32
      %dma_start3A_11 = tpu.memref_slice %arg2[%arg1, %dma_start3A, %dma_start3A_10] : memref<16x84x128xi32, #tpu.memory_space<hbm>> -> memref<1x84x128xi32, #tpu.memory_space<hbm>>
      %dma_start3A_12 = tpu.memref_squeeze %dma_start3A_11 : memref<1x84x128xi32, #tpu.memory_space<hbm>> -> memref<84x128xi32, #tpu.memory_space<hbm>>
      %dma_start3A_13 = arith.constant 0 : i32
      %dma_start3A_14 = arith.constant 0 : i32
      %dma_start3A_15 = tpu.memref_slice %arg2[%arg1, %dma_start3A_13, %dma_start3A_14] : memref<16x84x128xi32, #tpu.memory_space<hbm>> -> memref<1x84x128xi32, #tpu.memory_space<hbm>>
      %dma_start3A_16 = tpu.memref_squeeze %dma_start3A_15 : memref<1x84x128xi32, #tpu.memory_space<hbm>> -> memref<84x128xi32, #tpu.memory_space<hbm>>
      tpu.enqueue_dma source(%dma_start3A_16 : memref<84x128xi32, #tpu.memory_space<hbm>>) target(%arg6 : memref<84x128xi32, #tpu.memory_space<vmem>>) target_semaphore(%run_scoped3A : memref<!tpu.dma_semaphore, #tpu.memory_space<semaphore_mem>>)
      %dma_wait3A = arith.constant 0 : i32
      %dma_wait3A_17 = arith.constant 0 : i32
      %dma_wait3A_18 = tpu.memref_slice %arg2[%arg1, %dma_wait3A, %dma_wait3A_17] : memref<16x84x128xi32, #tpu.memory_space<hbm>> -> memref<1x84x128xi32, #tpu.memory_space<hbm>>
      %dma_wait3A_19 = tpu.memref_squeeze %dma_wait3A_18 : memref<1x84x128xi32, #tpu.memory_space<hbm>> -> memref<84x128xi32, #tpu.memory_space<hbm>>
      %dma_wait3A_20 = arith.constant 0 : i32
      %dma_wait3A_21 = arith.constant 0 : i32
      %dma_wait3A_22 = tpu.memref_slice %arg2[%arg1, %dma_wait3A_20, %dma_wait3A_21] : memref<16x84x128xi32, #tpu.memory_space<hbm>> -> memref<1x84x128xi32, #tpu.memory_space<hbm>>
      %dma_wait3A_23 = tpu.memref_squeeze %dma_wait3A_22 : memref<1x84x128xi32, #tpu.memory_space<hbm>> -> memref<84x128xi32, #tpu.memory_space<hbm>>
      tpu.wait_dma2 semaphore(%run_scoped3A : memref<!tpu.dma_semaphore, #tpu.memory_space<semaphore_mem>>) src(%dma_wait3A_23 : memref<84x128xi32, #tpu.memory_space<hbm>>) dst(%arg6 : memref<84x128xi32, #tpu.memory_space<vmem>>)
      tpu.yield
    }) : () -> ()
    %barrier3A = arith.constant 0 : index
    tpu.barrier barrier_id(%barrier3A)
    %scan3A = arith.constant 0 : i32
    %scan3A_1 = arith.constant 42 : i32
    %scan3A_2 = arith.addi %scan3A, %scan3A_1 : i32
    %scan3A_3 = arith.constant 1 : i32
    scf.for %scan3A_10 = %scan3A to %scan3A_2 step %scan3A_3  : i32 {
      %mul3A_11 = arith.constant 1 : i32
      %mul3A_12 = arith.muli %scan3A_10, %mul3A_11 : i32
      %add3A = arith.constant 0 : i32
      %add3A_13 = arith.addi %add3A, %mul3A_12 : i32
      %mul3A_14 = arith.constant 2 : i32
      %mul3A_15 = arith.muli %mul3A_14, %add3A_13 : i32
      %add3A_16 = arith.addi %mul3A_15, %arg0 : i32
      "tpu.region"() ({
        %run_scoped3A = tpu.sem_alloc : memref<!tpu.dma_semaphore, #tpu.memory_space<semaphore_mem>>
        %dma_start3A = arith.constant 0 : i32
        %dma_start3A_17 = tpu.memref_slice %arg6[%add3A_16, %dma_start3A] : memref<84x128xi32, #tpu.memory_space<vmem>> -> memref<1x128xi32, #tpu.memory_space<vmem>>
        %dma_start3A_18 = tpu.memref_squeeze %dma_start3A_17 : memref<1x128xi32, #tpu.memory_space<vmem>> -> memref<128xi32, #tpu.memory_space<vmem>>
        %dma_start3A_19 = arith.constant 0 : i32
        %dma_start3A_20 = arith.constant 0 : i32
        %dma_start3A_21 = tpu.memref_slice %arg8[%dma_start3A_19, %dma_start3A_20] : memref<10240x128xf32, #tpu.memory_space<vmem_shared>> -> memref<10240x128xf32, #tpu.memory_space<vmem_shared>>
        tpu.enqueue_indirect_dma source(%arg7 : memref<128x128xf32, #tpu.memory_space<vmem>>) target(%dma_start3A_21 : memref<10240x128xf32, #tpu.memory_space<vmem_shared>>) offsets(%dma_start3A_18 : memref<128xi32, #tpu.memory_space<vmem>>) semaphore(%run_scoped3A : memref<!tpu.dma_semaphore, #tpu.memory_space<semaphore_mem>>) {add = true}
        %dma_wait3A = arith.constant 0 : i32
        %dma_wait3A_22 = tpu.memref_slice %arg6[%add3A_16, %dma_wait3A] : memref<84x128xi32, #tpu.memory_space<vmem>> -> memref<1x128xi32, #tpu.memory_space<vmem>>
        %dma_wait3A_23 = tpu.memref_squeeze %dma_wait3A_22 : memref<1x128xi32, #tpu.memory_space<vmem>> -> memref<128xi32, #tpu.memory_space<vmem>>
        %dma_wait3A_24 = arith.constant 0 : i32
        %dma_wait3A_25 = arith.constant 0 : i32
        %dma_wait3A_26 = tpu.memref_slice %arg8[%dma_wait3A_24, %dma_wait3A_25] : memref<10240x128xf32, #tpu.memory_space<vmem_shared>> -> memref<10240x128xf32, #tpu.memory_space<vmem_shared>>
        tpu.wait_indirect_dma semaphore(%run_scoped3A : memref<!tpu.dma_semaphore, #tpu.memory_space<semaphore_mem>>) src(%arg7 : memref<128x128xf32, #tpu.memory_space<vmem>>) dst(%dma_wait3A_26 : memref<10240x128xf32, #tpu.memory_space<vmem_shared>>)
        tpu.yield
      }) : () -> ()
    }
    %scan3A_4 = arith.constant 42 : i32
    %barrier3A_5 = arith.constant 0 : index
    tpu.barrier barrier_id(%barrier3A_5)
    %mul3A_6 = arith.constant 640 : i32
    %mul3A_7 = arith.muli %arg1, %mul3A_6 : i32
    %mul3A_8 = arith.constant 640 : i32
    %mul3A_9 = arith.muli %arg1, %mul3A_8 : i32
    "tpu.region"() ({
      %run_scoped3A = tpu.sem_alloc : memref<!tpu.dma_semaphore, #tpu.memory_space<semaphore_mem>>
      %dma_start3A = arith.constant 0 : i32
      %dma_start3A_10 = tpu.memref_slice %arg5[%arg0, %mul3A_9, %dma_start3A] : memref<2x10240x128xf32, #tpu.memory_space<hbm>> -> memref<1x640x128xf32, #tpu.memory_space<hbm>>
      %dma_start3A_11 = tpu.memref_squeeze %dma_start3A_10 : memref<1x640x128xf32, #tpu.memory_space<hbm>> -> memref<640x128xf32, #tpu.memory_space<hbm>>
      %dma_start3A_12 = arith.constant 0 : i32
      %dma_start3A_13 = tpu.memref_slice %arg8[%mul3A_7, %dma_start3A_12] : memref<10240x128xf32, #tpu.memory_space<vmem_shared>> -> memref<640x128xf32, #tpu.memory_space<vmem_shared>>
      tpu.enqueue_dma source(%dma_start3A_13 : memref<640x128xf32, #tpu.memory_space<vmem_shared>>) target(%dma_start3A_11 : memref<640x128xf32, #tpu.memory_space<hbm>>) target_semaphore(%run_scoped3A : memref<!tpu.dma_semaphore, #tpu.memory_space<semaphore_mem>>)
      %dma_wait3A = arith.constant 0 : i32
      %dma_wait3A_14 = tpu.memref_slice %arg5[%arg0, %mul3A_9, %dma_wait3A] : memref<2x10240x128xf32, #tpu.memory_space<hbm>> -> memref<1x640x128xf32, #tpu.memory_space<hbm>>
      %dma_wait3A_15 = tpu.memref_squeeze %dma_wait3A_14 : memref<1x640x128xf32, #tpu.memory_space<hbm>> -> memref<640x128xf32, #tpu.memory_space<hbm>>
      %dma_wait3A_16 = arith.constant 0 : i32
      %dma_wait3A_17 = tpu.memref_slice %arg8[%mul3A_7, %dma_wait3A_16] : memref<10240x128xf32, #tpu.memory_space<vmem_shared>> -> memref<640x128xf32, #tpu.memory_space<vmem_shared>>
      tpu.wait_dma2 semaphore(%run_scoped3A : memref<!tpu.dma_semaphore, #tpu.memory_space<semaphore_mem>>) src(%dma_wait3A_17 : memref<640x128xf32, #tpu.memory_space<vmem_shared>>) dst(%dma_wait3A_15 : memref<640x128xf32, #tpu.memory_space<hbm>>)
      tpu.yield
    }) : () -> ()
    return
  }
}

#map = affine_map<(d0, d1) -> (0, 0, 0)>
#map1 = affine_map<(d0, d1) -> (0, 0)>
module attributes {stable_mosaic.version = 14 : i64} {
  func.func @_prop_kernel(%arg0: i32, %arg1: i32, %arg2: memref<16x96x128xi32, #tpu.memory_space<hbm>>, %arg3: memref<16x96x128xi32, #tpu.memory_space<hbm>>, %arg4: memref<10240x128xf32, #tpu.memory_space<hbm>>, %arg5: memref<10240x128xf32, #tpu.memory_space<hbm>>, %arg6: memref<640x128xf32, #tpu.memory_space<hbm>>, %arg7: memref<10240x128xf32, #tpu.memory_space<hbm>>, %arg8: memref<10240x128xf32, #tpu.memory_space<hbm>>, %arg9: memref<48x128xi32, #tpu.memory_space<vmem>>, %arg10: memref<48x128xi32, #tpu.memory_space<vmem>>, %arg11: memref<128x128xf32, #tpu.memory_space<vmem>>, %arg12: memref<128x128xf32, #tpu.memory_space<vmem>>, %arg13: memref<10240x128xf32, #tpu.memory_space<vmem_shared>>, %arg14: memref<!tpu.dma_semaphore, #tpu.memory_space<semaphore_mem>>, %arg15: memref<!tpu.dma_semaphore, #tpu.memory_space<semaphore_mem>>) attributes {dimension_semantics = [#tpu.dimension_semantics<core_parallel>, #tpu.dimension_semantics<subcore_parallel>], iteration_bounds = array<i64: 2, 16>, scalar_prefetch = 0 : i64, scratch_operands = 7 : i64, tpu.core_type = #tpu.core_type<sc_vector_subcore>, window_params = [{transform_indices = #map}, {transform_indices = #map}, {transform_indices = #map1}, {transform_indices = #map1}, {transform_indices = #map1}, {transform_indices = #map1}, {transform_indices = #map1}]} {
    %mul3A = arith.constant 640 : i32
    %mul3A_0 = arith.muli %arg1, %mul3A : i32
    "tpu.region"() ({
      %run_scoped3A = tpu.sem_alloc : memref<!tpu.dma_semaphore, #tpu.memory_space<semaphore_mem>>
      %dma_start3A = arith.constant 0 : i32
      %dma_start3A_21 = tpu.memref_slice %arg13[%mul3A_0, %dma_start3A] : memref<10240x128xf32, #tpu.memory_space<vmem_shared>> -> memref<640x128xf32, #tpu.memory_space<vmem_shared>>
      tpu.enqueue_dma source(%arg6 : memref<640x128xf32, #tpu.memory_space<hbm>>) target(%dma_start3A_21 : memref<640x128xf32, #tpu.memory_space<vmem_shared>>) target_semaphore(%run_scoped3A : memref<!tpu.dma_semaphore, #tpu.memory_space<semaphore_mem>>)
      %dma_wait3A = arith.constant 0 : i32
      %dma_wait3A_22 = tpu.memref_slice %arg13[%mul3A_0, %dma_wait3A] : memref<10240x128xf32, #tpu.memory_space<vmem_shared>> -> memref<640x128xf32, #tpu.memory_space<vmem_shared>>
      tpu.wait_dma2 semaphore(%run_scoped3A : memref<!tpu.dma_semaphore, #tpu.memory_space<semaphore_mem>>) src(%arg6 : memref<640x128xf32, #tpu.memory_space<hbm>>) dst(%dma_wait3A_22 : memref<640x128xf32, #tpu.memory_space<vmem_shared>>)
      tpu.yield
    }) : () -> ()
    %barrier3A = arith.constant 0 : index
    tpu.barrier barrier_id(%barrier3A)
    %eq3A = arith.constant 0 : i32
    %eq3A_1 = arith.cmpi eq, %arg0, %eq3A : i32
    %convert_element_type3A = arith.extui %eq3A_1 : i1 to i32
    %cond3A = arith.constant 0 : i32
    %cond3A_2 = arith.cmpi ne, %convert_element_type3A, %cond3A : i32
    scf.if %cond3A_2 {
      "tpu.region"() ({
        %run_scoped3A = tpu.sem_alloc : memref<!tpu.dma_semaphore, #tpu.memory_space<semaphore_mem>>
        %dma_start3A = arith.constant 0 : i32
        %dma_start3A_30 = arith.constant 0 : i32
        %dma_start3A_31 = tpu.memref_slice %arg2[%arg1, %dma_start3A, %dma_start3A_30] : memref<16x96x128xi32, #tpu.memory_space<hbm>> -> memref<1x48x128xi32, #tpu.memory_space<hbm>>
        %dma_start3A_32 = tpu.memref_squeeze %dma_start3A_31 : memref<1x48x128xi32, #tpu.memory_space<hbm>> -> memref<48x128xi32, #tpu.memory_space<hbm>>
        %dma_start3A_33 = arith.constant 0 : i32
        %dma_start3A_34 = arith.constant 0 : i32
        %dma_start3A_35 = tpu.memref_slice %arg2[%arg1, %dma_start3A_33, %dma_start3A_34] : memref<16x96x128xi32, #tpu.memory_space<hbm>> -> memref<1x48x128xi32, #tpu.memory_space<hbm>>
        %dma_start3A_36 = tpu.memref_squeeze %dma_start3A_35 : memref<1x48x128xi32, #tpu.memory_space<hbm>> -> memref<48x128xi32, #tpu.memory_space<hbm>>
        tpu.enqueue_dma source(%dma_start3A_36 : memref<48x128xi32, #tpu.memory_space<hbm>>) target(%arg9 : memref<48x128xi32, #tpu.memory_space<vmem>>) target_semaphore(%run_scoped3A : memref<!tpu.dma_semaphore, #tpu.memory_space<semaphore_mem>>)
        %dma_wait3A = arith.constant 0 : i32
        %dma_wait3A_37 = arith.constant 0 : i32
        %dma_wait3A_38 = tpu.memref_slice %arg2[%arg1, %dma_wait3A, %dma_wait3A_37] : memref<16x96x128xi32, #tpu.memory_space<hbm>> -> memref<1x48x128xi32, #tpu.memory_space<hbm>>
        %dma_wait3A_39 = tpu.memref_squeeze %dma_wait3A_38 : memref<1x48x128xi32, #tpu.memory_space<hbm>> -> memref<48x128xi32, #tpu.memory_space<hbm>>
        %dma_wait3A_40 = arith.constant 0 : i32
        %dma_wait3A_41 = arith.constant 0 : i32
        %dma_wait3A_42 = tpu.memref_slice %arg2[%arg1, %dma_wait3A_40, %dma_wait3A_41] : memref<16x96x128xi32, #tpu.memory_space<hbm>> -> memref<1x48x128xi32, #tpu.memory_space<hbm>>
        %dma_wait3A_43 = tpu.memref_squeeze %dma_wait3A_42 : memref<1x48x128xi32, #tpu.memory_space<hbm>> -> memref<48x128xi32, #tpu.memory_space<hbm>>
        tpu.wait_dma2 semaphore(%run_scoped3A : memref<!tpu.dma_semaphore, #tpu.memory_space<semaphore_mem>>) src(%dma_wait3A_43 : memref<48x128xi32, #tpu.memory_space<hbm>>) dst(%arg9 : memref<48x128xi32, #tpu.memory_space<vmem>>)
        tpu.yield
      }) : () -> ()
      "tpu.region"() ({
        %run_scoped3A = tpu.sem_alloc : memref<!tpu.dma_semaphore, #tpu.memory_space<semaphore_mem>>
        %dma_start3A = arith.constant 0 : i32
        %dma_start3A_30 = arith.constant 0 : i32
        %dma_start3A_31 = tpu.memref_slice %arg3[%arg1, %dma_start3A, %dma_start3A_30] : memref<16x96x128xi32, #tpu.memory_space<hbm>> -> memref<1x48x128xi32, #tpu.memory_space<hbm>>
        %dma_start3A_32 = tpu.memref_squeeze %dma_start3A_31 : memref<1x48x128xi32, #tpu.memory_space<hbm>> -> memref<48x128xi32, #tpu.memory_space<hbm>>
        %dma_start3A_33 = arith.constant 0 : i32
        %dma_start3A_34 = arith.constant 0 : i32
        %dma_start3A_35 = tpu.memref_slice %arg3[%arg1, %dma_start3A_33, %dma_start3A_34] : memref<16x96x128xi32, #tpu.memory_space<hbm>> -> memref<1x48x128xi32, #tpu.memory_space<hbm>>
        %dma_start3A_36 = tpu.memref_squeeze %dma_start3A_35 : memref<1x48x128xi32, #tpu.memory_space<hbm>> -> memref<48x128xi32, #tpu.memory_space<hbm>>
        tpu.enqueue_dma source(%dma_start3A_36 : memref<48x128xi32, #tpu.memory_space<hbm>>) target(%arg10 : memref<48x128xi32, #tpu.memory_space<vmem>>) target_semaphore(%run_scoped3A : memref<!tpu.dma_semaphore, #tpu.memory_space<semaphore_mem>>)
        %dma_wait3A = arith.constant 0 : i32
        %dma_wait3A_37 = arith.constant 0 : i32
        %dma_wait3A_38 = tpu.memref_slice %arg3[%arg1, %dma_wait3A, %dma_wait3A_37] : memref<16x96x128xi32, #tpu.memory_space<hbm>> -> memref<1x48x128xi32, #tpu.memory_space<hbm>>
        %dma_wait3A_39 = tpu.memref_squeeze %dma_wait3A_38 : memref<1x48x128xi32, #tpu.memory_space<hbm>> -> memref<48x128xi32, #tpu.memory_space<hbm>>
        %dma_wait3A_40 = arith.constant 0 : i32
        %dma_wait3A_41 = arith.constant 0 : i32
        %dma_wait3A_42 = tpu.memref_slice %arg3[%arg1, %dma_wait3A_40, %dma_wait3A_41] : memref<16x96x128xi32, #tpu.memory_space<hbm>> -> memref<1x48x128xi32, #tpu.memory_space<hbm>>
        %dma_wait3A_43 = tpu.memref_squeeze %dma_wait3A_42 : memref<1x48x128xi32, #tpu.memory_space<hbm>> -> memref<48x128xi32, #tpu.memory_space<hbm>>
        tpu.wait_dma2 semaphore(%run_scoped3A : memref<!tpu.dma_semaphore, #tpu.memory_space<semaphore_mem>>) src(%dma_wait3A_43 : memref<48x128xi32, #tpu.memory_space<hbm>>) dst(%arg10 : memref<48x128xi32, #tpu.memory_space<vmem>>)
        tpu.yield
      }) : () -> ()
      %scan3A = arith.constant 0 : i32
      %scan3A_21 = arith.constant 24 : i32
      %scan3A_22 = arith.addi %scan3A, %scan3A_21 : i32
      %scan3A_23 = arith.constant 1 : i32
      scf.for %scan3A_30 = %scan3A to %scan3A_22 step %scan3A_23  : i32 {
        %mul3A_31 = arith.constant 1 : i32
        %mul3A_32 = arith.muli %scan3A_30, %mul3A_31 : i32
        %add3A = arith.constant 0 : i32
        %add3A_33 = arith.addi %add3A, %mul3A_32 : i32
        %mul3A_34 = arith.constant 2 : i32
        %mul3A_35 = arith.muli %mul3A_34, %add3A_33 : i32
        %dma_start3A = arith.constant 0 : i32
        %dma_start3A_36 = tpu.memref_slice %arg9[%mul3A_35, %dma_start3A] : memref<48x128xi32, #tpu.memory_space<vmem>> -> memref<1x128xi32, #tpu.memory_space<vmem>>
        %dma_start3A_37 = tpu.memref_squeeze %dma_start3A_36 : memref<1x128xi32, #tpu.memory_space<vmem>> -> memref<128xi32, #tpu.memory_space<vmem>>
        %dma_start3A_38 = arith.constant 0 : i32
        %dma_start3A_39 = arith.constant 0 : i32
        %dma_start3A_40 = tpu.memref_slice %arg4[%dma_start3A_38, %dma_start3A_39] : memref<10240x128xf32, #tpu.memory_space<hbm>> -> memref<10240x128xf32, #tpu.memory_space<hbm>>
        tpu.enqueue_indirect_dma source(%dma_start3A_40 : memref<10240x128xf32, #tpu.memory_space<hbm>>) target(%arg11 : memref<128x128xf32, #tpu.memory_space<vmem>>) offsets(%dma_start3A_37 : memref<128xi32, #tpu.memory_space<vmem>>) semaphore(%arg14 : memref<!tpu.dma_semaphore, #tpu.memory_space<semaphore_mem>>)
        %add3A_41 = arith.constant 1 : i32
        %add3A_42 = arith.addi %mul3A_35, %add3A_41 : i32
        %dma_start3A_43 = arith.constant 0 : i32
        %dma_start3A_44 = tpu.memref_slice %arg9[%add3A_42, %dma_start3A_43] : memref<48x128xi32, #tpu.memory_space<vmem>> -> memref<1x128xi32, #tpu.memory_space<vmem>>
        %dma_start3A_45 = tpu.memref_squeeze %dma_start3A_44 : memref<1x128xi32, #tpu.memory_space<vmem>> -> memref<128xi32, #tpu.memory_space<vmem>>
        %dma_start3A_46 = arith.constant 0 : i32
        %dma_start3A_47 = arith.constant 0 : i32
        %dma_start3A_48 = tpu.memref_slice %arg4[%dma_start3A_46, %dma_start3A_47] : memref<10240x128xf32, #tpu.memory_space<hbm>> -> memref<10240x128xf32, #tpu.memory_space<hbm>>
        tpu.enqueue_indirect_dma source(%dma_start3A_48 : memref<10240x128xf32, #tpu.memory_space<hbm>>) target(%arg12 : memref<128x128xf32, #tpu.memory_space<vmem>>) offsets(%dma_start3A_45 : memref<128xi32, #tpu.memory_space<vmem>>) semaphore(%arg15 : memref<!tpu.dma_semaphore, #tpu.memory_space<semaphore_mem>>)
        %dma_wait3A = arith.constant 0 : i32
        %dma_wait3A_49 = tpu.memref_slice %arg9[%mul3A_35, %dma_wait3A] : memref<48x128xi32, #tpu.memory_space<vmem>> -> memref<1x128xi32, #tpu.memory_space<vmem>>
        %dma_wait3A_50 = tpu.memref_squeeze %dma_wait3A_49 : memref<1x128xi32, #tpu.memory_space<vmem>> -> memref<128xi32, #tpu.memory_space<vmem>>
        %dma_wait3A_51 = arith.constant 0 : i32
        %dma_wait3A_52 = arith.constant 0 : i32
        %dma_wait3A_53 = tpu.memref_slice %arg4[%dma_wait3A_51, %dma_wait3A_52] : memref<10240x128xf32, #tpu.memory_space<hbm>> -> memref<10240x128xf32, #tpu.memory_space<hbm>>
        tpu.wait_indirect_dma semaphore(%arg14 : memref<!tpu.dma_semaphore, #tpu.memory_space<semaphore_mem>>) src(%dma_wait3A_53 : memref<10240x128xf32, #tpu.memory_space<hbm>>) dst(%arg11 : memref<128x128xf32, #tpu.memory_space<vmem>>)
        "tpu.region"() ({
          %run_scoped3A = tpu.sem_alloc : memref<!tpu.dma_semaphore, #tpu.memory_space<semaphore_mem>>
          %dma_start3A_62 = arith.constant 0 : i32
          %dma_start3A_63 = tpu.memref_slice %arg10[%mul3A_35, %dma_start3A_62] : memref<48x128xi32, #tpu.memory_space<vmem>> -> memref<1x128xi32, #tpu.memory_space<vmem>>
          %dma_start3A_64 = tpu.memref_squeeze %dma_start3A_63 : memref<1x128xi32, #tpu.memory_space<vmem>> -> memref<128xi32, #tpu.memory_space<vmem>>
          %dma_start3A_65 = arith.constant 0 : i32
          %dma_start3A_66 = arith.constant 0 : i32
          %dma_start3A_67 = tpu.memref_slice %arg13[%dma_start3A_65, %dma_start3A_66] : memref<10240x128xf32, #tpu.memory_space<vmem_shared>> -> memref<10240x128xf32, #tpu.memory_space<vmem_shared>>
          tpu.enqueue_indirect_dma source(%arg11 : memref<128x128xf32, #tpu.memory_space<vmem>>) target(%dma_start3A_67 : memref<10240x128xf32, #tpu.memory_space<vmem_shared>>) offsets(%dma_start3A_64 : memref<128xi32, #tpu.memory_space<vmem>>) semaphore(%run_scoped3A : memref<!tpu.dma_semaphore, #tpu.memory_space<semaphore_mem>>) {add = true}
          %dma_wait3A_68 = arith.constant 0 : i32
          %dma_wait3A_69 = tpu.memref_slice %arg10[%mul3A_35, %dma_wait3A_68] : memref<48x128xi32, #tpu.memory_space<vmem>> -> memref<1x128xi32, #tpu.memory_space<vmem>>
          %dma_wait3A_70 = tpu.memref_squeeze %dma_wait3A_69 : memref<1x128xi32, #tpu.memory_space<vmem>> -> memref<128xi32, #tpu.memory_space<vmem>>
          %dma_wait3A_71 = arith.constant 0 : i32
          %dma_wait3A_72 = arith.constant 0 : i32
          %dma_wait3A_73 = tpu.memref_slice %arg13[%dma_wait3A_71, %dma_wait3A_72] : memref<10240x128xf32, #tpu.memory_space<vmem_shared>> -> memref<10240x128xf32, #tpu.memory_space<vmem_shared>>
          tpu.wait_indirect_dma semaphore(%run_scoped3A : memref<!tpu.dma_semaphore, #tpu.memory_space<semaphore_mem>>) src(%arg11 : memref<128x128xf32, #tpu.memory_space<vmem>>) dst(%dma_wait3A_73 : memref<10240x128xf32, #tpu.memory_space<vmem_shared>>)
          tpu.yield
        }) : () -> ()
        %dma_wait3A_54 = arith.constant 0 : i32
        %dma_wait3A_55 = tpu.memref_slice %arg9[%add3A_42, %dma_wait3A_54] : memref<48x128xi32, #tpu.memory_space<vmem>> -> memref<1x128xi32, #tpu.memory_space<vmem>>
        %dma_wait3A_56 = tpu.memref_squeeze %dma_wait3A_55 : memref<1x128xi32, #tpu.memory_space<vmem>> -> memref<128xi32, #tpu.memory_space<vmem>>
        %dma_wait3A_57 = arith.constant 0 : i32
        %dma_wait3A_58 = arith.constant 0 : i32
        %dma_wait3A_59 = tpu.memref_slice %arg4[%dma_wait3A_57, %dma_wait3A_58] : memref<10240x128xf32, #tpu.memory_space<hbm>> -> memref<10240x128xf32, #tpu.memory_space<hbm>>
        tpu.wait_indirect_dma semaphore(%arg15 : memref<!tpu.dma_semaphore, #tpu.memory_space<semaphore_mem>>) src(%dma_wait3A_59 : memref<10240x128xf32, #tpu.memory_space<hbm>>) dst(%arg12 : memref<128x128xf32, #tpu.memory_space<vmem>>)
        %add3A_60 = arith.constant 1 : i32
        %add3A_61 = arith.addi %mul3A_35, %add3A_60 : i32
        "tpu.region"() ({
          %run_scoped3A = tpu.sem_alloc : memref<!tpu.dma_semaphore, #tpu.memory_space<semaphore_mem>>
          %dma_start3A_62 = arith.constant 0 : i32
          %dma_start3A_63 = tpu.memref_slice %arg10[%add3A_61, %dma_start3A_62] : memref<48x128xi32, #tpu.memory_space<vmem>> -> memref<1x128xi32, #tpu.memory_space<vmem>>
          %dma_start3A_64 = tpu.memref_squeeze %dma_start3A_63 : memref<1x128xi32, #tpu.memory_space<vmem>> -> memref<128xi32, #tpu.memory_space<vmem>>
          %dma_start3A_65 = arith.constant 0 : i32
          %dma_start3A_66 = arith.constant 0 : i32
          %dma_start3A_67 = tpu.memref_slice %arg13[%dma_start3A_65, %dma_start3A_66] : memref<10240x128xf32, #tpu.memory_space<vmem_shared>> -> memref<10240x128xf32, #tpu.memory_space<vmem_shared>>
          tpu.enqueue_indirect_dma source(%arg12 : memref<128x128xf32, #tpu.memory_space<vmem>>) target(%dma_start3A_67 : memref<10240x128xf32, #tpu.memory_space<vmem_shared>>) offsets(%dma_start3A_64 : memref<128xi32, #tpu.memory_space<vmem>>) semaphore(%run_scoped3A : memref<!tpu.dma_semaphore, #tpu.memory_space<semaphore_mem>>) {add = true}
          %dma_wait3A_68 = arith.constant 0 : i32
          %dma_wait3A_69 = tpu.memref_slice %arg10[%add3A_61, %dma_wait3A_68] : memref<48x128xi32, #tpu.memory_space<vmem>> -> memref<1x128xi32, #tpu.memory_space<vmem>>
          %dma_wait3A_70 = tpu.memref_squeeze %dma_wait3A_69 : memref<1x128xi32, #tpu.memory_space<vmem>> -> memref<128xi32, #tpu.memory_space<vmem>>
          %dma_wait3A_71 = arith.constant 0 : i32
          %dma_wait3A_72 = arith.constant 0 : i32
          %dma_wait3A_73 = tpu.memref_slice %arg13[%dma_wait3A_71, %dma_wait3A_72] : memref<10240x128xf32, #tpu.memory_space<vmem_shared>> -> memref<10240x128xf32, #tpu.memory_space<vmem_shared>>
          tpu.wait_indirect_dma semaphore(%run_scoped3A : memref<!tpu.dma_semaphore, #tpu.memory_space<semaphore_mem>>) src(%arg12 : memref<128x128xf32, #tpu.memory_space<vmem>>) dst(%dma_wait3A_73 : memref<10240x128xf32, #tpu.memory_space<vmem_shared>>)
          tpu.yield
        }) : () -> ()
      }
      %scan3A_24 = arith.constant 24 : i32
      "tpu.region"() ({
        %run_scoped3A = tpu.sem_alloc : memref<!tpu.dma_semaphore, #tpu.memory_space<semaphore_mem>>
        %dma_start3A = arith.constant 48 : i32
        %dma_start3A_30 = arith.constant 0 : i32
        %dma_start3A_31 = tpu.memref_slice %arg2[%arg1, %dma_start3A, %dma_start3A_30] : memref<16x96x128xi32, #tpu.memory_space<hbm>> -> memref<1x48x128xi32, #tpu.memory_space<hbm>>
        %dma_start3A_32 = tpu.memref_squeeze %dma_start3A_31 : memref<1x48x128xi32, #tpu.memory_space<hbm>> -> memref<48x128xi32, #tpu.memory_space<hbm>>
        %dma_start3A_33 = arith.constant 48 : i32
        %dma_start3A_34 = arith.constant 0 : i32
        %dma_start3A_35 = tpu.memref_slice %arg2[%arg1, %dma_start3A_33, %dma_start3A_34] : memref<16x96x128xi32, #tpu.memory_space<hbm>> -> memref<1x48x128xi32, #tpu.memory_space<hbm>>
        %dma_start3A_36 = tpu.memref_squeeze %dma_start3A_35 : memref<1x48x128xi32, #tpu.memory_space<hbm>> -> memref<48x128xi32, #tpu.memory_space<hbm>>
        tpu.enqueue_dma source(%dma_start3A_36 : memref<48x128xi32, #tpu.memory_space<hbm>>) target(%arg9 : memref<48x128xi32, #tpu.memory_space<vmem>>) target_semaphore(%run_scoped3A : memref<!tpu.dma_semaphore, #tpu.memory_space<semaphore_mem>>)
        %dma_wait3A = arith.constant 48 : i32
        %dma_wait3A_37 = arith.constant 0 : i32
        %dma_wait3A_38 = tpu.memref_slice %arg2[%arg1, %dma_wait3A, %dma_wait3A_37] : memref<16x96x128xi32, #tpu.memory_space<hbm>> -> memref<1x48x128xi32, #tpu.memory_space<hbm>>
        %dma_wait3A_39 = tpu.memref_squeeze %dma_wait3A_38 : memref<1x48x128xi32, #tpu.memory_space<hbm>> -> memref<48x128xi32, #tpu.memory_space<hbm>>
        %dma_wait3A_40 = arith.constant 48 : i32
        %dma_wait3A_41 = arith.constant 0 : i32
        %dma_wait3A_42 = tpu.memref_slice %arg2[%arg1, %dma_wait3A_40, %dma_wait3A_41] : memref<16x96x128xi32, #tpu.memory_space<hbm>> -> memref<1x48x128xi32, #tpu.memory_space<hbm>>
        %dma_wait3A_43 = tpu.memref_squeeze %dma_wait3A_42 : memref<1x48x128xi32, #tpu.memory_space<hbm>> -> memref<48x128xi32, #tpu.memory_space<hbm>>
        tpu.wait_dma2 semaphore(%run_scoped3A : memref<!tpu.dma_semaphore, #tpu.memory_space<semaphore_mem>>) src(%dma_wait3A_43 : memref<48x128xi32, #tpu.memory_space<hbm>>) dst(%arg9 : memref<48x128xi32, #tpu.memory_space<vmem>>)
        tpu.yield
      }) : () -> ()
      "tpu.region"() ({
        %run_scoped3A = tpu.sem_alloc : memref<!tpu.dma_semaphore, #tpu.memory_space<semaphore_mem>>
        %dma_start3A = arith.constant 48 : i32
        %dma_start3A_30 = arith.constant 0 : i32
        %dma_start3A_31 = tpu.memref_slice %arg3[%arg1, %dma_start3A, %dma_start3A_30] : memref<16x96x128xi32, #tpu.memory_space<hbm>> -> memref<1x48x128xi32, #tpu.memory_space<hbm>>
        %dma_start3A_32 = tpu.memref_squeeze %dma_start3A_31 : memref<1x48x128xi32, #tpu.memory_space<hbm>> -> memref<48x128xi32, #tpu.memory_space<hbm>>
        %dma_start3A_33 = arith.constant 48 : i32
        %dma_start3A_34 = arith.constant 0 : i32
        %dma_start3A_35 = tpu.memref_slice %arg3[%arg1, %dma_start3A_33, %dma_start3A_34] : memref<16x96x128xi32, #tpu.memory_space<hbm>> -> memref<1x48x128xi32, #tpu.memory_space<hbm>>
        %dma_start3A_36 = tpu.memref_squeeze %dma_start3A_35 : memref<1x48x128xi32, #tpu.memory_space<hbm>> -> memref<48x128xi32, #tpu.memory_space<hbm>>
        tpu.enqueue_dma source(%dma_start3A_36 : memref<48x128xi32, #tpu.memory_space<hbm>>) target(%arg10 : memref<48x128xi32, #tpu.memory_space<vmem>>) target_semaphore(%run_scoped3A : memref<!tpu.dma_semaphore, #tpu.memory_space<semaphore_mem>>)
        %dma_wait3A = arith.constant 48 : i32
        %dma_wait3A_37 = arith.constant 0 : i32
        %dma_wait3A_38 = tpu.memref_slice %arg3[%arg1, %dma_wait3A, %dma_wait3A_37] : memref<16x96x128xi32, #tpu.memory_space<hbm>> -> memref<1x48x128xi32, #tpu.memory_space<hbm>>
        %dma_wait3A_39 = tpu.memref_squeeze %dma_wait3A_38 : memref<1x48x128xi32, #tpu.memory_space<hbm>> -> memref<48x128xi32, #tpu.memory_space<hbm>>
        %dma_wait3A_40 = arith.constant 48 : i32
        %dma_wait3A_41 = arith.constant 0 : i32
        %dma_wait3A_42 = tpu.memref_slice %arg3[%arg1, %dma_wait3A_40, %dma_wait3A_41] : memref<16x96x128xi32, #tpu.memory_space<hbm>> -> memref<1x48x128xi32, #tpu.memory_space<hbm>>
        %dma_wait3A_43 = tpu.memref_squeeze %dma_wait3A_42 : memref<1x48x128xi32, #tpu.memory_space<hbm>> -> memref<48x128xi32, #tpu.memory_space<hbm>>
        tpu.wait_dma2 semaphore(%run_scoped3A : memref<!tpu.dma_semaphore, #tpu.memory_space<semaphore_mem>>) src(%dma_wait3A_43 : memref<48x128xi32, #tpu.memory_space<hbm>>) dst(%arg10 : memref<48x128xi32, #tpu.memory_space<vmem>>)
        tpu.yield
      }) : () -> ()
      %scan3A_25 = arith.constant 0 : i32
      %scan3A_26 = arith.constant 24 : i32
      %scan3A_27 = arith.addi %scan3A_25, %scan3A_26 : i32
      %scan3A_28 = arith.constant 1 : i32
      scf.for %scan3A_30 = %scan3A_25 to %scan3A_27 step %scan3A_28  : i32 {
        %mul3A_31 = arith.constant 1 : i32
        %mul3A_32 = arith.muli %scan3A_30, %mul3A_31 : i32
        %add3A = arith.constant 0 : i32
        %add3A_33 = arith.addi %add3A, %mul3A_32 : i32
        %mul3A_34 = arith.constant 2 : i32
        %mul3A_35 = arith.muli %mul3A_34, %add3A_33 : i32
        %dma_start3A = arith.constant 0 : i32
        %dma_start3A_36 = tpu.memref_slice %arg9[%mul3A_35, %dma_start3A] : memref<48x128xi32, #tpu.memory_space<vmem>> -> memref<1x128xi32, #tpu.memory_space<vmem>>
        %dma_start3A_37 = tpu.memref_squeeze %dma_start3A_36 : memref<1x128xi32, #tpu.memory_space<vmem>> -> memref<128xi32, #tpu.memory_space<vmem>>
        %dma_start3A_38 = arith.constant 0 : i32
        %dma_start3A_39 = arith.constant 0 : i32
        %dma_start3A_40 = tpu.memref_slice %arg4[%dma_start3A_38, %dma_start3A_39] : memref<10240x128xf32, #tpu.memory_space<hbm>> -> memref<10240x128xf32, #tpu.memory_space<hbm>>
        tpu.enqueue_indirect_dma source(%dma_start3A_40 : memref<10240x128xf32, #tpu.memory_space<hbm>>) target(%arg11 : memref<128x128xf32, #tpu.memory_space<vmem>>) offsets(%dma_start3A_37 : memref<128xi32, #tpu.memory_space<vmem>>) semaphore(%arg14 : memref<!tpu.dma_semaphore, #tpu.memory_space<semaphore_mem>>)
        %add3A_41 = arith.constant 1 : i32
        %add3A_42 = arith.addi %mul3A_35, %add3A_41 : i32
        %dma_start3A_43 = arith.constant 0 : i32
        %dma_start3A_44 = tpu.memref_slice %arg9[%add3A_42, %dma_start3A_43] : memref<48x128xi32, #tpu.memory_space<vmem>> -> memref<1x128xi32, #tpu.memory_space<vmem>>
        %dma_start3A_45 = tpu.memref_squeeze %dma_start3A_44 : memref<1x128xi32, #tpu.memory_space<vmem>> -> memref<128xi32, #tpu.memory_space<vmem>>
        %dma_start3A_46 = arith.constant 0 : i32
        %dma_start3A_47 = arith.constant 0 : i32
        %dma_start3A_48 = tpu.memref_slice %arg4[%dma_start3A_46, %dma_start3A_47] : memref<10240x128xf32, #tpu.memory_space<hbm>> -> memref<10240x128xf32, #tpu.memory_space<hbm>>
        tpu.enqueue_indirect_dma source(%dma_start3A_48 : memref<10240x128xf32, #tpu.memory_space<hbm>>) target(%arg12 : memref<128x128xf32, #tpu.memory_space<vmem>>) offsets(%dma_start3A_45 : memref<128xi32, #tpu.memory_space<vmem>>) semaphore(%arg15 : memref<!tpu.dma_semaphore, #tpu.memory_space<semaphore_mem>>)
        %dma_wait3A = arith.constant 0 : i32
        %dma_wait3A_49 = tpu.memref_slice %arg9[%mul3A_35, %dma_wait3A] : memref<48x128xi32, #tpu.memory_space<vmem>> -> memref<1x128xi32, #tpu.memory_space<vmem>>
        %dma_wait3A_50 = tpu.memref_squeeze %dma_wait3A_49 : memref<1x128xi32, #tpu.memory_space<vmem>> -> memref<128xi32, #tpu.memory_space<vmem>>
        %dma_wait3A_51 = arith.constant 0 : i32
        %dma_wait3A_52 = arith.constant 0 : i32
        %dma_wait3A_53 = tpu.memref_slice %arg4[%dma_wait3A_51, %dma_wait3A_52] : memref<10240x128xf32, #tpu.memory_space<hbm>> -> memref<10240x128xf32, #tpu.memory_space<hbm>>
        tpu.wait_indirect_dma semaphore(%arg14 : memref<!tpu.dma_semaphore, #tpu.memory_space<semaphore_mem>>) src(%dma_wait3A_53 : memref<10240x128xf32, #tpu.memory_space<hbm>>) dst(%arg11 : memref<128x128xf32, #tpu.memory_space<vmem>>)
        "tpu.region"() ({
          %run_scoped3A = tpu.sem_alloc : memref<!tpu.dma_semaphore, #tpu.memory_space<semaphore_mem>>
          %dma_start3A_62 = arith.constant 0 : i32
          %dma_start3A_63 = tpu.memref_slice %arg10[%mul3A_35, %dma_start3A_62] : memref<48x128xi32, #tpu.memory_space<vmem>> -> memref<1x128xi32, #tpu.memory_space<vmem>>
          %dma_start3A_64 = tpu.memref_squeeze %dma_start3A_63 : memref<1x128xi32, #tpu.memory_space<vmem>> -> memref<128xi32, #tpu.memory_space<vmem>>
          %dma_start3A_65 = arith.constant 0 : i32
          %dma_start3A_66 = arith.constant 0 : i32
          %dma_start3A_67 = tpu.memref_slice %arg13[%dma_start3A_65, %dma_start3A_66] : memref<10240x128xf32, #tpu.memory_space<vmem_shared>> -> memref<10240x128xf32, #tpu.memory_space<vmem_shared>>
          tpu.enqueue_indirect_dma source(%arg11 : memref<128x128xf32, #tpu.memory_space<vmem>>) target(%dma_start3A_67 : memref<10240x128xf32, #tpu.memory_space<vmem_shared>>) offsets(%dma_start3A_64 : memref<128xi32, #tpu.memory_space<vmem>>) semaphore(%run_scoped3A : memref<!tpu.dma_semaphore, #tpu.memory_space<semaphore_mem>>) {add = true}
          %dma_wait3A_68 = arith.constant 0 : i32
          %dma_wait3A_69 = tpu.memref_slice %arg10[%mul3A_35, %dma_wait3A_68] : memref<48x128xi32, #tpu.memory_space<vmem>> -> memref<1x128xi32, #tpu.memory_space<vmem>>
          %dma_wait3A_70 = tpu.memref_squeeze %dma_wait3A_69 : memref<1x128xi32, #tpu.memory_space<vmem>> -> memref<128xi32, #tpu.memory_space<vmem>>
          %dma_wait3A_71 = arith.constant 0 : i32
          %dma_wait3A_72 = arith.constant 0 : i32
          %dma_wait3A_73 = tpu.memref_slice %arg13[%dma_wait3A_71, %dma_wait3A_72] : memref<10240x128xf32, #tpu.memory_space<vmem_shared>> -> memref<10240x128xf32, #tpu.memory_space<vmem_shared>>
          tpu.wait_indirect_dma semaphore(%run_scoped3A : memref<!tpu.dma_semaphore, #tpu.memory_space<semaphore_mem>>) src(%arg11 : memref<128x128xf32, #tpu.memory_space<vmem>>) dst(%dma_wait3A_73 : memref<10240x128xf32, #tpu.memory_space<vmem_shared>>)
          tpu.yield
        }) : () -> ()
        %dma_wait3A_54 = arith.constant 0 : i32
        %dma_wait3A_55 = tpu.memref_slice %arg9[%add3A_42, %dma_wait3A_54] : memref<48x128xi32, #tpu.memory_space<vmem>> -> memref<1x128xi32, #tpu.memory_space<vmem>>
        %dma_wait3A_56 = tpu.memref_squeeze %dma_wait3A_55 : memref<1x128xi32, #tpu.memory_space<vmem>> -> memref<128xi32, #tpu.memory_space<vmem>>
        %dma_wait3A_57 = arith.constant 0 : i32
        %dma_wait3A_58 = arith.constant 0 : i32
        %dma_wait3A_59 = tpu.memref_slice %arg4[%dma_wait3A_57, %dma_wait3A_58] : memref<10240x128xf32, #tpu.memory_space<hbm>> -> memref<10240x128xf32, #tpu.memory_space<hbm>>
        tpu.wait_indirect_dma semaphore(%arg15 : memref<!tpu.dma_semaphore, #tpu.memory_space<semaphore_mem>>) src(%dma_wait3A_59 : memref<10240x128xf32, #tpu.memory_space<hbm>>) dst(%arg12 : memref<128x128xf32, #tpu.memory_space<vmem>>)
        %add3A_60 = arith.constant 1 : i32
        %add3A_61 = arith.addi %mul3A_35, %add3A_60 : i32
        "tpu.region"() ({
          %run_scoped3A = tpu.sem_alloc : memref<!tpu.dma_semaphore, #tpu.memory_space<semaphore_mem>>
          %dma_start3A_62 = arith.constant 0 : i32
          %dma_start3A_63 = tpu.memref_slice %arg10[%add3A_61, %dma_start3A_62] : memref<48x128xi32, #tpu.memory_space<vmem>> -> memref<1x128xi32, #tpu.memory_space<vmem>>
          %dma_start3A_64 = tpu.memref_squeeze %dma_start3A_63 : memref<1x128xi32, #tpu.memory_space<vmem>> -> memref<128xi32, #tpu.memory_space<vmem>>
          %dma_start3A_65 = arith.constant 0 : i32
          %dma_start3A_66 = arith.constant 0 : i32
          %dma_start3A_67 = tpu.memref_slice %arg13[%dma_start3A_65, %dma_start3A_66] : memref<10240x128xf32, #tpu.memory_space<vmem_shared>> -> memref<10240x128xf32, #tpu.memory_space<vmem_shared>>
          tpu.enqueue_indirect_dma source(%arg12 : memref<128x128xf32, #tpu.memory_space<vmem>>) target(%dma_start3A_67 : memref<10240x128xf32, #tpu.memory_space<vmem_shared>>) offsets(%dma_start3A_64 : memref<128xi32, #tpu.memory_space<vmem>>) semaphore(%run_scoped3A : memref<!tpu.dma_semaphore, #tpu.memory_space<semaphore_mem>>) {add = true}
          %dma_wait3A_68 = arith.constant 0 : i32
          %dma_wait3A_69 = tpu.memref_slice %arg10[%add3A_61, %dma_wait3A_68] : memref<48x128xi32, #tpu.memory_space<vmem>> -> memref<1x128xi32, #tpu.memory_space<vmem>>
          %dma_wait3A_70 = tpu.memref_squeeze %dma_wait3A_69 : memref<1x128xi32, #tpu.memory_space<vmem>> -> memref<128xi32, #tpu.memory_space<vmem>>
          %dma_wait3A_71 = arith.constant 0 : i32
          %dma_wait3A_72 = arith.constant 0 : i32
          %dma_wait3A_73 = tpu.memref_slice %arg13[%dma_wait3A_71, %dma_wait3A_72] : memref<10240x128xf32, #tpu.memory_space<vmem_shared>> -> memref<10240x128xf32, #tpu.memory_space<vmem_shared>>
          tpu.wait_indirect_dma semaphore(%run_scoped3A : memref<!tpu.dma_semaphore, #tpu.memory_space<semaphore_mem>>) src(%arg12 : memref<128x128xf32, #tpu.memory_space<vmem>>) dst(%dma_wait3A_73 : memref<10240x128xf32, #tpu.memory_space<vmem_shared>>)
          tpu.yield
        }) : () -> ()
      }
      %scan3A_29 = arith.constant 24 : i32
    } else {
    }
    %eq3A_3 = arith.constant 1 : i32
    %eq3A_4 = arith.cmpi eq, %arg0, %eq3A_3 : i32
    %convert_element_type3A_5 = arith.extui %eq3A_4 : i1 to i32
    %cond3A_6 = arith.constant 0 : i32
    %cond3A_7 = arith.cmpi ne, %convert_element_type3A_5, %cond3A_6 : i32
    scf.if %cond3A_7 {
      "tpu.region"() ({
        %run_scoped3A = tpu.sem_alloc : memref<!tpu.dma_semaphore, #tpu.memory_space<semaphore_mem>>
        %dma_start3A = arith.constant 0 : i32
        %dma_start3A_30 = arith.constant 0 : i32
        %dma_start3A_31 = tpu.memref_slice %arg2[%arg1, %dma_start3A, %dma_start3A_30] : memref<16x96x128xi32, #tpu.memory_space<hbm>> -> memref<1x48x128xi32, #tpu.memory_space<hbm>>
        %dma_start3A_32 = tpu.memref_squeeze %dma_start3A_31 : memref<1x48x128xi32, #tpu.memory_space<hbm>> -> memref<48x128xi32, #tpu.memory_space<hbm>>
        %dma_start3A_33 = arith.constant 0 : i32
        %dma_start3A_34 = arith.constant 0 : i32
        %dma_start3A_35 = tpu.memref_slice %arg2[%arg1, %dma_start3A_33, %dma_start3A_34] : memref<16x96x128xi32, #tpu.memory_space<hbm>> -> memref<1x48x128xi32, #tpu.memory_space<hbm>>
        %dma_start3A_36 = tpu.memref_squeeze %dma_start3A_35 : memref<1x48x128xi32, #tpu.memory_space<hbm>> -> memref<48x128xi32, #tpu.memory_space<hbm>>
        tpu.enqueue_dma source(%dma_start3A_36 : memref<48x128xi32, #tpu.memory_space<hbm>>) target(%arg9 : memref<48x128xi32, #tpu.memory_space<vmem>>) target_semaphore(%run_scoped3A : memref<!tpu.dma_semaphore, #tpu.memory_space<semaphore_mem>>)
        %dma_wait3A = arith.constant 0 : i32
        %dma_wait3A_37 = arith.constant 0 : i32
        %dma_wait3A_38 = tpu.memref_slice %arg2[%arg1, %dma_wait3A, %dma_wait3A_37] : memref<16x96x128xi32, #tpu.memory_space<hbm>> -> memref<1x48x128xi32, #tpu.memory_space<hbm>>
        %dma_wait3A_39 = tpu.memref_squeeze %dma_wait3A_38 : memref<1x48x128xi32, #tpu.memory_space<hbm>> -> memref<48x128xi32, #tpu.memory_space<hbm>>
        %dma_wait3A_40 = arith.constant 0 : i32
        %dma_wait3A_41 = arith.constant 0 : i32
        %dma_wait3A_42 = tpu.memref_slice %arg2[%arg1, %dma_wait3A_40, %dma_wait3A_41] : memref<16x96x128xi32, #tpu.memory_space<hbm>> -> memref<1x48x128xi32, #tpu.memory_space<hbm>>
        %dma_wait3A_43 = tpu.memref_squeeze %dma_wait3A_42 : memref<1x48x128xi32, #tpu.memory_space<hbm>> -> memref<48x128xi32, #tpu.memory_space<hbm>>
        tpu.wait_dma2 semaphore(%run_scoped3A : memref<!tpu.dma_semaphore, #tpu.memory_space<semaphore_mem>>) src(%dma_wait3A_43 : memref<48x128xi32, #tpu.memory_space<hbm>>) dst(%arg9 : memref<48x128xi32, #tpu.memory_space<vmem>>)
        tpu.yield
      }) : () -> ()
      "tpu.region"() ({
        %run_scoped3A = tpu.sem_alloc : memref<!tpu.dma_semaphore, #tpu.memory_space<semaphore_mem>>
        %dma_start3A = arith.constant 0 : i32
        %dma_start3A_30 = arith.constant 0 : i32
        %dma_start3A_31 = tpu.memref_slice %arg3[%arg1, %dma_start3A, %dma_start3A_30] : memref<16x96x128xi32, #tpu.memory_space<hbm>> -> memref<1x48x128xi32, #tpu.memory_space<hbm>>
        %dma_start3A_32 = tpu.memref_squeeze %dma_start3A_31 : memref<1x48x128xi32, #tpu.memory_space<hbm>> -> memref<48x128xi32, #tpu.memory_space<hbm>>
        %dma_start3A_33 = arith.constant 0 : i32
        %dma_start3A_34 = arith.constant 0 : i32
        %dma_start3A_35 = tpu.memref_slice %arg3[%arg1, %dma_start3A_33, %dma_start3A_34] : memref<16x96x128xi32, #tpu.memory_space<hbm>> -> memref<1x48x128xi32, #tpu.memory_space<hbm>>
        %dma_start3A_36 = tpu.memref_squeeze %dma_start3A_35 : memref<1x48x128xi32, #tpu.memory_space<hbm>> -> memref<48x128xi32, #tpu.memory_space<hbm>>
        tpu.enqueue_dma source(%dma_start3A_36 : memref<48x128xi32, #tpu.memory_space<hbm>>) target(%arg10 : memref<48x128xi32, #tpu.memory_space<vmem>>) target_semaphore(%run_scoped3A : memref<!tpu.dma_semaphore, #tpu.memory_space<semaphore_mem>>)
        %dma_wait3A = arith.constant 0 : i32
        %dma_wait3A_37 = arith.constant 0 : i32
        %dma_wait3A_38 = tpu.memref_slice %arg3[%arg1, %dma_wait3A, %dma_wait3A_37] : memref<16x96x128xi32, #tpu.memory_space<hbm>> -> memref<1x48x128xi32, #tpu.memory_space<hbm>>
        %dma_wait3A_39 = tpu.memref_squeeze %dma_wait3A_38 : memref<1x48x128xi32, #tpu.memory_space<hbm>> -> memref<48x128xi32, #tpu.memory_space<hbm>>
        %dma_wait3A_40 = arith.constant 0 : i32
        %dma_wait3A_41 = arith.constant 0 : i32
        %dma_wait3A_42 = tpu.memref_slice %arg3[%arg1, %dma_wait3A_40, %dma_wait3A_41] : memref<16x96x128xi32, #tpu.memory_space<hbm>> -> memref<1x48x128xi32, #tpu.memory_space<hbm>>
        %dma_wait3A_43 = tpu.memref_squeeze %dma_wait3A_42 : memref<1x48x128xi32, #tpu.memory_space<hbm>> -> memref<48x128xi32, #tpu.memory_space<hbm>>
        tpu.wait_dma2 semaphore(%run_scoped3A : memref<!tpu.dma_semaphore, #tpu.memory_space<semaphore_mem>>) src(%dma_wait3A_43 : memref<48x128xi32, #tpu.memory_space<hbm>>) dst(%arg10 : memref<48x128xi32, #tpu.memory_space<vmem>>)
        tpu.yield
      }) : () -> ()
      %scan3A = arith.constant 0 : i32
      %scan3A_21 = arith.constant 24 : i32
      %scan3A_22 = arith.addi %scan3A, %scan3A_21 : i32
      %scan3A_23 = arith.constant 1 : i32
      scf.for %scan3A_30 = %scan3A to %scan3A_22 step %scan3A_23  : i32 {
        %mul3A_31 = arith.constant 1 : i32
        %mul3A_32 = arith.muli %scan3A_30, %mul3A_31 : i32
        %add3A = arith.constant 0 : i32
        %add3A_33 = arith.addi %add3A, %mul3A_32 : i32
        %mul3A_34 = arith.constant 2 : i32
        %mul3A_35 = arith.muli %mul3A_34, %add3A_33 : i32
        %dma_start3A = arith.constant 0 : i32
        %dma_start3A_36 = tpu.memref_slice %arg9[%mul3A_35, %dma_start3A] : memref<48x128xi32, #tpu.memory_space<vmem>> -> memref<1x128xi32, #tpu.memory_space<vmem>>
        %dma_start3A_37 = tpu.memref_squeeze %dma_start3A_36 : memref<1x128xi32, #tpu.memory_space<vmem>> -> memref<128xi32, #tpu.memory_space<vmem>>
        %dma_start3A_38 = arith.constant 0 : i32
        %dma_start3A_39 = arith.constant 0 : i32
        %dma_start3A_40 = tpu.memref_slice %arg5[%dma_start3A_38, %dma_start3A_39] : memref<10240x128xf32, #tpu.memory_space<hbm>> -> memref<10240x128xf32, #tpu.memory_space<hbm>>
        tpu.enqueue_indirect_dma source(%dma_start3A_40 : memref<10240x128xf32, #tpu.memory_space<hbm>>) target(%arg11 : memref<128x128xf32, #tpu.memory_space<vmem>>) offsets(%dma_start3A_37 : memref<128xi32, #tpu.memory_space<vmem>>) semaphore(%arg14 : memref<!tpu.dma_semaphore, #tpu.memory_space<semaphore_mem>>)
        %add3A_41 = arith.constant 1 : i32
        %add3A_42 = arith.addi %mul3A_35, %add3A_41 : i32
        %dma_start3A_43 = arith.constant 0 : i32
        %dma_start3A_44 = tpu.memref_slice %arg9[%add3A_42, %dma_start3A_43] : memref<48x128xi32, #tpu.memory_space<vmem>> -> memref<1x128xi32, #tpu.memory_space<vmem>>
        %dma_start3A_45 = tpu.memref_squeeze %dma_start3A_44 : memref<1x128xi32, #tpu.memory_space<vmem>> -> memref<128xi32, #tpu.memory_space<vmem>>
        %dma_start3A_46 = arith.constant 0 : i32
        %dma_start3A_47 = arith.constant 0 : i32
        %dma_start3A_48 = tpu.memref_slice %arg5[%dma_start3A_46, %dma_start3A_47] : memref<10240x128xf32, #tpu.memory_space<hbm>> -> memref<10240x128xf32, #tpu.memory_space<hbm>>
        tpu.enqueue_indirect_dma source(%dma_start3A_48 : memref<10240x128xf32, #tpu.memory_space<hbm>>) target(%arg12 : memref<128x128xf32, #tpu.memory_space<vmem>>) offsets(%dma_start3A_45 : memref<128xi32, #tpu.memory_space<vmem>>) semaphore(%arg15 : memref<!tpu.dma_semaphore, #tpu.memory_space<semaphore_mem>>)
        %dma_wait3A = arith.constant 0 : i32
        %dma_wait3A_49 = tpu.memref_slice %arg9[%mul3A_35, %dma_wait3A] : memref<48x128xi32, #tpu.memory_space<vmem>> -> memref<1x128xi32, #tpu.memory_space<vmem>>
        %dma_wait3A_50 = tpu.memref_squeeze %dma_wait3A_49 : memref<1x128xi32, #tpu.memory_space<vmem>> -> memref<128xi32, #tpu.memory_space<vmem>>
        %dma_wait3A_51 = arith.constant 0 : i32
        %dma_wait3A_52 = arith.constant 0 : i32
        %dma_wait3A_53 = tpu.memref_slice %arg5[%dma_wait3A_51, %dma_wait3A_52] : memref<10240x128xf32, #tpu.memory_space<hbm>> -> memref<10240x128xf32, #tpu.memory_space<hbm>>
        tpu.wait_indirect_dma semaphore(%arg14 : memref<!tpu.dma_semaphore, #tpu.memory_space<semaphore_mem>>) src(%dma_wait3A_53 : memref<10240x128xf32, #tpu.memory_space<hbm>>) dst(%arg11 : memref<128x128xf32, #tpu.memory_space<vmem>>)
        "tpu.region"() ({
          %run_scoped3A = tpu.sem_alloc : memref<!tpu.dma_semaphore, #tpu.memory_space<semaphore_mem>>
          %dma_start3A_62 = arith.constant 0 : i32
          %dma_start3A_63 = tpu.memref_slice %arg10[%mul3A_35, %dma_start3A_62] : memref<48x128xi32, #tpu.memory_space<vmem>> -> memref<1x128xi32, #tpu.memory_space<vmem>>
          %dma_start3A_64 = tpu.memref_squeeze %dma_start3A_63 : memref<1x128xi32, #tpu.memory_space<vmem>> -> memref<128xi32, #tpu.memory_space<vmem>>
          %dma_start3A_65 = arith.constant 0 : i32
          %dma_start3A_66 = arith.constant 0 : i32
          %dma_start3A_67 = tpu.memref_slice %arg13[%dma_start3A_65, %dma_start3A_66] : memref<10240x128xf32, #tpu.memory_space<vmem_shared>> -> memref<10240x128xf32, #tpu.memory_space<vmem_shared>>
          tpu.enqueue_indirect_dma source(%arg11 : memref<128x128xf32, #tpu.memory_space<vmem>>) target(%dma_start3A_67 : memref<10240x128xf32, #tpu.memory_space<vmem_shared>>) offsets(%dma_start3A_64 : memref<128xi32, #tpu.memory_space<vmem>>) semaphore(%run_scoped3A : memref<!tpu.dma_semaphore, #tpu.memory_space<semaphore_mem>>) {add = true}
          %dma_wait3A_68 = arith.constant 0 : i32
          %dma_wait3A_69 = tpu.memref_slice %arg10[%mul3A_35, %dma_wait3A_68] : memref<48x128xi32, #tpu.memory_space<vmem>> -> memref<1x128xi32, #tpu.memory_space<vmem>>
          %dma_wait3A_70 = tpu.memref_squeeze %dma_wait3A_69 : memref<1x128xi32, #tpu.memory_space<vmem>> -> memref<128xi32, #tpu.memory_space<vmem>>
          %dma_wait3A_71 = arith.constant 0 : i32
          %dma_wait3A_72 = arith.constant 0 : i32
          %dma_wait3A_73 = tpu.memref_slice %arg13[%dma_wait3A_71, %dma_wait3A_72] : memref<10240x128xf32, #tpu.memory_space<vmem_shared>> -> memref<10240x128xf32, #tpu.memory_space<vmem_shared>>
          tpu.wait_indirect_dma semaphore(%run_scoped3A : memref<!tpu.dma_semaphore, #tpu.memory_space<semaphore_mem>>) src(%arg11 : memref<128x128xf32, #tpu.memory_space<vmem>>) dst(%dma_wait3A_73 : memref<10240x128xf32, #tpu.memory_space<vmem_shared>>)
          tpu.yield
        }) : () -> ()
        %dma_wait3A_54 = arith.constant 0 : i32
        %dma_wait3A_55 = tpu.memref_slice %arg9[%add3A_42, %dma_wait3A_54] : memref<48x128xi32, #tpu.memory_space<vmem>> -> memref<1x128xi32, #tpu.memory_space<vmem>>
        %dma_wait3A_56 = tpu.memref_squeeze %dma_wait3A_55 : memref<1x128xi32, #tpu.memory_space<vmem>> -> memref<128xi32, #tpu.memory_space<vmem>>
        %dma_wait3A_57 = arith.constant 0 : i32
        %dma_wait3A_58 = arith.constant 0 : i32
        %dma_wait3A_59 = tpu.memref_slice %arg5[%dma_wait3A_57, %dma_wait3A_58] : memref<10240x128xf32, #tpu.memory_space<hbm>> -> memref<10240x128xf32, #tpu.memory_space<hbm>>
        tpu.wait_indirect_dma semaphore(%arg15 : memref<!tpu.dma_semaphore, #tpu.memory_space<semaphore_mem>>) src(%dma_wait3A_59 : memref<10240x128xf32, #tpu.memory_space<hbm>>) dst(%arg12 : memref<128x128xf32, #tpu.memory_space<vmem>>)
        %add3A_60 = arith.constant 1 : i32
        %add3A_61 = arith.addi %mul3A_35, %add3A_60 : i32
        "tpu.region"() ({
          %run_scoped3A = tpu.sem_alloc : memref<!tpu.dma_semaphore, #tpu.memory_space<semaphore_mem>>
          %dma_start3A_62 = arith.constant 0 : i32
          %dma_start3A_63 = tpu.memref_slice %arg10[%add3A_61, %dma_start3A_62] : memref<48x128xi32, #tpu.memory_space<vmem>> -> memref<1x128xi32, #tpu.memory_space<vmem>>
          %dma_start3A_64 = tpu.memref_squeeze %dma_start3A_63 : memref<1x128xi32, #tpu.memory_space<vmem>> -> memref<128xi32, #tpu.memory_space<vmem>>
          %dma_start3A_65 = arith.constant 0 : i32
          %dma_start3A_66 = arith.constant 0 : i32
          %dma_start3A_67 = tpu.memref_slice %arg13[%dma_start3A_65, %dma_start3A_66] : memref<10240x128xf32, #tpu.memory_space<vmem_shared>> -> memref<10240x128xf32, #tpu.memory_space<vmem_shared>>
          tpu.enqueue_indirect_dma source(%arg12 : memref<128x128xf32, #tpu.memory_space<vmem>>) target(%dma_start3A_67 : memref<10240x128xf32, #tpu.memory_space<vmem_shared>>) offsets(%dma_start3A_64 : memref<128xi32, #tpu.memory_space<vmem>>) semaphore(%run_scoped3A : memref<!tpu.dma_semaphore, #tpu.memory_space<semaphore_mem>>) {add = true}
          %dma_wait3A_68 = arith.constant 0 : i32
          %dma_wait3A_69 = tpu.memref_slice %arg10[%add3A_61, %dma_wait3A_68] : memref<48x128xi32, #tpu.memory_space<vmem>> -> memref<1x128xi32, #tpu.memory_space<vmem>>
          %dma_wait3A_70 = tpu.memref_squeeze %dma_wait3A_69 : memref<1x128xi32, #tpu.memory_space<vmem>> -> memref<128xi32, #tpu.memory_space<vmem>>
          %dma_wait3A_71 = arith.constant 0 : i32
          %dma_wait3A_72 = arith.constant 0 : i32
          %dma_wait3A_73 = tpu.memref_slice %arg13[%dma_wait3A_71, %dma_wait3A_72] : memref<10240x128xf32, #tpu.memory_space<vmem_shared>> -> memref<10240x128xf32, #tpu.memory_space<vmem_shared>>
          tpu.wait_indirect_dma semaphore(%run_scoped3A : memref<!tpu.dma_semaphore, #tpu.memory_space<semaphore_mem>>) src(%arg12 : memref<128x128xf32, #tpu.memory_space<vmem>>) dst(%dma_wait3A_73 : memref<10240x128xf32, #tpu.memory_space<vmem_shared>>)
          tpu.yield
        }) : () -> ()
      }
      %scan3A_24 = arith.constant 24 : i32
      "tpu.region"() ({
        %run_scoped3A = tpu.sem_alloc : memref<!tpu.dma_semaphore, #tpu.memory_space<semaphore_mem>>
        %dma_start3A = arith.constant 48 : i32
        %dma_start3A_30 = arith.constant 0 : i32
        %dma_start3A_31 = tpu.memref_slice %arg2[%arg1, %dma_start3A, %dma_start3A_30] : memref<16x96x128xi32, #tpu.memory_space<hbm>> -> memref<1x48x128xi32, #tpu.memory_space<hbm>>
        %dma_start3A_32 = tpu.memref_squeeze %dma_start3A_31 : memref<1x48x128xi32, #tpu.memory_space<hbm>> -> memref<48x128xi32, #tpu.memory_space<hbm>>
        %dma_start3A_33 = arith.constant 48 : i32
        %dma_start3A_34 = arith.constant 0 : i32
        %dma_start3A_35 = tpu.memref_slice %arg2[%arg1, %dma_start3A_33, %dma_start3A_34] : memref<16x96x128xi32, #tpu.memory_space<hbm>> -> memref<1x48x128xi32, #tpu.memory_space<hbm>>
        %dma_start3A_36 = tpu.memref_squeeze %dma_start3A_35 : memref<1x48x128xi32, #tpu.memory_space<hbm>> -> memref<48x128xi32, #tpu.memory_space<hbm>>
        tpu.enqueue_dma source(%dma_start3A_36 : memref<48x128xi32, #tpu.memory_space<hbm>>) target(%arg9 : memref<48x128xi32, #tpu.memory_space<vmem>>) target_semaphore(%run_scoped3A : memref<!tpu.dma_semaphore, #tpu.memory_space<semaphore_mem>>)
        %dma_wait3A = arith.constant 48 : i32
        %dma_wait3A_37 = arith.constant 0 : i32
        %dma_wait3A_38 = tpu.memref_slice %arg2[%arg1, %dma_wait3A, %dma_wait3A_37] : memref<16x96x128xi32, #tpu.memory_space<hbm>> -> memref<1x48x128xi32, #tpu.memory_space<hbm>>
        %dma_wait3A_39 = tpu.memref_squeeze %dma_wait3A_38 : memref<1x48x128xi32, #tpu.memory_space<hbm>> -> memref<48x128xi32, #tpu.memory_space<hbm>>
        %dma_wait3A_40 = arith.constant 48 : i32
        %dma_wait3A_41 = arith.constant 0 : i32
        %dma_wait3A_42 = tpu.memref_slice %arg2[%arg1, %dma_wait3A_40, %dma_wait3A_41] : memref<16x96x128xi32, #tpu.memory_space<hbm>> -> memref<1x48x128xi32, #tpu.memory_space<hbm>>
        %dma_wait3A_43 = tpu.memref_squeeze %dma_wait3A_42 : memref<1x48x128xi32, #tpu.memory_space<hbm>> -> memref<48x128xi32, #tpu.memory_space<hbm>>
        tpu.wait_dma2 semaphore(%run_scoped3A : memref<!tpu.dma_semaphore, #tpu.memory_space<semaphore_mem>>) src(%dma_wait3A_43 : memref<48x128xi32, #tpu.memory_space<hbm>>) dst(%arg9 : memref<48x128xi32, #tpu.memory_space<vmem>>)
        tpu.yield
      }) : () -> ()
      "tpu.region"() ({
        %run_scoped3A = tpu.sem_alloc : memref<!tpu.dma_semaphore, #tpu.memory_space<semaphore_mem>>
        %dma_start3A = arith.constant 48 : i32
        %dma_start3A_30 = arith.constant 0 : i32
        %dma_start3A_31 = tpu.memref_slice %arg3[%arg1, %dma_start3A, %dma_start3A_30] : memref<16x96x128xi32, #tpu.memory_space<hbm>> -> memref<1x48x128xi32, #tpu.memory_space<hbm>>
        %dma_start3A_32 = tpu.memref_squeeze %dma_start3A_31 : memref<1x48x128xi32, #tpu.memory_space<hbm>> -> memref<48x128xi32, #tpu.memory_space<hbm>>
        %dma_start3A_33 = arith.constant 48 : i32
        %dma_start3A_34 = arith.constant 0 : i32
        %dma_start3A_35 = tpu.memref_slice %arg3[%arg1, %dma_start3A_33, %dma_start3A_34] : memref<16x96x128xi32, #tpu.memory_space<hbm>> -> memref<1x48x128xi32, #tpu.memory_space<hbm>>
        %dma_start3A_36 = tpu.memref_squeeze %dma_start3A_35 : memref<1x48x128xi32, #tpu.memory_space<hbm>> -> memref<48x128xi32, #tpu.memory_space<hbm>>
        tpu.enqueue_dma source(%dma_start3A_36 : memref<48x128xi32, #tpu.memory_space<hbm>>) target(%arg10 : memref<48x128xi32, #tpu.memory_space<vmem>>) target_semaphore(%run_scoped3A : memref<!tpu.dma_semaphore, #tpu.memory_space<semaphore_mem>>)
        %dma_wait3A = arith.constant 48 : i32
        %dma_wait3A_37 = arith.constant 0 : i32
        %dma_wait3A_38 = tpu.memref_slice %arg3[%arg1, %dma_wait3A, %dma_wait3A_37] : memref<16x96x128xi32, #tpu.memory_space<hbm>> -> memref<1x48x128xi32, #tpu.memory_space<hbm>>
        %dma_wait3A_39 = tpu.memref_squeeze %dma_wait3A_38 : memref<1x48x128xi32, #tpu.memory_space<hbm>> -> memref<48x128xi32, #tpu.memory_space<hbm>>
        %dma_wait3A_40 = arith.constant 48 : i32
        %dma_wait3A_41 = arith.constant 0 : i32
        %dma_wait3A_42 = tpu.memref_slice %arg3[%arg1, %dma_wait3A_40, %dma_wait3A_41] : memref<16x96x128xi32, #tpu.memory_space<hbm>> -> memref<1x48x128xi32, #tpu.memory_space<hbm>>
        %dma_wait3A_43 = tpu.memref_squeeze %dma_wait3A_42 : memref<1x48x128xi32, #tpu.memory_space<hbm>> -> memref<48x128xi32, #tpu.memory_space<hbm>>
        tpu.wait_dma2 semaphore(%run_scoped3A : memref<!tpu.dma_semaphore, #tpu.memory_space<semaphore_mem>>) src(%dma_wait3A_43 : memref<48x128xi32, #tpu.memory_space<hbm>>) dst(%arg10 : memref<48x128xi32, #tpu.memory_space<vmem>>)
        tpu.yield
      }) : () -> ()
      %scan3A_25 = arith.constant 0 : i32
      %scan3A_26 = arith.constant 24 : i32
      %scan3A_27 = arith.addi %scan3A_25, %scan3A_26 : i32
      %scan3A_28 = arith.constant 1 : i32
      scf.for %scan3A_30 = %scan3A_25 to %scan3A_27 step %scan3A_28  : i32 {
        %mul3A_31 = arith.constant 1 : i32
        %mul3A_32 = arith.muli %scan3A_30, %mul3A_31 : i32
        %add3A = arith.constant 0 : i32
        %add3A_33 = arith.addi %add3A, %mul3A_32 : i32
        %mul3A_34 = arith.constant 2 : i32
        %mul3A_35 = arith.muli %mul3A_34, %add3A_33 : i32
        %dma_start3A = arith.constant 0 : i32
        %dma_start3A_36 = tpu.memref_slice %arg9[%mul3A_35, %dma_start3A] : memref<48x128xi32, #tpu.memory_space<vmem>> -> memref<1x128xi32, #tpu.memory_space<vmem>>
        %dma_start3A_37 = tpu.memref_squeeze %dma_start3A_36 : memref<1x128xi32, #tpu.memory_space<vmem>> -> memref<128xi32, #tpu.memory_space<vmem>>
        %dma_start3A_38 = arith.constant 0 : i32
        %dma_start3A_39 = arith.constant 0 : i32
        %dma_start3A_40 = tpu.memref_slice %arg5[%dma_start3A_38, %dma_start3A_39] : memref<10240x128xf32, #tpu.memory_space<hbm>> -> memref<10240x128xf32, #tpu.memory_space<hbm>>
        tpu.enqueue_indirect_dma source(%dma_start3A_40 : memref<10240x128xf32, #tpu.memory_space<hbm>>) target(%arg11 : memref<128x128xf32, #tpu.memory_space<vmem>>) offsets(%dma_start3A_37 : memref<128xi32, #tpu.memory_space<vmem>>) semaphore(%arg14 : memref<!tpu.dma_semaphore, #tpu.memory_space<semaphore_mem>>)
        %add3A_41 = arith.constant 1 : i32
        %add3A_42 = arith.addi %mul3A_35, %add3A_41 : i32
        %dma_start3A_43 = arith.constant 0 : i32
        %dma_start3A_44 = tpu.memref_slice %arg9[%add3A_42, %dma_start3A_43] : memref<48x128xi32, #tpu.memory_space<vmem>> -> memref<1x128xi32, #tpu.memory_space<vmem>>
        %dma_start3A_45 = tpu.memref_squeeze %dma_start3A_44 : memref<1x128xi32, #tpu.memory_space<vmem>> -> memref<128xi32, #tpu.memory_space<vmem>>
        %dma_start3A_46 = arith.constant 0 : i32
        %dma_start3A_47 = arith.constant 0 : i32
        %dma_start3A_48 = tpu.memref_slice %arg5[%dma_start3A_46, %dma_start3A_47] : memref<10240x128xf32, #tpu.memory_space<hbm>> -> memref<10240x128xf32, #tpu.memory_space<hbm>>
        tpu.enqueue_indirect_dma source(%dma_start3A_48 : memref<10240x128xf32, #tpu.memory_space<hbm>>) target(%arg12 : memref<128x128xf32, #tpu.memory_space<vmem>>) offsets(%dma_start3A_45 : memref<128xi32, #tpu.memory_space<vmem>>) semaphore(%arg15 : memref<!tpu.dma_semaphore, #tpu.memory_space<semaphore_mem>>)
        %dma_wait3A = arith.constant 0 : i32
        %dma_wait3A_49 = tpu.memref_slice %arg9[%mul3A_35, %dma_wait3A] : memref<48x128xi32, #tpu.memory_space<vmem>> -> memref<1x128xi32, #tpu.memory_space<vmem>>
        %dma_wait3A_50 = tpu.memref_squeeze %dma_wait3A_49 : memref<1x128xi32, #tpu.memory_space<vmem>> -> memref<128xi32, #tpu.memory_space<vmem>>
        %dma_wait3A_51 = arith.constant 0 : i32
        %dma_wait3A_52 = arith.constant 0 : i32
        %dma_wait3A_53 = tpu.memref_slice %arg5[%dma_wait3A_51, %dma_wait3A_52] : memref<10240x128xf32, #tpu.memory_space<hbm>> -> memref<10240x128xf32, #tpu.memory_space<hbm>>
        tpu.wait_indirect_dma semaphore(%arg14 : memref<!tpu.dma_semaphore, #tpu.memory_space<semaphore_mem>>) src(%dma_wait3A_53 : memref<10240x128xf32, #tpu.memory_space<hbm>>) dst(%arg11 : memref<128x128xf32, #tpu.memory_space<vmem>>)
        "tpu.region"() ({
          %run_scoped3A = tpu.sem_alloc : memref<!tpu.dma_semaphore, #tpu.memory_space<semaphore_mem>>
          %dma_start3A_62 = arith.constant 0 : i32
          %dma_start3A_63 = tpu.memref_slice %arg10[%mul3A_35, %dma_start3A_62] : memref<48x128xi32, #tpu.memory_space<vmem>> -> memref<1x128xi32, #tpu.memory_space<vmem>>
          %dma_start3A_64 = tpu.memref_squeeze %dma_start3A_63 : memref<1x128xi32, #tpu.memory_space<vmem>> -> memref<128xi32, #tpu.memory_space<vmem>>
          %dma_start3A_65 = arith.constant 0 : i32
          %dma_start3A_66 = arith.constant 0 : i32
          %dma_start3A_67 = tpu.memref_slice %arg13[%dma_start3A_65, %dma_start3A_66] : memref<10240x128xf32, #tpu.memory_space<vmem_shared>> -> memref<10240x128xf32, #tpu.memory_space<vmem_shared>>
          tpu.enqueue_indirect_dma source(%arg11 : memref<128x128xf32, #tpu.memory_space<vmem>>) target(%dma_start3A_67 : memref<10240x128xf32, #tpu.memory_space<vmem_shared>>) offsets(%dma_start3A_64 : memref<128xi32, #tpu.memory_space<vmem>>) semaphore(%run_scoped3A : memref<!tpu.dma_semaphore, #tpu.memory_space<semaphore_mem>>) {add = true}
          %dma_wait3A_68 = arith.constant 0 : i32
          %dma_wait3A_69 = tpu.memref_slice %arg10[%mul3A_35, %dma_wait3A_68] : memref<48x128xi32, #tpu.memory_space<vmem>> -> memref<1x128xi32, #tpu.memory_space<vmem>>
          %dma_wait3A_70 = tpu.memref_squeeze %dma_wait3A_69 : memref<1x128xi32, #tpu.memory_space<vmem>> -> memref<128xi32, #tpu.memory_space<vmem>>
          %dma_wait3A_71 = arith.constant 0 : i32
          %dma_wait3A_72 = arith.constant 0 : i32
          %dma_wait3A_73 = tpu.memref_slice %arg13[%dma_wait3A_71, %dma_wait3A_72] : memref<10240x128xf32, #tpu.memory_space<vmem_shared>> -> memref<10240x128xf32, #tpu.memory_space<vmem_shared>>
          tpu.wait_indirect_dma semaphore(%run_scoped3A : memref<!tpu.dma_semaphore, #tpu.memory_space<semaphore_mem>>) src(%arg11 : memref<128x128xf32, #tpu.memory_space<vmem>>) dst(%dma_wait3A_73 : memref<10240x128xf32, #tpu.memory_space<vmem_shared>>)
          tpu.yield
        }) : () -> ()
        %dma_wait3A_54 = arith.constant 0 : i32
        %dma_wait3A_55 = tpu.memref_slice %arg9[%add3A_42, %dma_wait3A_54] : memref<48x128xi32, #tpu.memory_space<vmem>> -> memref<1x128xi32, #tpu.memory_space<vmem>>
        %dma_wait3A_56 = tpu.memref_squeeze %dma_wait3A_55 : memref<1x128xi32, #tpu.memory_space<vmem>> -> memref<128xi32, #tpu.memory_space<vmem>>
        %dma_wait3A_57 = arith.constant 0 : i32
        %dma_wait3A_58 = arith.constant 0 : i32
        %dma_wait3A_59 = tpu.memref_slice %arg5[%dma_wait3A_57, %dma_wait3A_58] : memref<10240x128xf32, #tpu.memory_space<hbm>> -> memref<10240x128xf32, #tpu.memory_space<hbm>>
        tpu.wait_indirect_dma semaphore(%arg15 : memref<!tpu.dma_semaphore, #tpu.memory_space<semaphore_mem>>) src(%dma_wait3A_59 : memref<10240x128xf32, #tpu.memory_space<hbm>>) dst(%arg12 : memref<128x128xf32, #tpu.memory_space<vmem>>)
        %add3A_60 = arith.constant 1 : i32
        %add3A_61 = arith.addi %mul3A_35, %add3A_60 : i32
        "tpu.region"() ({
          %run_scoped3A = tpu.sem_alloc : memref<!tpu.dma_semaphore, #tpu.memory_space<semaphore_mem>>
          %dma_start3A_62 = arith.constant 0 : i32
          %dma_start3A_63 = tpu.memref_slice %arg10[%add3A_61, %dma_start3A_62] : memref<48x128xi32, #tpu.memory_space<vmem>> -> memref<1x128xi32, #tpu.memory_space<vmem>>
          %dma_start3A_64 = tpu.memref_squeeze %dma_start3A_63 : memref<1x128xi32, #tpu.memory_space<vmem>> -> memref<128xi32, #tpu.memory_space<vmem>>
          %dma_start3A_65 = arith.constant 0 : i32
          %dma_start3A_66 = arith.constant 0 : i32
          %dma_start3A_67 = tpu.memref_slice %arg13[%dma_start3A_65, %dma_start3A_66] : memref<10240x128xf32, #tpu.memory_space<vmem_shared>> -> memref<10240x128xf32, #tpu.memory_space<vmem_shared>>
          tpu.enqueue_indirect_dma source(%arg12 : memref<128x128xf32, #tpu.memory_space<vmem>>) target(%dma_start3A_67 : memref<10240x128xf32, #tpu.memory_space<vmem_shared>>) offsets(%dma_start3A_64 : memref<128xi32, #tpu.memory_space<vmem>>) semaphore(%run_scoped3A : memref<!tpu.dma_semaphore, #tpu.memory_space<semaphore_mem>>) {add = true}
          %dma_wait3A_68 = arith.constant 0 : i32
          %dma_wait3A_69 = tpu.memref_slice %arg10[%add3A_61, %dma_wait3A_68] : memref<48x128xi32, #tpu.memory_space<vmem>> -> memref<1x128xi32, #tpu.memory_space<vmem>>
          %dma_wait3A_70 = tpu.memref_squeeze %dma_wait3A_69 : memref<1x128xi32, #tpu.memory_space<vmem>> -> memref<128xi32, #tpu.memory_space<vmem>>
          %dma_wait3A_71 = arith.constant 0 : i32
          %dma_wait3A_72 = arith.constant 0 : i32
          %dma_wait3A_73 = tpu.memref_slice %arg13[%dma_wait3A_71, %dma_wait3A_72] : memref<10240x128xf32, #tpu.memory_space<vmem_shared>> -> memref<10240x128xf32, #tpu.memory_space<vmem_shared>>
          tpu.wait_indirect_dma semaphore(%run_scoped3A : memref<!tpu.dma_semaphore, #tpu.memory_space<semaphore_mem>>) src(%arg12 : memref<128x128xf32, #tpu.memory_space<vmem>>) dst(%dma_wait3A_73 : memref<10240x128xf32, #tpu.memory_space<vmem_shared>>)
          tpu.yield
        }) : () -> ()
      }
      %scan3A_29 = arith.constant 24 : i32
    } else {
    }
    %barrier3A_8 = arith.constant 0 : index
    tpu.barrier barrier_id(%barrier3A_8)
    %mul3A_9 = arith.constant 640 : i32
    %mul3A_10 = arith.muli %arg1, %mul3A_9 : i32
    %eq3A_11 = arith.constant 0 : i32
    %eq3A_12 = arith.cmpi eq, %arg0, %eq3A_11 : i32
    %convert_element_type3A_13 = arith.extui %eq3A_12 : i1 to i32
    %cond3A_14 = arith.constant 0 : i32
    %cond3A_15 = arith.cmpi ne, %convert_element_type3A_13, %cond3A_14 : i32
    scf.if %cond3A_15 {
      "tpu.region"() ({
        %run_scoped3A = tpu.sem_alloc : memref<!tpu.dma_semaphore, #tpu.memory_space<semaphore_mem>>
        %dma_start3A = arith.constant 0 : i32
        %dma_start3A_21 = tpu.memref_slice %arg7[%mul3A_10, %dma_start3A] : memref<10240x128xf32, #tpu.memory_space<hbm>> -> memref<640x128xf32, #tpu.memory_space<hbm>>
        %dma_start3A_22 = arith.constant 0 : i32
        %dma_start3A_23 = tpu.memref_slice %arg13[%mul3A_10, %dma_start3A_22] : memref<10240x128xf32, #tpu.memory_space<vmem_shared>> -> memref<640x128xf32, #tpu.memory_space<vmem_shared>>
        tpu.enqueue_dma source(%dma_start3A_23 : memref<640x128xf32, #tpu.memory_space<vmem_shared>>) target(%dma_start3A_21 : memref<640x128xf32, #tpu.memory_space<hbm>>) target_semaphore(%run_scoped3A : memref<!tpu.dma_semaphore, #tpu.memory_space<semaphore_mem>>)
        %dma_wait3A = arith.constant 0 : i32
        %dma_wait3A_24 = tpu.memref_slice %arg7[%mul3A_10, %dma_wait3A] : memref<10240x128xf32, #tpu.memory_space<hbm>> -> memref<640x128xf32, #tpu.memory_space<hbm>>
        %dma_wait3A_25 = arith.constant 0 : i32
        %dma_wait3A_26 = tpu.memref_slice %arg13[%mul3A_10, %dma_wait3A_25] : memref<10240x128xf32, #tpu.memory_space<vmem_shared>> -> memref<640x128xf32, #tpu.memory_space<vmem_shared>>
        tpu.wait_dma2 semaphore(%run_scoped3A : memref<!tpu.dma_semaphore, #tpu.memory_space<semaphore_mem>>) src(%dma_wait3A_26 : memref<640x128xf32, #tpu.memory_space<vmem_shared>>) dst(%dma_wait3A_24 : memref<640x128xf32, #tpu.memory_space<hbm>>)
        tpu.yield
      }) : () -> ()
    } else {
    }
    %eq3A_16 = arith.constant 1 : i32
    %eq3A_17 = arith.cmpi eq, %arg0, %eq3A_16 : i32
    %convert_element_type3A_18 = arith.extui %eq3A_17 : i1 to i32
    %cond3A_19 = arith.constant 0 : i32
    %cond3A_20 = arith.cmpi ne, %convert_element_type3A_18, %cond3A_19 : i32
    scf.if %cond3A_20 {
      "tpu.region"() ({
        %run_scoped3A = tpu.sem_alloc : memref<!tpu.dma_semaphore, #tpu.memory_space<semaphore_mem>>
        %dma_start3A = arith.constant 0 : i32
        %dma_start3A_21 = tpu.memref_slice %arg8[%mul3A_10, %dma_start3A] : memref<10240x128xf32, #tpu.memory_space<hbm>> -> memref<640x128xf32, #tpu.memory_space<hbm>>
        %dma_start3A_22 = arith.constant 0 : i32
        %dma_start3A_23 = tpu.memref_slice %arg13[%mul3A_10, %dma_start3A_22] : memref<10240x128xf32, #tpu.memory_space<vmem_shared>> -> memref<640x128xf32, #tpu.memory_space<vmem_shared>>
        tpu.enqueue_dma source(%dma_start3A_23 : memref<640x128xf32, #tpu.memory_space<vmem_shared>>) target(%dma_start3A_21 : memref<640x128xf32, #tpu.memory_space<hbm>>) target_semaphore(%run_scoped3A : memref<!tpu.dma_semaphore, #tpu.memory_space<semaphore_mem>>)
        %dma_wait3A = arith.constant 0 : i32
        %dma_wait3A_24 = tpu.memref_slice %arg8[%mul3A_10, %dma_wait3A] : memref<10240x128xf32, #tpu.memory_space<hbm>> -> memref<640x128xf32, #tpu.memory_space<hbm>>
        %dma_wait3A_25 = arith.constant 0 : i32
        %dma_wait3A_26 = tpu.memref_slice %arg13[%mul3A_10, %dma_wait3A_25] : memref<10240x128xf32, #tpu.memory_space<vmem_shared>> -> memref<640x128xf32, #tpu.memory_space<vmem_shared>>
        tpu.wait_dma2 semaphore(%run_scoped3A : memref<!tpu.dma_semaphore, #tpu.memory_space<semaphore_mem>>) src(%dma_wait3A_26 : memref<640x128xf32, #tpu.memory_space<vmem_shared>>) dst(%dma_wait3A_24 : memref<640x128xf32, #tpu.memory_space<hbm>>)
        tpu.yield
      }) : () -> ()
    } else {
    }
    return
  }
}

module attributes {stable_mosaic.version = 14 : i64} {
  func.func @_scale_body(%arg0: i32, %arg1: memref<2x1024x128xf32, #tpu.memory_space<vmem>>, %arg2: memref<1024x256xf32, #tpu.memory_space<vmem>>, %arg3: memref<1024xf32, #tpu.memory_space<vmem>>, %arg4: memref<1024x128xf32, #tpu.memory_space<vmem>>, %arg5: memref<1024x128xf32, #tpu.memory_space<vmem>>) attributes {dimension_semantics = [#tpu.dimension_semantics<arbitrary>], iteration_bounds = array<i64: 10>, scalar_prefetch = 0 : i64, scratch_operands = 0 : i64, tpu.core_type = #tpu.core_type<tc>, window_params = [{transform_indices = @transform_0, window_bounds = array<i64: 2, 1024, 128>}, {transform_indices = @transform_1, window_bounds = array<i64: 1024, 256>}, {transform_indices = @transform_2, window_bounds = array<i64: 1024>}, {transform_indices = @transform_3, window_bounds = array<i64: 1024, 128>}, {transform_indices = @transform_4, window_bounds = array<i64: 1024, 128>}]} {
    %get3A = arith.constant 0 : index
    %get3A_0 = arith.constant 0 : index
    %get3A_1 = arith.constant 0 : index
    %get3A_2 = vector.load %arg1[%get3A, %get3A_0, %get3A_1] : memref<2x1024x128xf32, #tpu.memory_space<vmem>>, vector<1x1024x1xf32>
    %get3A_3 = vector.shape_cast %get3A_2 : vector<1x1024x1xf32> to vector<1024xf32>
    %get3A_4 = arith.constant 1 : index
    %get3A_5 = arith.constant 0 : index
    %get3A_6 = arith.constant 0 : index
    %get3A_7 = vector.load %arg1[%get3A_4, %get3A_5, %get3A_6] : memref<2x1024x128xf32, #tpu.memory_space<vmem>>, vector<1x1024x1xf32>
    %get3A_8 = vector.shape_cast %get3A_7 : vector<1x1024x1xf32> to vector<1024xf32>
    %add3A = arith.addf %get3A_3, %get3A_8 : vector<1024xf32>
    %gt3A = arith.constant 0.000000e+00 : f32
    %gt3A_9 = vector.broadcast %gt3A : f32 to vector<1024xf32>
    %gt3A_10 = arith.cmpf ogt, %add3A, %gt3A_9 : vector<1024xf32>
    %rsqrt3A = math.rsqrt %add3A : vector<1024xf32>
    %jit3A = arith.constant 0.000000e+00 : f32
    %broadcast_in_dim3A = vector.broadcast %jit3A : f32 to vector<1024xf32>
    %select_n3A = arith.select %gt3A_10, %rsqrt3A, %broadcast_in_dim3A : vector<1024xi1>, vector<1024xf32>
    %swap3A = arith.constant 0 : index
    %swap3A_11 = vector.load %arg3[%swap3A] : memref<1024xf32, #tpu.memory_space<vmem>>, vector<1024xf32>
    tpu.vector_store %arg3[%swap3A], %select_n3A {strides = array<i32>} : memref<1024xf32, #tpu.memory_space<vmem>>, vector<1024xf32>,
    %get3A_12 = arith.constant 0 : index
    %get3A_13 = arith.constant 0 : index
    %get3A_14 = vector.load %arg2[%get3A_12, %get3A_13] : memref<1024x256xf32, #tpu.memory_space<vmem>>, vector<1024x256xf32>
    %broadcast_in_dim3A_15 = vector.shape_cast %select_n3A : vector<1024xf32> to vector<1024x1xf32>
    %mul3A = vector.broadcast %broadcast_in_dim3A_15 : vector<1024x1xf32> to vector<1024x256xf32>
    %mul3A_16 = arith.mulf %get3A_14, %mul3A : vector<1024x256xf32>
    %slice3A = vector.extract_strided_slice %mul3A_16 {offsets = [0, 0], sizes = [1024, 128], strides = [1, 1]} : vector<1024x256xf32> to vector<1024x128xf32>
    %swap3A_17 = arith.constant 0 : index
    %swap3A_18 = arith.constant 0 : index
    %swap3A_19 = vector.load %arg4[%swap3A_17, %swap3A_18] : memref<1024x128xf32, #tpu.memory_space<vmem>>, vector<1024x128xf32>
    tpu.vector_store %arg4[%swap3A_17, %swap3A_18], %slice3A {strides = array<i32>} : memref<1024x128xf32, #tpu.memory_space<vmem>>, vector<1024x128xf32>,
    %slice3A_20 = vector.extract_strided_slice %mul3A_16 {offsets = [0, 128], sizes = [1024, 128], strides = [1, 1]} : vector<1024x256xf32> to vector<1024x128xf32>
    %swap3A_21 = arith.constant 0 : index
    %swap3A_22 = arith.constant 0 : index
    %swap3A_23 = vector.load %arg5[%swap3A_21, %swap3A_22] : memref<1024x128xf32, #tpu.memory_space<vmem>>, vector<1024x128xf32>
    tpu.vector_store %arg5[%swap3A_21, %swap3A_22], %slice3A_20 {strides = array<i32>} : memref<1024x128xf32, #tpu.memory_space<vmem>>, vector<1024x128xf32>,
    return
  }
  func.func @transform_0(%arg0: i32) -> (i32, i32, i32) {
    %c0_i32 = arith.constant 0 : i32
    %c0_i32_0 = arith.constant 0 : i32
    %c0_i32_1 = arith.constant 0 : i32
    return %c0_i32, %arg0, %c0_i32_0 : i32, i32, i32
  }
  func.func @transform_1(%arg0: i32) -> (i32, i32) {
    %c0_i32 = arith.constant 0 : i32
    %c0_i32_0 = arith.constant 0 : i32
    return %arg0, %c0_i32 : i32, i32
  }
  func.func @transform_2(%arg0: i32) -> i32 {
    %c0_i32 = arith.constant 0 : i32
    return %arg0 : i32
  }
  func.func @transform_3(%arg0: i32) -> (i32, i32) {
    %c0_i32 = arith.constant 0 : i32
    %c0_i32_0 = arith.constant 0 : i32
    return %arg0, %c0_i32 : i32, i32
  }
  func.func @transform_4(%arg0: i32) -> (i32, i32) {
    %c0_i32 = arith.constant 0 : i32
    %c0_i32_0 = arith.constant 0 : i32
    return %arg0, %c0_i32 : i32, i32
  }
}

module attributes {stable_mosaic.version = 14 : i64} {
  func.func @_mlp_body(%arg0: i32, %arg1: memref<512x128xf32, #tpu.memory_space<vmem>>, %arg2: memref<512x128xf32, #tpu.memory_space<vmem>>, %arg3: memref<512xf32, #tpu.memory_space<vmem>>, %arg4: memref<256x1024xf32, #tpu.memory_space<vmem>>, %arg5: memref<1024xf32, #tpu.memory_space<vmem>>, %arg6: memref<1024x256xf32, #tpu.memory_space<vmem>>, %arg7: memref<512x128xf32, #tpu.memory_space<vmem>>, %arg8: memref<512x128xf32, #tpu.memory_space<vmem>>) attributes {dimension_semantics = [#tpu.dimension_semantics<arbitrary>], iteration_bounds = array<i64: 20>, scalar_prefetch = 0 : i64, scratch_operands = 0 : i64, tpu.core_type = #tpu.core_type<tc>, window_params = [{transform_indices = @transform_0, window_bounds = array<i64: 512, 128>}, {transform_indices = @transform_1, window_bounds = array<i64: 512, 128>}, {transform_indices = @transform_2, window_bounds = array<i64: 512>}, {pipeline_mode = #tpu.pipeline_mode<synchronous>, transform_indices = @transform_3, window_bounds = array<i64: 256, 1024>}, {pipeline_mode = #tpu.pipeline_mode<synchronous>, transform_indices = @transform_4, window_bounds = array<i64: 1024>}, {pipeline_mode = #tpu.pipeline_mode<synchronous>, transform_indices = @transform_5, window_bounds = array<i64: 1024, 256>}, {transform_indices = @transform_6, window_bounds = array<i64: 512, 128>}, {transform_indices = @transform_7, window_bounds = array<i64: 512, 128>}]} {
    %get3A = arith.constant 0 : index
    %get3A_0 = vector.load %arg3[%get3A] : memref<512xf32, #tpu.memory_space<vmem>>, vector<512xf32>
    %get3A_1 = arith.constant 0 : index
    %get3A_2 = arith.constant 0 : index
    %get3A_3 = vector.load %arg1[%get3A_1, %get3A_2] : memref<512x128xf32, #tpu.memory_space<vmem>>, vector<512x128xf32>
    %get3A_4 = arith.constant 0 : index
    %get3A_5 = arith.constant 0 : index
    %get3A_6 = vector.load %arg2[%get3A_4, %get3A_5] : memref<512x128xf32, #tpu.memory_space<vmem>>, vector<512x128xf32>
    %concatenate3A = tpu.concatenate %get3A_3, %get3A_6 in 1 : vector<512x128xf32>, vector<512x128xf32> -> vector<512x256xf32>
    %broadcast_in_dim3A = vector.shape_cast %get3A_0 : vector<512xf32> to vector<512x1xf32>
    %mul3A = vector.broadcast %broadcast_in_dim3A : vector<512x1xf32> to vector<512x256xf32>
    %mul3A_7 = arith.mulf %concatenate3A, %mul3A : vector<512x256xf32>
    %get3A_8 = arith.constant 0 : index
    %get3A_9 = arith.constant 0 : index
    %get3A_10 = vector.load %arg4[%get3A_8, %get3A_9] : memref<256x1024xf32, #tpu.memory_space<vmem>>, vector<256x1024xf32>
    %dot_general3A = arith.constant dense<0.000000e+00> : vector<512x1024xf32>
    %dot_general3A_11 = tpu.matmul %mul3A_7, %get3A_10, %dot_general3A {dimension_numbers = #tpu.dot_dimension_numbers<[1], [0], [0], [1], [0, 0, 1, 1], [], []>, transpose_lhs_hint = false} : vector<512x256xf32>, vector<256x1024xf32>, vector<512x1024xf32> -> vector<512x1024xf32>
    %get3A_12 = arith.constant 0 : index
    %get3A_13 = vector.load %arg5[%get3A_12] : memref<1024xf32, #tpu.memory_space<vmem>>, vector<1024xf32>
    %broadcast_in_dim3A_14 = vector.shape_cast %get3A_13 : vector<1024xf32> to vector<1x1024xf32>
    %add3A = vector.broadcast %broadcast_in_dim3A_14 : vector<1x1024xf32> to vector<512x1024xf32>
    %add3A_15 = arith.addf %dot_general3A_11, %add3A : vector<512x1024xf32>
    %max3A = arith.constant 0.000000e+00 : f32
    %max3A_16 = vector.broadcast %max3A : f32 to vector<512x1024xf32>
    %max3A_17 = arith.maximumf %add3A_15, %max3A_16 : vector<512x1024xf32>
    %get3A_18 = arith.constant 0 : index
    %get3A_19 = arith.constant 0 : index
    %get3A_20 = vector.load %arg6[%get3A_18, %get3A_19] : memref<1024x256xf32, #tpu.memory_space<vmem>>, vector<1024x256xf32>
    %dot_general3A_21 = arith.constant dense<0.000000e+00> : vector<512x256xf32>
    %dot_general3A_22 = tpu.matmul %max3A_17, %get3A_20, %dot_general3A_21 {dimension_numbers = #tpu.dot_dimension_numbers<[1], [0], [0], [1], [0, 0, 1, 1], [], []>, transpose_lhs_hint = false} : vector<512x1024xf32>, vector<1024x256xf32>, vector<512x256xf32> -> vector<512x256xf32>
    %broadcast_in_dim3A_23 = vector.shape_cast %get3A_0 : vector<512xf32> to vector<512x1xf32>
    %mul3A_24 = vector.broadcast %broadcast_in_dim3A_23 : vector<512x1xf32> to vector<512x256xf32>
    %mul3A_25 = arith.mulf %dot_general3A_22, %mul3A_24 : vector<512x256xf32>
    %slice3A = vector.extract_strided_slice %mul3A_25 {offsets = [0, 0], sizes = [512, 128], strides = [1, 1]} : vector<512x256xf32> to vector<512x128xf32>
    %swap3A = arith.constant 0 : index
    %swap3A_26 = arith.constant 0 : index
    %swap3A_27 = vector.load %arg7[%swap3A, %swap3A_26] : memref<512x128xf32, #tpu.memory_space<vmem>>, vector<512x128xf32>
    tpu.vector_store %arg7[%swap3A, %swap3A_26], %slice3A {strides = array<i32>} : memref<512x128xf32, #tpu.memory_space<vmem>>, vector<512x128xf32>,
    %slice3A_28 = vector.extract_strided_slice %mul3A_25 {offsets = [0, 128], sizes = [512, 128], strides = [1, 1]} : vector<512x256xf32> to vector<512x128xf32>
    %swap3A_29 = arith.constant 0 : index
    %swap3A_30 = arith.constant 0 : index
    %swap3A_31 = vector.load %arg8[%swap3A_29, %swap3A_30] : memref<512x128xf32, #tpu.memory_space<vmem>>, vector<512x128xf32>
    tpu.vector_store %arg8[%swap3A_29, %swap3A_30], %slice3A_28 {strides = array<i32>} : memref<512x128xf32, #tpu.memory_space<vmem>>, vector<512x128xf32>,
    return
  }
  func.func @transform_0(%arg0: i32) -> (i32, i32) {
    %c0_i32 = arith.constant 0 : i32
    %c0_i32_0 = arith.constant 0 : i32
    return %arg0, %c0_i32 : i32, i32
  }
  func.func @transform_1(%arg0: i32) -> (i32, i32) {
    %c0_i32 = arith.constant 0 : i32
    %c0_i32_0 = arith.constant 0 : i32
    return %arg0, %c0_i32 : i32, i32
  }
  func.func @transform_2(%arg0: i32) -> i32 {
    %c0_i32 = arith.constant 0 : i32
    return %arg0 : i32
  }
  func.func @transform_3(%arg0: i32) -> (i32, i32) {
    %c0_i32 = arith.constant 0 : i32
    %c0_i32_0 = arith.constant 0 : i32
    %c0_i32_1 = arith.constant 0 : i32
    return %c0_i32, %c0_i32_0 : i32, i32
  }
  func.func @transform_4(%arg0: i32) -> i32 {
    %c0_i32 = arith.constant 0 : i32
    %c0_i32_0 = arith.constant 0 : i32
    return %c0_i32 : i32
  }
  func.func @transform_5(%arg0: i32) -> (i32, i32) {
    %c0_i32 = arith.constant 0 : i32
    %c0_i32_0 = arith.constant 0 : i32
    %c0_i32_1 = arith.constant 0 : i32
    return %c0_i32, %c0_i32_0 : i32, i32
  }
  func.func @transform_6(%arg0: i32) -> (i32, i32) {
    %c0_i32 = arith.constant 0 : i32
    %c0_i32_0 = arith.constant 0 : i32
    return %arg0, %c0_i32 : i32, i32
  }
  func.func @transform_7(%arg0: i32) -> (i32, i32) {
    %c0_i32 = arith.constant 0 : i32
    %c0_i32_0 = arith.constant 0 : i32
    return %arg0, %c0_i32 : i32, i32
  }
}

module attributes {stable_mosaic.version = 14 : i64} {
  func.func @_final_body(%arg0: i32, %arg1: memref<1024x128xf32, #tpu.memory_space<vmem>>, %arg2: memref<1024x128xf32, #tpu.memory_space<vmem>>, %arg3: memref<1024xf32, #tpu.memory_space<vmem>>, %arg4: memref<256xf32, #tpu.memory_space<vmem>>, %arg5: memref<1024x256xf32, #tpu.memory_space<vmem>>) attributes {dimension_semantics = [#tpu.dimension_semantics<arbitrary>], iteration_bounds = array<i64: 10>, scalar_prefetch = 0 : i64, scratch_operands = 0 : i64, tpu.core_type = #tpu.core_type<tc>, window_params = [{transform_indices = @transform_0, window_bounds = array<i64: 1024, 128>}, {transform_indices = @transform_1, window_bounds = array<i64: 1024, 128>}, {transform_indices = @transform_2, window_bounds = array<i64: 1024>}, {pipeline_mode = #tpu.pipeline_mode<synchronous>, transform_indices = @transform_3, window_bounds = array<i64: 256>}, {transform_indices = @transform_4, window_bounds = array<i64: 1024, 256>}]} {
    %get3A = arith.constant 0 : index
    %get3A_0 = arith.constant 0 : index
    %get3A_1 = vector.load %arg1[%get3A, %get3A_0] : memref<1024x128xf32, #tpu.memory_space<vmem>>, vector<1024x128xf32>
    %get3A_2 = arith.constant 0 : index
    %get3A_3 = arith.constant 0 : index
    %get3A_4 = vector.load %arg2[%get3A_2, %get3A_3] : memref<1024x128xf32, #tpu.memory_space<vmem>>, vector<1024x128xf32>
    %concatenate3A = tpu.concatenate %get3A_1, %get3A_4 in 1 : vector<1024x128xf32>, vector<1024x128xf32> -> vector<1024x256xf32>
    %get3A_5 = arith.constant 0 : index
    %get3A_6 = vector.load %arg3[%get3A_5] : memref<1024xf32, #tpu.memory_space<vmem>>, vector<1024xf32>
    %broadcast_in_dim3A = vector.shape_cast %get3A_6 : vector<1024xf32> to vector<1024x1xf32>
    %mul3A = vector.broadcast %broadcast_in_dim3A : vector<1024x1xf32> to vector<1024x256xf32>
    %mul3A_7 = arith.mulf %concatenate3A, %mul3A : vector<1024x256xf32>
    %get3A_8 = arith.constant 0 : index
    %get3A_9 = vector.load %arg4[%get3A_8] : memref<256xf32, #tpu.memory_space<vmem>>, vector<256xf32>
    %broadcast_in_dim3A_10 = vector.shape_cast %get3A_9 : vector<256xf32> to vector<1x256xf32>
    %add3A = vector.broadcast %broadcast_in_dim3A_10 : vector<1x256xf32> to vector<1024x256xf32>
    %add3A_11 = arith.addf %mul3A_7, %add3A : vector<1024x256xf32>
    %swap3A = arith.constant 0 : index
    %swap3A_12 = arith.constant 0 : index
    %swap3A_13 = vector.load %arg5[%swap3A, %swap3A_12] : memref<1024x256xf32, #tpu.memory_space<vmem>>, vector<1024x256xf32>
    tpu.vector_store %arg5[%swap3A, %swap3A_12], %add3A_11 {strides = array<i32>} : memref<1024x256xf32, #tpu.memory_space<vmem>>, vector<1024x256xf32>,
    return
  }
  func.func @transform_0(%arg0: i32) -> (i32, i32) {
    %c0_i32 = arith.constant 0 : i32
    %c0_i32_0 = arith.constant 0 : i32
    return %arg0, %c0_i32 : i32, i32
  }
  func.func @transform_1(%arg0: i32) -> (i32, i32) {
    %c0_i32 = arith.constant 0 : i32
    %c0_i32_0 = arith.constant 0 : i32
    return %arg0, %c0_i32 : i32, i32
  }
  func.func @transform_2(%arg0: i32) -> i32 {
    %c0_i32 = arith.constant 0 : i32
    return %arg0 : i32
  }
  func.func @transform_3(%arg0: i32) -> i32 {
    %c0_i32 = arith.constant 0 : i32
    %c0_i32_0 = arith.constant 0 : i32
    return %c0_i32 : i32
  }
  func.func @transform_4(%arg0: i32) -> (i32, i32) {
    %c0_i32 = arith.constant 0 : i32
    %c0_i32_0 = arith.constant 0 : i32
    return %arg0, %c0_i32 : i32, i32
  }
}

</mosaic_0001>

<sc_bundles>
// kernel: _run.11.cloned.1.call-start
scs
__scs_entry_jumppad:
0x0: {  	(pc) =	sbr.rel $0x88, $3  }
0x1: {  	(tag) =	ssettag $0x0;
	lr =	simm.s32 $0x1  }
0x2: {  	[smem:$0x3F9B] =	sst lr;
	_ =	strace $0xD0000000  }
0x3: {  	_ = 	snop  }
0x4: {  	_ = 	snop  }
0x5: {  	_ = 	snop  }
0x6: {  	_ = 	snop  }
0x7: {  	_ = 	snop  }
__scs_overlays_trampoline_lowered:
0x8: {  	[smem:$0x3FAA] =	sst s0  }
0x9: {  	[smem:$0x3FAB] =	sst s1  }
0xa: {  	[smem:$0x3FAC] =	sst s2  }
0xb: {  	[smem:$0x3FAD] =	sst s3  }
0xc: {  	[smem:$0x3FAE] =	sst s4  }
0xd: {  	[smem:$0x3FAF] =	sst s5  }
0xe: {  	[smem:$0x3FB0] =	sst s6  }
0xf: {  	[smem:$0x3FB1] =	sst s7  }
0x10: {  	[smem:$0x3FB2] =	sst s8  }
0x11: {  	[smem:$0x3FB3] =	sst s9;
	s0 =	simm.s32 @!p0 $0x0  }
0x12: {  	s1 =	sld [smem:$0x3F99];
	s0 =	simm.s32 @p0 $0x1  }
0x13: {  	[smem:$0x3FB4] =	sst s0;
	s0 =	simm.s32 @!p1 $0x0  }
0x14: {  	s2 =	sld [smem:$0x3F98];
	s0 =	simm.s32 @p1 $0x1  }
0x15: {  	[smem:$0x3FB5] =	sst s0;
	s0 =	simm.s32 @!p2 $0x0  }
0x16: {  	s3 =	sld [smem:$0x3FDB];
	s0 =	simm.s32 @p2 $0x1  }
0x17: {  	s4 =	simm.s32 $0x1BF5;
	[smem:$0x3FB7] =	sst s0  }
0x18: {  	s0 =	sld [smem:$0x3F9A];
	_ =	swait.ge [sflag:s4], $0x0  }
0x19: {  	s7 =	sld [smem:$0x3F9B]  }
0x1a: {  	s8 =	sadd.s32 $0xFFFFE003, lr  }
0x1b: {  	s9 =	sadd.s32 $0xFFFFFEF7, lr;
	s5 =	simm.s32 $0xFFFFFFFF;
	p2 =	slt.u32 s8, $0xFFFFF086  }
0x1c: {  	p1 =	slt.u32 s9, $0xF7A;
	s5 =	simm.s32 @!p2 $0x0  }
0x1d: {  	s5 =	simm.s32 @p1 $0x1;
	p0 =	seq.s32 s7, s2  }
0x1e: {  	s7 =	smul.u32 @!p0 $0xF7A, s2;
	p2 =	seq.s32 @!p0 s5, $0x0  }
0x1f: {  	s9 =	smul.u32 $0xF7A, s1;
	s8 =	simm.s32 @!p0 $0x1BF5;
	p2 =	por !p2, p0  }
0x20: {  	[sflag:s8] =	ssyncset.s32 @!p0 $0xFFFFF086;
	s6 =	sadd.s32 @!p0 s3, s7;
	s7 =	simm.s32 @!p0 $0x108  }
0x21: {  	s3 =	sadd.s32 s3, s9;
	s6 =	sadd.s32 @!p0 $0x88, s6;
	s7 =	simm.s32 @p2 $0x1082  }
0x22: {  	[simem:s7], [sflag:s8] =	dma.local @!p0 [hbm:s6], $0xF7A  }
0x23: {  	s9 =	sor.u32 $0xD0000000, s2;
	s6 =	simm.s32 $0x108;
	_ =	swait.ge @!p0 [sflag:s8], $0x0  }
0x24: {  	s3 =	sadd.s32 $0x88, s3;
	s6 =	simm.s32 @!p1 $0x1082;
	[sflag:s4] =	ssyncset.s32 $0xFFFFF086  }
0x25: {  	[simem:s6], [sflag:s4] =	dma.local [hbm:s3], $0xF7A  }
0x26: {  	[smem:$0x3F9B] =	sst s1;
	(tag) =	ssettag s2;
	_ =	strace s9  }
0x27: {  	s1 =	sld [smem:$0x3FAB]  }
0x28: {  	s2 =	sld [smem:$0x3FAC]  }
0x29: {  	s4 =	sld [smem:$0x3FAE]  }
0x2a: {  	p0 =	seq.s32 s5, $0x0;
	s5 =	sld [smem:$0x3FAF]  }
0x2b: {  	s6 =	sld [smem:$0x3FB0]  }
0x2c: {  	s7 =	sld [smem:$0x3FB1]  }
0x2d: {  	s3 =	simm.s32 $0x108;
	s8 =	sld [smem:$0x3FB2]  }
0x2e: {  	s3 =	simm.s32 @!p0 $0x1082;
	s9 =	sld [smem:$0x3FB3]  }
0x2f: {  	lr =	sadd.s32 s0, s3;
	s0 =	sld [smem:$0x3FAA]  }
0x30: {  	s3 =	sld [smem:$0x3FAD]  }
0x31: {  	[smem:$0x3FB6] =	sst s10  }
0x32: {  	s10 =	sld [smem:$0x3FB4];
	_ =	sdelay $0x3  }
0x33: {  	p0 =	seq.s32 s10, $0x1;
	s10 =	sld [smem:$0x3FB6];
	_ =	sdelay $0x3  }
0x34: {  	[smem:$0x3FB6] =	sst s10  }
0x35: {  	s10 =	sld [smem:$0x3FB5];
	_ =	sdelay $0x3  }
0x36: {  	p1 =	seq.s32 s10, $0x1;
	s10 =	sld [smem:$0x3FB6];
	_ =	sdelay $0x3  }
0x37: {  	[smem:$0x3FB6] =	sst s10  }
0x38: {  	s10 =	sld [smem:$0x3FB7]  }
0x39: {  	_ = 	snop;
	(pc) =	sbr.ind lr, $3  }
0x3a: {  	_ = 	snop  }
0x3b: {  	_ = 	snop  }
0x3c: {  	p2 =	seq.s32 s10, $0x1;
	s10 =	sld [smem:$0x3FB6]  }
0x3d: {  	_ =	shalt  }
0x3e: {  	_ =	shalt  }
0x3f: {  	_ =	shalt  }
0x40: {  	_ =	shalt  }
0x41: {  	_ =	shalt  }
0x42: {  	_ =	shalt  }
0x43: {  	_ =	shalt  }
0x44: {  	_ =	shalt  }
0x45: {  	_ =	shalt  }
0x46: {  	_ =	shalt  }
0x47: {  	_ =	shalt  }
0x48: {  	_ =	shalt  }
0x49: {  	_ =	shalt  }
0x4a: {  	_ =	shalt  }
0x4b: {  	_ =	shalt  }
0x4c: {  	_ =	shalt  }
0x4d: {  	_ =	shalt  }
0x4e: {  	_ =	shalt  }
0x4f: {  	_ =	shalt  }
0x50: {  	_ =	shalt  }
0x51: {  	_ =	shalt  }
0x52: {  	_ =	shalt  }
0x53: {  	_ =	shalt  }
0x54: {  	_ =	shalt  }
0x55: {  	_ =	shalt  }
0x56: {  	_ =	shalt  }
0x57: {  	_ =	shalt  }
0x58: {  	_ =	shalt  }
0x59: {  	_ =	shalt  }
0x5a: {  	_ =	shalt  }
0x5b: {  	_ =	shalt  }
0x5c: {  	_ =	shalt  }
0x5d: {  	_ =	shalt  }
0x5e: {  	_ =	shalt  }
0x5f: {  	_ =	shalt  }
0x60: {  	_ =	shalt  }
0x61: {  	_ =	shalt  }
0x62: {  	_ =	shalt  }
0x63: {  	_ =	shalt  }
0x64: {  	_ =	shalt  }
0x65: {  	_ =	shalt  }
0x66: {  	_ =	shalt  }
0x67: {  	_ =	shalt  }
0x68: {  	_ =	shalt  }
0x69: {  	_ =	shalt  }
0x6a: {  	_ =	shalt  }
0x6b: {  	_ =	shalt  }
0x6c: {  	_ =	shalt  }
0x6d: {  	_ =	shalt  }
0x6e: {  	_ =	shalt  }
0x6f: {  	_ =	shalt  }
0x70: {  	_ =	shalt  }
0x71: {  	_ =	shalt  }
0x72: {  	_ =	shalt  }
0x73: {  	_ =	shalt  }
0x74: {  	_ =	shalt  }
0x75: {  	_ =	shalt  }
0x76: {  	_ =	shalt  }
0x77: {  	_ =	shalt  }
0x78: {  	_ =	shalt  }
0x79: {  	_ =	shalt  }
0x7a: {  	_ =	shalt  }
0x7b: {  	_ =	shalt  }
0x7c: {  	_ =	shalt  }
0x7d: {  	_ =	shalt  }
0x7e: {  	_ =	shalt  }
0x7f: {  	_ =	shalt  }
0x80: {  	_ =	shalt  }
0x81: {  	_ =	shalt  }
0x82: {  	_ =	shalt  }
0x83: {  	_ =	shalt  }
0x84: {  	_ =	shalt  }
0x85: {  	_ =	shalt  }
0x86: {  	_ =	shalt  }
0x87: {  	_ =	shalt  }
.Lfunc_end0:
.L_simem_size_0:
called_computation.1_lowered:
.L_overlay_start_0:
0x88: {  	s2 =	sld [smem:$0x3FD9]  }
0x89: {  	s3 =	sld [smem:$0x3FFE];
	_ =	sdelay $0x1  }
0x8a: {  	s1 =	srdreg.scid  }
0x8b: {  	s0 =	sand.u32 $0x1, s1  }
0x8c: {  	s17 =	sshll.u32 s0, $0xA;
	s2 =	sadd.s32 s3, s2  }
0x8d: {  	s2 =	sadd.s32 s2, s17  }
0x8e: {  	[smem:$0x3FC2] =	sst s2  }
0x8f: {  	_ = 	snop  }
0x90: {  	s2 =	sld [smem:$0x3FD0];
	(tm) =	ssettm $0x1  }
0x91: {  	s18 =	sld [smem:$0x3FFB];
	_ =	sdelay $0x3  }
0x92: {  	_ =	strace s18  }
0x93: {  	s3 =	sld [smem:$0x3FFC];
	_ =	sdelay $0x3  }
0x94: {  	_ =	strace s3  }
0x95: {  	s3 =	sld [smem:$0x3FFD];
	_ =	sdelay $0x3  }
0x96: {  	_ =	strace s3  }
0x97: {  	_ =	strace $0x8FFFFFFF  }
0x98: {  	s19 =	sld [smem:$0x3FDB];
	_ =	sdelay $0x1  }
0x99: {  	s4 =	simm.s32 $_scs_section_size  }
0x9a: {  	s5 =	simm.s32 $_size__tile_overlayer_lowered;
	s6 =	simm.s32 $_tile_overlayer_lowered  }
0x9b: {  	s22 =	simm.s32 $0x1BFF;
	s21 =	sshll.u32 s6, $0x1;
	s3 =	sadd.s32 s4, s19  }
0x9c: {  	s7 =	simm.s32 $0x0;
	s20 =	sshll.u32 s5, $0x1;
	s5 =	sadd.s32 s21, s3  }
0x9d: {  	[timem:s7], [sflag:s22] =	dma.local [hbm:s5], s20  }
0x9e: {  	_ =	swait.ge [sflag:s22], s20  }
0x9f: {  	s4 =	ssub.s32 $0x0, s20;
	[sflag:s22] =	ssyncset.done $0x0  }
0xa0: {  	[sflag:s22] =	ssyncadd.s32 s4;
	_ =	sdelay $0x1  }
0xa1: {  	s23 =	simm.s32 $0x1B8B  }
0xa2: {  	_ =	swait.ge [sflag:s23], $0x1  }
0xa3: {  	[sflag:s23] =	ssyncset.done $0x0  }
0xa4: {  	s25 =	simm.s32 $0x1B8E;
	s24 =	sld [smem:$0x3FFE];
	[sflag:s23] =	ssyncadd.s32 $0xFFFFFFFF  }
0xa5: {  	s26 =	simm.s32 $execute0_lowered;
	[smem:$0x3FD2] =	sst s25  }
0xa6: {  	s5 =	sshll.u32 s26, $0x1;
	_ =	strace $0x80000049;
	[dreg:$0x1] =	wrdreg $0xFFFFFFFF  }
0xa7: {  	s28 =	simm.s32 $_size_execute0_lowered;
	s3 =	sadd.s32 s3, s5;
	[dreg:$0x0] =	wrdreg $0x0  }
0xa8: {  	s5 =	sshll.u32 s28, $0x1;
	[dreg:$0x2] =	wrdreg s3  }
0xa9: {  	[dreg:$0x3] =	wrdreg s5  }
0xaa: {  	[dreg:$0x4] =	wrdreg $0xC0  }
0xab: {  	_ =	task [dreg:s7], $0x5FFFF  }
0xac: {  	[dreg:$0x1] =	wrdreg $0xFFFFFFFF  }
0xad: {  	[dreg:$0x0] =	wrdreg $0x60  }
0xae: {  	[dreg:$0x2] =	wrdreg s24  }
0xaf: {  	[dreg:$0x3] =	wrdreg s2  }
0xb0: {  	[dreg:$0x4] =	wrdreg $0xB0000  }
0xb1: {  	[dreg:$0x5] =	wrdreg $0x9  }
0xb2: {  	_ =	task.clear_ibuf [dreg:s7], $0x6FFFF;
	_ =	strace $0x90000049  }
0xb3: {  	s29 =	simm.s32 $0x9;
	_ =	strace $0x8000004B  }
0xb4: {  	_ =	swait.ge [sflag:s29], $0x1  }
0xb5: {  	[sflag:s29] =	ssyncadd.s32 $0xFFFFFFFF  }
0xb6: {  	_ =	strace $0x9000004B  }
0xb7: {  	_ =	sfence  }
0xb8: {  	s30 =	sld [smem:$0x0];
	_ =	sdelay $0x2  }
0xb9: {  	s31 =	sshll.u32 s1, $0xD;
	s1 =	sshrl.u32 s1, $0x2  }
0xba: {  	s3 =	sand.u32 $0x4000, s31;
	s1 =	sadd.s32 s1, s30  }
0xbb: {  	s0 =	sor.u32 s3, s0;
	s1 =	sshll.u32 s1, $0x11  }
0xbc: {  	s0 =	sor.u32 s1, s0  }
0xbd: {  	s0 =	sadd.s32 $0x8F2B, s0  }
0xbe: {  	[sflag:s0] =	ssyncadd.remote.s32 $0x1  }
0xbf: {  	_ =	sfence.sel $0xFFFF  }
0xc0: {  	[dreg:$0x0] =	wrdreg $0xFFFFFFFF;
	(pc) =	sbr.abs _section_cstart, $3  }
0xc1: {  	[dreg:$0x1] =	wrdreg $0xFFFFFFFF  }
0xc2: {  	_ =	task.clear_ibuf [dreg:s7], $0x2FFFF;
	_ =	strace $0x9FFFFFFF  }
0xc3: {  	(tm) =	ssettm $0x7FFFFFFF  }
tec
execute0_lowered:
.L_overlay_start_1:
0x0: {  	(tag) =	ssettag $0x1  }
0x1: {  	s8 =	rddreg [dreg:$0x0]  }
0x2: {  	s1 =	rddreg [dreg:$0x1]  }
0x3: {  	s2 =	rddreg [dreg:$0x2]  }
0x4: {  	s0 =	rddreg [dreg:$0x3];
	s3 =	simm.s32 $0x0  }
0x5: {  	s6 =	srdreg.scid;
	s4 =	stileid.u32;
	s18 =	simm.s32 $0x1800  }
0x6: {  	s19 =	simm.s32 $0x80;
	s20 =	simm.s32 $0x3000;
	s21 =	simm.s32 $0x7000  }
0x7: {  	s22 =	simm.s32 $0x1;
	s23 =	simm.s32 $0x2;
	s24 =	simm.s32 $0x0  }
0x8: {  	[smem:$0x7FF] =	sst s3;
	s12 =	sadd.s32 $0xAC600, s8;
	s13 =	sadd.s32 $0x3600, s8  }
0x9: {  	s5 =	sadd.s32 $0xBE00, s8;
	s16 =	sand.u32 $0x1, s6;
	s10 =	smul.u32 $0x50000, s4  }
0xa: {  	s6 =	sadd.s32 $0x9600, s8;
	s7 =	sadd.s32 $0x33E00, s8;
	s14 =	smul.u32 $0x3000, s4  }
0xb: {  	s8 =	sadd.s32 $0x5BE00, s8;
	s30 =	sshll.u32 s4, $0x6;
	s9 =	ssub.s32 $0x2, s16  }
0xc: {  	_ =	strace $0x8000004A;
	p0 =	sne.s32 s16, $0x0;
	s11 =	sshrl.u32 s9, $0x1  }
.Ltmp0:
0xd: {  	s29 =	sshrl.u32 s10, $0x2;
	s31 =	sshrl.u32 s14, $0x3;
	(pc) =	sbr.rel .LBB2_1-.Ltmp0, $4  }
0xe: {  	s15 =	ssub.s32 s9, s11;
	s17 =	sadd.s32 s29, s2;
	s9 =	sor.u32 $0x1C03, s30  }
0xf: {  	s10 =	sadd.s32 s12, s31;
	s14 =	sadd.s32 $0x300, s31;
	s11 =	sadd.s32 s13, s31  }
0x10: {  	s12 =	sadd.s32 s12, s14;
	s13 =	sadd.s32 s13, s14;
	s14 =	smul.u32 $0x2800, s4  }
0x11: {  	s15 =	smax.u32 s15, $0x1;
	s16 =	sshrl.u32 s17, $0x3;
	s17 =	simm.s32 $0x3  }
.LBB2_11:
0x12: {  	s25 =	sshra.s32 s25, $0x2;
	[sflag:s17] =	ssyncadd.s32 $0xFFFFC000  }
0x13: {  	[tilespmem:s20], [sflag:$0x1] =	stream.indirect.gather [hbm4b:s5+s19], $0x80, s25, s19, $0xb8;
	[tilespmem:$0x1F000] =	vst v63  }
0x14: {  	s26 =	sadd.s32 $0x80, s25  }
0x15: {  	[tilespmem:s21], [sflag:$0x2] =	stream.indirect.gather [hbm4b:s5+s19], $0x80, s26, s19, $0xb8;
	[tilespmem:$0x1F000] =	vst v63  }
0x16: {  	_ =	swait.ge [sflag:s22], $0x4000  }
0x17: {  	[sflag:s22] =	ssyncset.done $0x0  }
0x18: {  	s31 =	sadd.s32 $0x1800, s25;
	[sflag:s22] =	ssyncadd.s32 $0xFFFFC000  }
0x19: {  	[spmem:s2] =	stream.indirect.scatter.add.f32 [tilespmem:s20], [sflag:$0x3], $0x80, s31, s19, $0xb8;
	[tilespmem:$0x1F000] =	vst v63  }
0x1a: {  	_ =	swait.ge [sflag:s17], $0x4000  }
0x1b: {  	[sflag:s17] =	ssyncset.done $0x0  }
0x1c: {  	[sflag:s17] =	ssyncadd.s32 $0xFFFFC000  }
0x1d: {  	_ =	swait.ge [sflag:s23], $0x4000  }
0x1e: {  	[sflag:s23] =	ssyncset.done $0x0  }
0x1f: {  	s25 =	sadd.s32 $0x1880, s25;
	[sflag:s23] =	ssyncadd.s32 $0xFFFFC000  }
0x20: {  	[spmem:s2] =	stream.indirect.scatter.add.f32 [tilespmem:s21], [sflag:$0x3], $0x80, s25, s19, $0xb8;
	[tilespmem:$0x1F000] =	vst v63  }
0x21: {  	_ =	swait.ge [sflag:s17], $0x4000  }
0x22: {  	[sflag:s17] =	ssyncset.done $0x0  }
0x23: {  	s25 =	smov.u32 s8;
	[sflag:s17] =	ssyncadd.s32 $0xFFFFC000  }
.LBB2_12:
0x24: {  	s24 =	sadd.s32 $0x1, s24  }
0x25: {  	p1 =	sne.s32 s24, s15  }
.Ltmp1:
0x26: {  	s25 =	sadd.s32 s25, s14;
	[bflag:$0x0] =	sbarrier.arrive $0xFFFF;
	(pc) =	sbr.rel @!p1 .LBB2_13-.Ltmp1, $4  }
0x27: {  	[hbm:s25], [sflag:s9] =	dma.local [spmem:s16], $0x2800  }
0x28: {  	_ =	swait.ge [sflag:s17], $0x2800  }
0x29: {  	[sflag:s17] =	ssyncset.done $0x0  }
0x2a: {  	[sflag:s17] =	ssyncadd.s32 $0xFFFFD800  }
.LBB2_1:
0x2b: {  	[spmem:s16], [sflag:s9] =	dma.local [hbm:s6], $0x2800  }
0x2c: {  	_ =	swait.ge [sflag:s17], $0x2800  }
0x2d: {  	[sflag:s17] =	ssyncset.done $0x0  }
0x2e: {  	[sflag:s17] =	ssyncadd.s32 $0xFFFFD800  }
0x2f: {  	[bflag:$0x0] =	sbarrier.arrive $0xFFFF  }
0x30: {  	[tilespmem:s3], [sflag:$0x3] =	stream.linear.gather [hbm4b:s10+s3], $0x1800, $0x38;
	[tilespmem:$0x1F000] =	vst v63  }
0x31: {  	_ =	swait.ge [sflag:s17], $0x1800  }
0x32: {  	[sflag:s17] =	ssyncset.done $0x0  }
.Ltmp2:
0x33: {  	[sflag:s17] =	ssyncadd.s32 $0xFFFFE800;
	(pc) =	sbr.rel @p0 .LBB2_7-.Ltmp2, $4  }
0x34: {  	[tilespmem:s18], [sflag:$0x3] =	stream.linear.gather [hbm4b:s11+s3], $0x1800, $0x38;
	[tilespmem:$0x1F000] =	vst v63  }
0x35: {  	_ =	swait.ge [sflag:s17], $0x1800  }
0x36: {  	[sflag:s17] =	ssyncset.done $0x0  }
0x37: {  	s25 =	simm.s32 $0x0;
	[sflag:s17] =	ssyncadd.s32 $0xFFFFE800  }
0x38: {  	[tilespmem:s20], [sflag:$0x1] =	stream.indirect.gather [hbm4b:s1+s19], $0x80, s25, s19, $0xb8;
	[tilespmem:$0x1F000] =	vst v63  }
0x39: {  	s29 =	simm.s32 $0x80  }
0x3a: {  	[tilespmem:s21], [sflag:$0x2] =	stream.indirect.gather [hbm4b:s1+s19], $0x80, s29, s19, $0xb8;
	[tilespmem:$0x1F000] =	vst v63  }
0x3b: {  	_ =	swait.ge [sflag:s22], $0x4000  }
0x3c: {  	[sflag:s22] =	ssyncset.done $0x0  }
0x3d: {  	s30 =	simm.s32 $0x1800;
	[sflag:s22] =	ssyncadd.s32 $0xFFFFC000  }
0x3e: {  	[spmem:s2] =	stream.indirect.scatter.add.f32 [tilespmem:s20], [sflag:$0x3], $0x80, s30, s19, $0xb8;
	[tilespmem:$0x1F000] =	vst v63  }
0x3f: {  	_ =	swait.ge [sflag:s17], $0x4000  }
0x40: {  	[sflag:s17] =	ssyncset.done $0x0  }
0x41: {  	[sflag:s17] =	ssyncadd.s32 $0xFFFFC000  }
0x42: {  	_ =	swait.ge [sflag:s23], $0x4000  }
0x43: {  	[sflag:s23] =	ssyncset.done $0x0  }
0x44: {  	s31 =	simm.s32 $0x1880;
	[sflag:s23] =	ssyncadd.s32 $0xFFFFC000  }
0x45: {  	[spmem:s2] =	stream.indirect.scatter.add.f32 [tilespmem:s21], [sflag:$0x3], $0x80, s31, s19, $0xb8;
	[tilespmem:$0x1F000] =	vst v63  }
0x46: {  	_ =	swait.ge [sflag:s17], $0x4000  }
0x47: {  	s25 =	simm.s32 $0x400;
	s26 =	simm.s32 $0x800;
	[sflag:s17] =	ssyncset.done $0x0  }
.LBB2_3:
0x48: {  	s28 =	sshra.s32 s25, $0x2  }
0x49: {  	[sflag:s17] =	ssyncadd.s32 $0xFFFFC000;
	s25 =	smov.u32 s26;
	s29 =	sadd.s32 $0x400, s26  }
0x4a: {  	[tilespmem:s20], [sflag:$0x1] =	stream.indirect.gather [hbm4b:s1+s19], $0x80, s28, s19, $0xb8;
	[tilespmem:$0x1F000] =	vst v63  }
0x4b: {  	p1 =	sne.s32 s26, $0x5C00;
	s26 =	sadd.s32 $0x80, s28  }
0x4c: {  	[tilespmem:s21], [sflag:$0x2] =	stream.indirect.gather [hbm4b:s1+s19], $0x80, s26, s19, $0xb8;
	[tilespmem:$0x1F000] =	vst v63  }
0x4d: {  	_ =	swait.ge [sflag:s22], $0x4000  }
0x4e: {  	[sflag:s22] =	ssyncset.done $0x0  }
0x4f: {  	s26 =	sadd.s32 $0x1800, s28;
	[sflag:s22] =	ssyncadd.s32 $0xFFFFC000  }
0x50: {  	[spmem:s2] =	stream.indirect.scatter.add.f32 [tilespmem:s20], [sflag:$0x3], $0x80, s26, s19, $0xb8;
	[tilespmem:$0x1F000] =	vst v63  }
0x51: {  	_ =	swait.ge [sflag:s17], $0x4000  }
0x52: {  	[sflag:s17] =	ssyncset.done $0x0  }
0x53: {  	[sflag:s17] =	ssyncadd.s32 $0xFFFFC000  }
0x54: {  	_ =	swait.ge [sflag:s23], $0x4000  }
.Ltmp3:
0x55: {  	[sflag:s23] =	ssyncset.done $0x0;
	(pc) =	sbr.rel @p1 .LBB2_3-.Ltmp3, $4  }
0x56: {  	s26 =	sadd.s32 $0x1880, s28;
	[sflag:s23] =	ssyncadd.s32 $0xFFFFC000  }
0x57: {  	[spmem:s2] =	stream.indirect.scatter.add.f32 [tilespmem:s21], [sflag:$0x3], $0x80, s26, s19, $0xb8;
	[tilespmem:$0x1F000] =	vst v63  }
0x58: {  	_ =	swait.ge [sflag:s17], $0x4000  }
0x59: {  	s26 =	smov.u32 s29;
	[sflag:s17] =	ssyncset.done $0x0  }
0x5a: {  	s25 =	sshra.s32 s25, $0x2;
	[sflag:s17] =	ssyncadd.s32 $0xFFFFC000  }
0x5b: {  	[tilespmem:s20], [sflag:$0x1] =	stream.indirect.gather [hbm4b:s1+s19], $0x80, s25, s19, $0xb8;
	[tilespmem:$0x1F000] =	vst v63  }
0x5c: {  	s26 =	sadd.s32 $0x80, s25  }
0x5d: {  	[tilespmem:s21], [sflag:$0x2] =	stream.indirect.gather [hbm4b:s1+s19], $0x80, s26, s19, $0xb8;
	[tilespmem:$0x1F000] =	vst v63  }
0x5e: {  	_ =	swait.ge [sflag:s22], $0x4000  }
0x5f: {  	[sflag:s22] =	ssyncset.done $0x0  }
0x60: {  	s31 =	sadd.s32 $0x1800, s25;
	[sflag:s22] =	ssyncadd.s32 $0xFFFFC000  }
0x61: {  	[spmem:s2] =	stream.indirect.scatter.add.f32 [tilespmem:s20], [sflag:$0x3], $0x80, s31, s19, $0xb8;
	[tilespmem:$0x1F000] =	vst v63  }
0x62: {  	_ =	swait.ge [sflag:s17], $0x4000  }
0x63: {  	[sflag:s17] =	ssyncset.done $0x0  }
0x64: {  	[sflag:s17] =	ssyncadd.s32 $0xFFFFC000  }
0x65: {  	_ =	swait.ge [sflag:s23], $0x4000  }
0x66: {  	[sflag:s23] =	ssyncset.done $0x0  }
0x67: {  	s25 =	sadd.s32 $0x1880, s25;
	[sflag:s23] =	ssyncadd.s32 $0xFFFFC000  }
0x68: {  	[spmem:s2] =	stream.indirect.scatter.add.f32 [tilespmem:s21], [sflag:$0x3], $0x80, s25, s19, $0xb8;
	[tilespmem:$0x1F000] =	vst v63  }
0x69: {  	_ =	swait.ge [sflag:s17], $0x4000  }
0x6a: {  	[sflag:s17] =	ssyncset.done $0x0  }
0x6b: {  	s26 =	simm.s32 $0x0;
	[sflag:s17] =	ssyncadd.s32 $0xFFFFC000  }
0x6c: {  	[tilespmem:s26], [sflag:$0x3] =	stream.linear.gather [hbm4b:s12+s26], $0x1800, $0x38;
	[tilespmem:$0x1F000] =	vst v63  }
0x6d: {  	_ =	swait.ge [sflag:s17], $0x1800  }
0x6e: {  	[sflag:s17] =	ssyncset.done $0x0  }
0x6f: {  	[sflag:s17] =	ssyncadd.s32 $0xFFFFE800  }
0x70: {  	[tilespmem:s18], [sflag:$0x3] =	stream.linear.gather [hbm4b:s13+s26], $0x1800, $0x38;
	[tilespmem:$0x1F000] =	vst v63  }
0x71: {  	_ =	swait.ge [sflag:s17], $0x1800  }
0x72: {  	[sflag:s17] =	ssyncset.done $0x0  }
0x73: {  	s28 =	simm.s32 $0x0;
	[sflag:s17] =	ssyncadd.s32 $0xFFFFE800  }
0x74: {  	[tilespmem:s20], [sflag:$0x1] =	stream.indirect.gather [hbm4b:s1+s19], $0x80, s28, s19, $0xb8;
	[tilespmem:$0x1F000] =	vst v63  }
0x75: {  	s29 =	simm.s32 $0x80  }
0x76: {  	[tilespmem:s21], [sflag:$0x2] =	stream.indirect.gather [hbm4b:s1+s19], $0x80, s29, s19, $0xb8;
	[tilespmem:$0x1F000] =	vst v63  }
0x77: {  	_ =	swait.ge [sflag:s22], $0x4000  }
0x78: {  	[sflag:s22] =	ssyncset.done $0x0  }
0x79: {  	s30 =	simm.s32 $0x1800;
	[sflag:s22] =	ssyncadd.s32 $0xFFFFC000  }
0x7a: {  	[spmem:s2] =	stream.indirect.scatter.add.f32 [tilespmem:s20], [sflag:$0x3], $0x80, s30, s19, $0xb8;
	[tilespmem:$0x1F000] =	vst v63  }
0x7b: {  	_ =	swait.ge [sflag:s17], $0x4000  }
0x7c: {  	[sflag:s17] =	ssyncset.done $0x0  }
0x7d: {  	[sflag:s17] =	ssyncadd.s32 $0xFFFFC000  }
0x7e: {  	_ =	swait.ge [sflag:s23], $0x4000  }
0x7f: {  	[sflag:s23] =	ssyncset.done $0x0  }
0x80: {  	s31 =	simm.s32 $0x1880;
	[sflag:s23] =	ssyncadd.s32 $0xFFFFC000  }
0x81: {  	[spmem:s2] =	stream.indirect.scatter.add.f32 [tilespmem:s21], [sflag:$0x3], $0x80, s31, s19, $0xb8;
	[tilespmem:$0x1F000] =	vst v63  }
0x82: {  	_ =	swait.ge [sflag:s17], $0x4000  }
0x83: {  	s25 =	simm.s32 $0x400;
	s26 =	simm.s32 $0x800;
	[sflag:s17] =	ssyncset.done $0x0  }
.LBB2_5:
0x84: {  	s28 =	sshra.s32 s25, $0x2  }
0x85: {  	[sflag:s17] =	ssyncadd.s32 $0xFFFFC000;
	s25 =	smov.u32 s26;
	s29 =	sadd.s32 $0x400, s26  }
0x86: {  	[tilespmem:s20], [sflag:$0x1] =	stream.indirect.gather [hbm4b:s1+s19], $0x80, s28, s19, $0xb8;
	[tilespmem:$0x1F000] =	vst v63  }
0x87: {  	p1 =	seq.s32 s26, $0x5C00;
	s26 =	sadd.s32 $0x80, s28  }
0x88: {  	[tilespmem:s21], [sflag:$0x2] =	stream.indirect.gather [hbm4b:s1+s19], $0x80, s26, s19, $0xb8;
	[tilespmem:$0x1F000] =	vst v63  }
0x89: {  	_ =	swait.ge [sflag:s22], $0x4000  }
0x8a: {  	[sflag:s22] =	ssyncset.done $0x0  }
0x8b: {  	s26 =	sadd.s32 $0x1800, s28;
	[sflag:s22] =	ssyncadd.s32 $0xFFFFC000  }
0x8c: {  	[spmem:s2] =	stream.indirect.scatter.add.f32 [tilespmem:s20], [sflag:$0x3], $0x80, s26, s19, $0xb8;
	[tilespmem:$0x1F000] =	vst v63  }
0x8d: {  	_ =	swait.ge [sflag:s17], $0x4000  }
0x8e: {  	[sflag:s17] =	ssyncset.done $0x0  }
0x8f: {  	[sflag:s17] =	ssyncadd.s32 $0xFFFFC000  }
0x90: {  	_ =	swait.ge [sflag:s23], $0x4000  }
.Ltmp4:
0x91: {  	[sflag:s23] =	ssyncset.done $0x0;
	(pc) =	sbr.rel @!p1 .LBB2_5-.Ltmp4, $4  }
0x92: {  	s26 =	sadd.s32 $0x1880, s28;
	[sflag:s23] =	ssyncadd.s32 $0xFFFFC000  }
0x93: {  	[spmem:s2] =	stream.indirect.scatter.add.f32 [tilespmem:s21], [sflag:$0x3], $0x80, s26, s19, $0xb8;
	[tilespmem:$0x1F000] =	vst v63  }
0x94: {  	_ =	swait.ge [sflag:s17], $0x4000  }
0x95: {  	s26 =	smov.u32 s29;
	[sflag:s17] =	ssyncset.done $0x0  }
0x96: {  	s25 =	sshra.s32 s25, $0x2;
	[sflag:s17] =	ssyncadd.s32 $0xFFFFC000  }
0x97: {  	[tilespmem:s20], [sflag:$0x1] =	stream.indirect.gather [hbm4b:s1+s19], $0x80, s25, s19, $0xb8;
	[tilespmem:$0x1F000] =	vst v63  }
0x98: {  	s26 =	sadd.s32 $0x80, s25  }
0x99: {  	[tilespmem:s21], [sflag:$0x2] =	stream.indirect.gather [hbm4b:s1+s19], $0x80, s26, s19, $0xb8;
	[tilespmem:$0x1F000] =	vst v63  }
0x9a: {  	_ =	swait.ge [sflag:s22], $0x4000  }
0x9b: {  	[sflag:s22] =	ssyncset.done $0x0  }
0x9c: {  	s31 =	sadd.s32 $0x1800, s25;
	[sflag:s22] =	ssyncadd.s32 $0xFFFFC000  }
0x9d: {  	[spmem:s2] =	stream.indirect.scatter.add.f32 [tilespmem:s20], [sflag:$0x3], $0x80, s31, s19, $0xb8;
	[tilespmem:$0x1F000] =	vst v63  }
0x9e: {  	_ =	swait.ge [sflag:s17], $0x4000  }
0x9f: {  	[sflag:s17] =	ssyncset.done $0x0  }
0xa0: {  	[sflag:s17] =	ssyncadd.s32 $0xFFFFC000  }
0xa1: {  	_ =	swait.ge [sflag:s23], $0x4000  }
0xa2: {  	[sflag:s23] =	ssyncset.done $0x0  }
.Ltmp5:
0xa3: {  	s25 =	sadd.s32 $0x1880, s25;
	[sflag:s23] =	ssyncadd.s32 $0xFFFFC000;
	(pc) =	sbr.rel .LBB2_12-.Ltmp5, $4  }
0xa4: {  	[spmem:s2] =	stream.indirect.scatter.add.f32 [tilespmem:s21], [sflag:$0x3], $0x80, s25, s19, $0xb8;
	[tilespmem:$0x1F000] =	vst v63  }
0xa5: {  	_ =	swait.ge [sflag:s17], $0x4000  }
0xa6: {  	[sflag:s17] =	ssyncset.done $0x0  }
0xa7: {  	s25 =	smov.u32 s7;
	[sflag:s17] =	ssyncadd.s32 $0xFFFFC000  }
.LBB2_7:
0xa8: {  	[tilespmem:s20], [sflag:$0x1] =	stream.indirect.gather [hbm4b:s5+s19], $0x80, s25, s19, $0xb8;
	[tilespmem:$0x1F000] =	vst v63  }
0xa9: {  	s29 =	simm.s32 $0x80  }
0xaa: {  	[tilespmem:s21], [sflag:$0x2] =	stream.indirect.gather [hbm4b:s5+s19], $0x80, s29, s19, $0xb8;
	[tilespmem:$0x1F000] =	vst v63  }
0xab: {  	_ =	swait.ge [sflag:s22], $0x4000  }
0xac: {  	[sflag:s22] =	ssyncset.done $0x0  }
0xad: {  	s30 =	simm.s32 $0x1800;
	[sflag:s22] =	ssyncadd.s32 $0xFFFFC000  }
0xae: {  	[spmem:s2] =	stream.indirect.scatter.add.f32 [tilespmem:s20], [sflag:$0x3], $0x80, s30, s19, $0xb8;
	[tilespmem:$0x1F000] =	vst v63  }
0xaf: {  	_ =	swait.ge [sflag:s17], $0x4000  }
0xb0: {  	[sflag:s17] =	ssyncset.done $0x0  }
0xb1: {  	[sflag:s17] =	ssyncadd.s32 $0xFFFFC000  }
0xb2: {  	_ =	swait.ge [sflag:s23], $0x4000  }
0xb3: {  	[sflag:s23] =	ssyncset.done $0x0  }
0xb4: {  	s31 =	simm.s32 $0x1880;
	[sflag:s23] =	ssyncadd.s32 $0xFFFFC000  }
0xb5: {  	[spmem:s2] =	stream.indirect.scatter.add.f32 [tilespmem:s21], [sflag:$0x3], $0x80, s31, s19, $0xb8;
	[tilespmem:$0x1F000] =	vst v63  }
0xb6: {  	_ =	swait.ge [sflag:s17], $0x4000  }
0xb7: {  	s25 =	simm.s32 $0x400;
	s26 =	simm.s32 $0x800;
	[sflag:s17] =	ssyncset.done $0x0  }
.LBB2_8:
0xb8: {  	s28 =	sshra.s32 s25, $0x2  }
0xb9: {  	[sflag:s17] =	ssyncadd.s32 $0xFFFFC000;
	s25 =	smov.u32 s26;
	s29 =	sadd.s32 $0x400, s26  }
0xba: {  	[tilespmem:s20], [sflag:$0x1] =	stream.indirect.gather [hbm4b:s5+s19], $0x80, s28, s19, $0xb8;
	[tilespmem:$0x1F000] =	vst v63  }
0xbb: {  	p1 =	sne.s32 s26, $0x5C00;
	s26 =	sadd.s32 $0x80, s28  }
0xbc: {  	[tilespmem:s21], [sflag:$0x2] =	stream.indirect.gather [hbm4b:s5+s19], $0x80, s26, s19, $0xb8;
	[tilespmem:$0x1F000] =	vst v63  }
0xbd: {  	_ =	swait.ge [sflag:s22], $0x4000  }
0xbe: {  	[sflag:s22] =	ssyncset.done $0x0  }
0xbf: {  	s26 =	sadd.s32 $0x1800, s28;
	[sflag:s22] =	ssyncadd.s32 $0xFFFFC000  }
0xc0: {  	[spmem:s2] =	stream.indirect.scatter.add.f32 [tilespmem:s20], [sflag:$0x3], $0x80, s26, s19, $0xb8;
	[tilespmem:$0x1F000] =	vst v63  }
0xc1: {  	_ =	swait.ge [sflag:s17], $0x4000  }
0xc2: {  	[sflag:s17] =	ssyncset.done $0x0  }
0xc3: {  	[sflag:s17] =	ssyncadd.s32 $0xFFFFC000  }
0xc4: {  	_ =	swait.ge [sflag:s23], $0x4000  }
.Ltmp6:
0xc5: {  	[sflag:s23] =	ssyncset.done $0x0;
	(pc) =	sbr.rel @p1 .LBB2_8-.Ltmp6, $4  }
0xc6: {  	s26 =	sadd.s32 $0x1880, s28;
	[sflag:s23] =	ssyncadd.s32 $0xFFFFC000  }
0xc7: {  	[spmem:s2] =	stream.indirect.scatter.add.f32 [tilespmem:s21], [sflag:$0x3], $0x80, s26, s19, $0xb8;
	[tilespmem:$0x1F000] =	vst v63  }
0xc8: {  	_ =	swait.ge [sflag:s17], $0x4000  }
0xc9: {  	s26 =	smov.u32 s29;
	[sflag:s17] =	ssyncset.done $0x0  }
0xca: {  	s25 =	sshra.s32 s25, $0x2;
	[sflag:s17] =	ssyncadd.s32 $0xFFFFC000  }
0xcb: {  	[tilespmem:s20], [sflag:$0x1] =	stream.indirect.gather [hbm4b:s5+s19], $0x80, s25, s19, $0xb8;
	[tilespmem:$0x1F000] =	vst v63  }
0xcc: {  	s26 =	sadd.s32 $0x80, s25  }
0xcd: {  	[tilespmem:s21], [sflag:$0x2] =	stream.indirect.gather [hbm4b:s5+s19], $0x80, s26, s19, $0xb8;
	[tilespmem:$0x1F000] =	vst v63  }
0xce: {  	_ =	swait.ge [sflag:s22], $0x4000  }
0xcf: {  	[sflag:s22] =	ssyncset.done $0x0  }
0xd0: {  	s31 =	sadd.s32 $0x1800, s25;
	[sflag:s22] =	ssyncadd.s32 $0xFFFFC000  }
0xd1: {  	[spmem:s2] =	stream.indirect.scatter.add.f32 [tilespmem:s20], [sflag:$0x3], $0x80, s31, s19, $0xb8;
	[tilespmem:$0x1F000] =	vst v63  }
0xd2: {  	_ =	swait.ge [sflag:s17], $0x4000  }
0xd3: {  	[sflag:s17] =	ssyncset.done $0x0  }
0xd4: {  	[sflag:s17] =	ssyncadd.s32 $0xFFFFC000  }
0xd5: {  	_ =	swait.ge [sflag:s23], $0x4000  }
0xd6: {  	[sflag:s23] =	ssyncset.done $0x0  }
0xd7: {  	s25 =	sadd.s32 $0x1880, s25;
	[sflag:s23] =	ssyncadd.s32 $0xFFFFC000  }
0xd8: {  	[spmem:s2] =	stream.indirect.scatter.add.f32 [tilespmem:s21], [sflag:$0x3], $0x80, s25, s19, $0xb8;
	[tilespmem:$0x1F000] =	vst v63  }
0xd9: {  	_ =	swait.ge [sflag:s17], $0x4000  }
0xda: {  	[sflag:s17] =	ssyncset.done $0x0  }
0xdb: {  	s26 =	simm.s32 $0x0;
	[sflag:s17] =	ssyncadd.s32 $0xFFFFC000  }
0xdc: {  	[tilespmem:s26], [sflag:$0x3] =	stream.linear.gather [hbm4b:s12+s26], $0x1800, $0x38;
	[tilespmem:$0x1F000] =	vst v63  }
0xdd: {  	_ =	swait.ge [sflag:s17], $0x1800  }
0xde: {  	[sflag:s17] =	ssyncset.done $0x0  }
0xdf: {  	[sflag:s17] =	ssyncadd.s32 $0xFFFFE800  }
0xe0: {  	[tilespmem:s18], [sflag:$0x3] =	stream.linear.gather [hbm4b:s13+s26], $0x1800, $0x38;
	[tilespmem:$0x1F000] =	vst v63  }
0xe1: {  	_ =	swait.ge [sflag:s17], $0x1800  }
0xe2: {  	[sflag:s17] =	ssyncset.done $0x0  }
0xe3: {  	s28 =	simm.s32 $0x0;
	[sflag:s17] =	ssyncadd.s32 $0xFFFFE800  }
0xe4: {  	[tilespmem:s20], [sflag:$0x1] =	stream.indirect.gather [hbm4b:s5+s19], $0x80, s28, s19, $0xb8;
	[tilespmem:$0x1F000] =	vst v63  }
0xe5: {  	s29 =	simm.s32 $0x80  }
0xe6: {  	[tilespmem:s21], [sflag:$0x2] =	stream.indirect.gather [hbm4b:s5+s19], $0x80, s29, s19, $0xb8;
	[tilespmem:$0x1F000] =	vst v63  }
0xe7: {  	_ =	swait.ge [sflag:s22], $0x4000  }
0xe8: {  	[sflag:s22] =	ssyncset.done $0x0  }
0xe9: {  	s30 =	simm.s32 $0x1800;
	[sflag:s22] =	ssyncadd.s32 $0xFFFFC000  }
0xea: {  	[spmem:s2] =	stream.indirect.scatter.add.f32 [tilespmem:s20], [sflag:$0x3], $0x80, s30, s19, $0xb8;
	[tilespmem:$0x1F000] =	vst v63  }
0xeb: {  	_ =	swait.ge [sflag:s17], $0x4000  }
0xec: {  	[sflag:s17] =	ssyncset.done $0x0  }
0xed: {  	[sflag:s17] =	ssyncadd.s32 $0xFFFFC000  }
0xee: {  	_ =	swait.ge [sflag:s23], $0x4000  }
0xef: {  	[sflag:s23] =	ssyncset.done $0x0  }
0xf0: {  	s31 =	simm.s32 $0x1880;
	[sflag:s23] =	ssyncadd.s32 $0xFFFFC000  }
0xf1: {  	[spmem:s2] =	stream.indirect.scatter.add.f32 [tilespmem:s21], [sflag:$0x3], $0x80, s31, s19, $0xb8;
	[tilespmem:$0x1F000] =	vst v63  }
0xf2: {  	_ =	swait.ge [sflag:s17], $0x4000  }
0xf3: {  	s25 =	simm.s32 $0x400;
	s26 =	simm.s32 $0x800;
	[sflag:s17] =	ssyncset.done $0x0  }
.LBB2_10:
0xf4: {  	s28 =	sshra.s32 s25, $0x2  }
0xf5: {  	[sflag:s17] =	ssyncadd.s32 $0xFFFFC000;
	s25 =	smov.u32 s26;
	s29 =	sadd.s32 $0x400, s26  }
0xf6: {  	[tilespmem:s20], [sflag:$0x1] =	stream.indirect.gather [hbm4b:s5+s19], $0x80, s28, s19, $0xb8;
	[tilespmem:$0x1F000] =	vst v63  }
0xf7: {  	p1 =	sne.s32 s26, $0x5C00;
	s26 =	sadd.s32 $0x80, s28  }
0xf8: {  	[tilespmem:s21], [sflag:$0x2] =	stream.indirect.gather [hbm4b:s5+s19], $0x80, s26, s19, $0xb8;
	[tilespmem:$0x1F000] =	vst v63  }
0xf9: {  	_ =	swait.ge [sflag:s22], $0x4000  }
0xfa: {  	[sflag:s22] =	ssyncset.done $0x0  }
0xfb: {  	s26 =	sadd.s32 $0x1800, s28;
	[sflag:s22] =	ssyncadd.s32 $0xFFFFC000  }
0xfc: {  	[spmem:s2] =	stream.indirect.scatter.add.f32 [tilespmem:s20], [sflag:$0x3], $0x80, s26, s19, $0xb8;
	[tilespmem:$0x1F000] =	vst v63  }
0xfd: {  	_ =	swait.ge [sflag:s17], $0x4000  }
0xfe: {  	[sflag:s17] =	ssyncset.done $0x0  }
0xff: {  	[sflag:s17] =	ssyncadd.s32 $0xFFFFC000  }
0x100: {  	_ =	swait.ge [sflag:s23], $0x4000  }
.Ltmp7:
0x101: {  	[sflag:s23] =	ssyncset.done $0x0;
	(pc) =	sbr.rel @p1 .LBB2_10-.Ltmp7, $4  }
0x102: {  	s26 =	sadd.s32 $0x1880, s28;
	[sflag:s23] =	ssyncadd.s32 $0xFFFFC000  }
0x103: {  	[spmem:s2] =	stream.indirect.scatter.add.f32 [tilespmem:s21], [sflag:$0x3], $0x80, s26, s19, $0xb8;
	[tilespmem:$0x1F000] =	vst v63  }
0x104: {  	_ =	swait.ge [sflag:s17], $0x4000  }
0x105: {  	s26 =	smov.u32 s29;
	[sflag:s17] =	ssyncset.done $0x0  }
.Ltmp8:
0x106: {  	_ = 	snop;
	(pc) =	sbr.rel .LBB2_11-.Ltmp8, $1  }
0x107: {  	_ =	sdelay $0x3  }
.LBB2_13:
0x108: {  	_ =	sfence.sel $0x180000  }
0x109: {  	[bflag:$0x0] =	sbarrier.arrive $0xFFFF  }
0x10a: {  	p0 =	sne.s32 s4, $0x0;
	_ =	strace $0x9000004A  }
0x10b: {  	s0 =	sadd.s32 @!p0 $0x100000, s0;
	[bflag:$0x2] =	sbarrier.arrive $0xFFFF  }
0x10c: {  	[sflag:s0] =	ssyncadd.tile.s32 @!p0 $0x1;
	_ =	shalt  }
.Lfunc_end2:
_tile_overlayer_lowered:
.L_overlay_start_2:
0x10d: {  	(tag) =	ssettag $0x2  }
0x10e: {  	s0 =	rddreg [dreg:$0x0];
	s2 =	stileid.u32  }
0x10f: {  	s1 =	rddreg [dreg:$0x1];
	p0 =	sne.s32 s2, $0x0  }
0x110: {  	s3 =	rddreg [dreg:$0x2];
	[bflag:$0x3] =	sbarrier.arrive $0xFFFF;
	s2 =	simm.s32 @!p0 $0x1C03  }
0x111: {  	[timem:s3], [sflag:s2] =	dma.local @!p0 [hbm:s0], s1  }
0x112: {  	s0 =	simm.s32 @!p0 $0x3  }
0x113: {  	_ =	swait.ge @!p0 [sflag:s0], s1  }
0x114: {  	s1 =	ssub.s32 @!p0 $0x0, s1;
	[sflag:s0] =	ssyncset.done @!p0 $0x0  }
0x115: {  	[sflag:s0] =	ssyncadd.s32 @!p0 s1  }
0x116: {  	[bflag:$0x3] =	sbarrier.arrive $0xFFFF  }
0x117: {  	_ =	shalt  }

// kernel: _run.14.cloned.1.call-start
scs
__scs_entry_jumppad:
0x0: {  	(pc) =	sbr.rel $0x88, $3  }
0x1: {  	(tag) =	ssettag $0x0;
	lr =	simm.s32 $0x1  }
0x2: {  	[smem:$0x3F9B] =	sst lr;
	_ =	strace $0xD0000000  }
0x3: {  	_ = 	snop  }
0x4: {  	_ = 	snop  }
0x5: {  	_ = 	snop  }
0x6: {  	_ = 	snop  }
0x7: {  	_ = 	snop  }
__scs_overlays_trampoline_lowered:
0x8: {  	[smem:$0x3FAA] =	sst s0  }
0x9: {  	[smem:$0x3FAB] =	sst s1  }
0xa: {  	[smem:$0x3FAC] =	sst s2  }
0xb: {  	[smem:$0x3FAD] =	sst s3  }
0xc: {  	[smem:$0x3FAE] =	sst s4  }
0xd: {  	[smem:$0x3FAF] =	sst s5  }
0xe: {  	[smem:$0x3FB0] =	sst s6  }
0xf: {  	[smem:$0x3FB1] =	sst s7  }
0x10: {  	[smem:$0x3FB2] =	sst s8  }
0x11: {  	[smem:$0x3FB3] =	sst s9;
	s0 =	simm.s32 @!p0 $0x0  }
0x12: {  	s1 =	sld [smem:$0x3F99];
	s0 =	simm.s32 @p0 $0x1  }
0x13: {  	[smem:$0x3FB4] =	sst s0;
	s0 =	simm.s32 @!p1 $0x0  }
0x14: {  	s2 =	sld [smem:$0x3F98];
	s0 =	simm.s32 @p1 $0x1  }
0x15: {  	[smem:$0x3FB5] =	sst s0;
	s0 =	simm.s32 @!p2 $0x0  }
0x16: {  	s3 =	sld [smem:$0x3FDB];
	s0 =	simm.s32 @p2 $0x1  }
0x17: {  	s4 =	simm.s32 $0x1BF5;
	[smem:$0x3FB7] =	sst s0  }
0x18: {  	s0 =	sld [smem:$0x3F9A];
	_ =	swait.ge [sflag:s4], $0x0  }
0x19: {  	s7 =	sld [smem:$0x3F9B]  }
0x1a: {  	s8 =	sadd.s32 $0xFFFFE003, lr  }
0x1b: {  	s9 =	sadd.s32 $0xFFFFFEF7, lr;
	s5 =	simm.s32 $0xFFFFFFFF;
	p2 =	slt.u32 s8, $0xFFFFF086  }
0x1c: {  	p1 =	slt.u32 s9, $0xF7A;
	s5 =	simm.s32 @!p2 $0x0  }
0x1d: {  	s5 =	simm.s32 @p1 $0x1;
	p0 =	seq.s32 s7, s2  }
0x1e: {  	s7 =	smul.u32 @!p0 $0xF7A, s2;
	p2 =	seq.s32 @!p0 s5, $0x0  }
0x1f: {  	s9 =	smul.u32 $0xF7A, s1;
	s8 =	simm.s32 @!p0 $0x1BF5;
	p2 =	por !p2, p0  }
0x20: {  	[sflag:s8] =	ssyncset.s32 @!p0 $0xFFFFF086;
	s6 =	sadd.s32 @!p0 s3, s7;
	s7 =	simm.s32 @!p0 $0x108  }
0x21: {  	s3 =	sadd.s32 s3, s9;
	s6 =	sadd.s32 @!p0 $0x88, s6;
	s7 =	simm.s32 @p2 $0x1082  }
0x22: {  	[simem:s7], [sflag:s8] =	dma.local @!p0 [hbm:s6], $0xF7A  }
0x23: {  	s9 =	sor.u32 $0xD0000000, s2;
	s6 =	simm.s32 $0x108;
	_ =	swait.ge @!p0 [sflag:s8], $0x0  }
0x24: {  	s3 =	sadd.s32 $0x88, s3;
	s6 =	simm.s32 @!p1 $0x1082;
	[sflag:s4] =	ssyncset.s32 $0xFFFFF086  }
0x25: {  	[simem:s6], [sflag:s4] =	dma.local [hbm:s3], $0xF7A  }
0x26: {  	[smem:$0x3F9B] =	sst s1;
	(tag) =	ssettag s2;
	_ =	strace s9  }
0x27: {  	s1 =	sld [smem:$0x3FAB]  }
0x28: {  	s2 =	sld [smem:$0x3FAC]  }
0x29: {  	s4 =	sld [smem:$0x3FAE]  }
0x2a: {  	p0 =	seq.s32 s5, $0x0;
	s5 =	sld [smem:$0x3FAF]  }
0x2b: {  	s6 =	sld [smem:$0x3FB0]  }
0x2c: {  	s7 =	sld [smem:$0x3FB1]  }
0x2d: {  	s3 =	simm.s32 $0x108;
	s8 =	sld [smem:$0x3FB2]  }
0x2e: {  	s3 =	simm.s32 @!p0 $0x1082;
	s9 =	sld [smem:$0x3FB3]  }
0x2f: {  	lr =	sadd.s32 s0, s3;
	s0 =	sld [smem:$0x3FAA]  }
0x30: {  	s3 =	sld [smem:$0x3FAD]  }
0x31: {  	[smem:$0x3FB6] =	sst s10  }
0x32: {  	s10 =	sld [smem:$0x3FB4];
	_ =	sdelay $0x3  }
0x33: {  	p0 =	seq.s32 s10, $0x1;
	s10 =	sld [smem:$0x3FB6];
	_ =	sdelay $0x3  }
0x34: {  	[smem:$0x3FB6] =	sst s10  }
0x35: {  	s10 =	sld [smem:$0x3FB5];
	_ =	sdelay $0x3  }
0x36: {  	p1 =	seq.s32 s10, $0x1;
	s10 =	sld [smem:$0x3FB6];
	_ =	sdelay $0x3  }
0x37: {  	[smem:$0x3FB6] =	sst s10  }
0x38: {  	s10 =	sld [smem:$0x3FB7]  }
0x39: {  	_ = 	snop;
	(pc) =	sbr.ind lr, $3  }
0x3a: {  	_ = 	snop  }
0x3b: {  	_ = 	snop  }
0x3c: {  	p2 =	seq.s32 s10, $0x1;
	s10 =	sld [smem:$0x3FB6]  }
0x3d: {  	_ =	shalt  }
0x3e: {  	_ =	shalt  }
0x3f: {  	_ =	shalt  }
0x40: {  	_ =	shalt  }
0x41: {  	_ =	shalt  }
0x42: {  	_ =	shalt  }
0x43: {  	_ =	shalt  }
0x44: {  	_ =	shalt  }
0x45: {  	_ =	shalt  }
0x46: {  	_ =	shalt  }
0x47: {  	_ =	shalt  }
0x48: {  	_ =	shalt  }
0x49: {  	_ =	shalt  }
0x4a: {  	_ =	shalt  }
0x4b: {  	_ =	shalt  }
0x4c: {  	_ =	shalt  }
0x4d: {  	_ =	shalt  }
0x4e: {  	_ =	shalt  }
0x4f: {  	_ =	shalt  }
0x50: {  	_ =	shalt  }
0x51: {  	_ =	shalt  }
0x52: {  	_ =	shalt  }
0x53: {  	_ =	shalt  }
0x54: {  	_ =	shalt  }
0x55: {  	_ =	shalt  }
0x56: {  	_ =	shalt  }
0x57: {  	_ =	shalt  }
0x58: {  	_ =	shalt  }
0x59: {  	_ =	shalt  }
0x5a: {  	_ =	shalt  }
0x5b: {  	_ =	shalt  }
0x5c: {  	_ =	shalt  }
0x5d: {  	_ =	shalt  }
0x5e: {  	_ =	shalt  }
0x5f: {  	_ =	shalt  }
0x60: {  	_ =	shalt  }
0x61: {  	_ =	shalt  }
0x62: {  	_ =	shalt  }
0x63: {  	_ =	shalt  }
0x64: {  	_ =	shalt  }
0x65: {  	_ =	shalt  }
0x66: {  	_ =	shalt  }
0x67: {  	_ =	shalt  }
0x68: {  	_ =	shalt  }
0x69: {  	_ =	shalt  }
0x6a: {  	_ =	shalt  }
0x6b: {  	_ =	shalt  }
0x6c: {  	_ =	shalt  }
0x6d: {  	_ =	shalt  }
0x6e: {  	_ =	shalt  }
0x6f: {  	_ =	shalt  }
0x70: {  	_ =	shalt  }
0x71: {  	_ =	shalt  }
0x72: {  	_ =	shalt  }
0x73: {  	_ =	shalt  }
0x74: {  	_ =	shalt  }
0x75: {  	_ =	shalt  }
0x76: {  	_ =	shalt  }
0x77: {  	_ =	shalt  }
0x78: {  	_ =	shalt  }
0x79: {  	_ =	shalt  }
0x7a: {  	_ =	shalt  }
0x7b: {  	_ =	shalt  }
0x7c: {  	_ =	shalt  }
0x7d: {  	_ =	shalt  }
0x7e: {  	_ =	shalt  }
0x7f: {  	_ =	shalt  }
0x80: {  	_ =	shalt  }
0x81: {  	_ =	shalt  }
0x82: {  	_ =	shalt  }
0x83: {  	_ =	shalt  }
0x84: {  	_ =	shalt  }
0x85: {  	_ =	shalt  }
0x86: {  	_ =	shalt  }
0x87: {  	_ =	shalt  }
.Lfunc_end0:
.L_simem_size_0:
called_computation.2_lowered:
.L_overlay_start_0:
0x88: {  	s2 =	sld [smem:$0x3FD9]  }
0x89: {  	s3 =	sld [smem:$0x3FFE];
	_ =	sdelay $0x1  }
0x8a: {  	s1 =	srdreg.scid  }
0x8b: {  	s0 =	sand.u32 $0x1, s1  }
0x8c: {  	s17 =	sshll.u32 s0, $0xA;
	s2 =	sadd.s32 s3, s2  }
0x8d: {  	s2 =	sadd.s32 s2, s17  }
0x8e: {  	[smem:$0x3FC2] =	sst s2  }
0x8f: {  	_ = 	snop  }
0x90: {  	s2 =	sld [smem:$0x3FD0];
	(tm) =	ssettm $0x1  }
0x91: {  	s18 =	sld [smem:$0x3FFB];
	_ =	sdelay $0x3  }
0x92: {  	_ =	strace s18  }
0x93: {  	s3 =	sld [smem:$0x3FFC];
	_ =	sdelay $0x3  }
0x94: {  	_ =	strace s3  }
0x95: {  	s3 =	sld [smem:$0x3FFD];
	_ =	sdelay $0x3  }
0x96: {  	_ =	strace s3  }
0x97: {  	_ =	strace $0x8FFFFFFF  }
0x98: {  	s19 =	sld [smem:$0x3FDB];
	_ =	sdelay $0x1  }
0x99: {  	s4 =	simm.s32 $_scs_section_size  }
0x9a: {  	s5 =	simm.s32 $_size__tile_overlayer_lowered;
	s6 =	simm.s32 $_tile_overlayer_lowered  }
0x9b: {  	s22 =	simm.s32 $0x1BFF;
	s21 =	sshll.u32 s6, $0x1;
	s3 =	sadd.s32 s4, s19  }
0x9c: {  	s7 =	simm.s32 $0x0;
	s20 =	sshll.u32 s5, $0x1;
	s5 =	sadd.s32 s21, s3  }
0x9d: {  	[timem:s7], [sflag:s22] =	dma.local [hbm:s5], s20  }
0x9e: {  	_ =	swait.ge [sflag:s22], s20  }
0x9f: {  	s4 =	ssub.s32 $0x0, s20;
	[sflag:s22] =	ssyncset.done $0x0  }
0xa0: {  	[sflag:s22] =	ssyncadd.s32 s4;
	_ =	sdelay $0x1  }
0xa1: {  	s23 =	simm.s32 $0x1B8B  }
0xa2: {  	_ =	swait.ge [sflag:s23], $0x1  }
0xa3: {  	[sflag:s23] =	ssyncset.done $0x0  }
0xa4: {  	s25 =	simm.s32 $0x1B8E;
	s24 =	sld [smem:$0x3FFE];
	[sflag:s23] =	ssyncadd.s32 $0xFFFFFFFF  }
0xa5: {  	s26 =	simm.s32 $execute0_lowered;
	[smem:$0x3FD2] =	sst s25  }
0xa6: {  	s5 =	sshll.u32 s26, $0x1;
	_ =	strace $0x8000004C;
	[dreg:$0x1] =	wrdreg $0xFFFFFFFF  }
0xa7: {  	s28 =	simm.s32 $_size_execute0_lowered;
	s3 =	sadd.s32 s3, s5;
	[dreg:$0x0] =	wrdreg $0x0  }
0xa8: {  	s5 =	sshll.u32 s28, $0x1;
	[dreg:$0x2] =	wrdreg s3  }
0xa9: {  	[dreg:$0x3] =	wrdreg s5  }
0xaa: {  	[dreg:$0x4] =	wrdreg $0xC0  }
0xab: {  	_ =	task [dreg:s7], $0x5FFFF  }
0xac: {  	[dreg:$0x1] =	wrdreg $0xFFFFFFFF  }
0xad: {  	[dreg:$0x0] =	wrdreg $0x60  }
0xae: {  	[dreg:$0x2] =	wrdreg s24  }
0xaf: {  	[dreg:$0x3] =	wrdreg s2  }
0xb0: {  	[dreg:$0x4] =	wrdreg $0xB0000  }
0xb1: {  	[dreg:$0x5] =	wrdreg $0x9  }
0xb2: {  	_ =	task.clear_ibuf [dreg:s7], $0x6FFFF;
	_ =	strace $0x9000004C  }
0xb3: {  	s29 =	simm.s32 $0x9;
	_ =	strace $0x8000004E  }
0xb4: {  	_ =	swait.ge [sflag:s29], $0x1  }
0xb5: {  	[sflag:s29] =	ssyncadd.s32 $0xFFFFFFFF  }
0xb6: {  	_ =	strace $0x9000004E  }
0xb7: {  	_ =	sfence  }
0xb8: {  	s30 =	sld [smem:$0x0];
	_ =	sdelay $0x2  }
0xb9: {  	s31 =	sshll.u32 s1, $0xD;
	s1 =	sshrl.u32 s1, $0x2  }
0xba: {  	s3 =	sand.u32 $0x4000, s31;
	s1 =	sadd.s32 s1, s30  }
0xbb: {  	s0 =	sor.u32 s3, s0;
	s1 =	sshll.u32 s1, $0x11  }
0xbc: {  	s0 =	sor.u32 s1, s0  }
0xbd: {  	s0 =	sadd.s32 $0x8F2B, s0  }
0xbe: {  	[sflag:s0] =	ssyncadd.remote.s32 $0x1  }
0xbf: {  	_ =	sfence.sel $0xFFFF  }
0xc0: {  	[dreg:$0x0] =	wrdreg $0xFFFFFFFF;
	(pc) =	sbr.abs _section_cstart, $3  }
0xc1: {  	[dreg:$0x1] =	wrdreg $0xFFFFFFFF  }
0xc2: {  	_ =	task.clear_ibuf [dreg:s7], $0x2FFFF;
	_ =	strace $0x9FFFFFFF  }
0xc3: {  	(tm) =	ssettm $0x7FFFFFFF  }
tec
execute0_lowered:
.L_overlay_start_1:
0x0: {  	(tag) =	ssettag $0x1  }
0x1: {  	s8 =	rddreg [dreg:$0x0]  }
0x2: {  	s1 =	rddreg [dreg:$0x1]  }
0x3: {  	s2 =	rddreg [dreg:$0x2]  }
0x4: {  	s0 =	rddreg [dreg:$0x3];
	s3 =	simm.s32 $0x0  }
0x5: {  	s6 =	srdreg.scid;
	s4 =	stileid.u32;
	s18 =	simm.s32 $0x1800  }
0x6: {  	s19 =	simm.s32 $0x80;
	s20 =	simm.s32 $0x3000;
	s21 =	simm.s32 $0x7000  }
0x7: {  	s22 =	simm.s32 $0x1;
	s23 =	simm.s32 $0x2;
	s24 =	simm.s32 $0x0  }
0x8: {  	[smem:$0x7FF] =	sst s3;
	s12 =	sadd.s32 $0xAC600, s8;
	s13 =	sadd.s32 $0x3600, s8  }
0x9: {  	s5 =	sadd.s32 $0xBE00, s8;
	s16 =	sand.u32 $0x1, s6;
	s10 =	smul.u32 $0x50000, s4  }
0xa: {  	s6 =	sadd.s32 $0x9600, s8;
	s7 =	sadd.s32 $0x33E00, s8;
	s14 =	smul.u32 $0x3000, s4  }
0xb: {  	s8 =	sadd.s32 $0x5BE00, s8;
	s30 =	sshll.u32 s4, $0x6;
	s9 =	ssub.s32 $0x2, s16  }
0xc: {  	_ =	strace $0x8000004D;
	p0 =	sne.s32 s16, $0x0;
	s11 =	sshrl.u32 s9, $0x1  }
.Ltmp0:
0xd: {  	s29 =	sshrl.u32 s10, $0x2;
	s31 =	sshrl.u32 s14, $0x3;
	(pc) =	sbr.rel .LBB2_1-.Ltmp0, $4  }
0xe: {  	s15 =	ssub.s32 s9, s11;
	s17 =	sadd.s32 s29, s2;
	s9 =	sor.u32 $0x1C03, s30  }
0xf: {  	s10 =	sadd.s32 s12, s31;
	s14 =	sadd.s32 $0x300, s31;
	s11 =	sadd.s32 s13, s31  }
0x10: {  	s12 =	sadd.s32 s12, s14;
	s13 =	sadd.s32 s13, s14;
	s14 =	smul.u32 $0x2800, s4  }
0x11: {  	s15 =	smax.u32 s15, $0x1;
	s16 =	sshrl.u32 s17, $0x3;
	s17 =	simm.s32 $0x3  }
.LBB2_11:
0x12: {  	s25 =	sshra.s32 s25, $0x2;
	[sflag:s17] =	ssyncadd.s32 $0xFFFFC000  }
0x13: {  	[tilespmem:s20], [sflag:$0x1] =	stream.indirect.gather [hbm4b:s5+s19], $0x80, s25, s19, $0xb8;
	[tilespmem:$0x1F000] =	vst v63  }
0x14: {  	s26 =	sadd.s32 $0x80, s25  }
0x15: {  	[tilespmem:s21], [sflag:$0x2] =	stream.indirect.gather [hbm4b:s5+s19], $0x80, s26, s19, $0xb8;
	[tilespmem:$0x1F000] =	vst v63  }
0x16: {  	_ =	swait.ge [sflag:s22], $0x4000  }
0x17: {  	[sflag:s22] =	ssyncset.done $0x0  }
0x18: {  	s31 =	sadd.s32 $0x1800, s25;
	[sflag:s22] =	ssyncadd.s32 $0xFFFFC000  }
0x19: {  	[spmem:s2] =	stream.indirect.scatter.add.f32 [tilespmem:s20], [sflag:$0x3], $0x80, s31, s19, $0xb8;
	[tilespmem:$0x1F000] =	vst v63  }
0x1a: {  	_ =	swait.ge [sflag:s17], $0x4000  }
0x1b: {  	[sflag:s17] =	ssyncset.done $0x0  }
0x1c: {  	[sflag:s17] =	ssyncadd.s32 $0xFFFFC000  }
0x1d: {  	_ =	swait.ge [sflag:s23], $0x4000  }
0x1e: {  	[sflag:s23] =	ssyncset.done $0x0  }
0x1f: {  	s25 =	sadd.s32 $0x1880, s25;
	[sflag:s23] =	ssyncadd.s32 $0xFFFFC000  }
0x20: {  	[spmem:s2] =	stream.indirect.scatter.add.f32 [tilespmem:s21], [sflag:$0x3], $0x80, s25, s19, $0xb8;
	[tilespmem:$0x1F000] =	vst v63  }
0x21: {  	_ =	swait.ge [sflag:s17], $0x4000  }
0x22: {  	[sflag:s17] =	ssyncset.done $0x0  }
0x23: {  	s25 =	smov.u32 s8;
	[sflag:s17] =	ssyncadd.s32 $0xFFFFC000  }
.LBB2_12:
0x24: {  	s24 =	sadd.s32 $0x1, s24  }
0x25: {  	p1 =	sne.s32 s24, s15  }
.Ltmp1:
0x26: {  	s25 =	sadd.s32 s25, s14;
	[bflag:$0x0] =	sbarrier.arrive $0xFFFF;
	(pc) =	sbr.rel @!p1 .LBB2_13-.Ltmp1, $4  }
0x27: {  	[hbm:s25], [sflag:s9] =	dma.local [spmem:s16], $0x2800  }
0x28: {  	_ =	swait.ge [sflag:s17], $0x2800  }
0x29: {  	[sflag:s17] =	ssyncset.done $0x0  }
0x2a: {  	[sflag:s17] =	ssyncadd.s32 $0xFFFFD800  }
.LBB2_1:
0x2b: {  	[spmem:s16], [sflag:s9] =	dma.local [hbm:s6], $0x2800  }
0x2c: {  	_ =	swait.ge [sflag:s17], $0x2800  }
0x2d: {  	[sflag:s17] =	ssyncset.done $0x0  }
0x2e: {  	[sflag:s17] =	ssyncadd.s32 $0xFFFFD800  }
0x2f: {  	[bflag:$0x0] =	sbarrier.arrive $0xFFFF  }
0x30: {  	[tilespmem:s3], [sflag:$0x3] =	stream.linear.gather [hbm4b:s10+s3], $0x1800, $0x38;
	[tilespmem:$0x1F000] =	vst v63  }
0x31: {  	_ =	swait.ge [sflag:s17], $0x1800  }
0x32: {  	[sflag:s17] =	ssyncset.done $0x0  }
.Ltmp2:
0x33: {  	[sflag:s17] =	ssyncadd.s32 $0xFFFFE800;
	(pc) =	sbr.rel @p0 .LBB2_7-.Ltmp2, $4  }
0x34: {  	[tilespmem:s18], [sflag:$0x3] =	stream.linear.gather [hbm4b:s11+s3], $0x1800, $0x38;
	[tilespmem:$0x1F000] =	vst v63  }
0x35: {  	_ =	swait.ge [sflag:s17], $0x1800  }
0x36: {  	[sflag:s17] =	ssyncset.done $0x0  }
0x37: {  	s25 =	simm.s32 $0x0;
	[sflag:s17] =	ssyncadd.s32 $0xFFFFE800  }
0x38: {  	[tilespmem:s20], [sflag:$0x1] =	stream.indirect.gather [hbm4b:s1+s19], $0x80, s25, s19, $0xb8;
	[tilespmem:$0x1F000] =	vst v63  }
0x39: {  	s29 =	simm.s32 $0x80  }
0x3a: {  	[tilespmem:s21], [sflag:$0x2] =	stream.indirect.gather [hbm4b:s1+s19], $0x80, s29, s19, $0xb8;
	[tilespmem:$0x1F000] =	vst v63  }
0x3b: {  	_ =	swait.ge [sflag:s22], $0x4000  }
0x3c: {  	[sflag:s22] =	ssyncset.done $0x0  }
0x3d: {  	s30 =	simm.s32 $0x1800;
	[sflag:s22] =	ssyncadd.s32 $0xFFFFC000  }
0x3e: {  	[spmem:s2] =	stream.indirect.scatter.add.f32 [tilespmem:s20], [sflag:$0x3], $0x80, s30, s19, $0xb8;
	[tilespmem:$0x1F000] =	vst v63  }
0x3f: {  	_ =	swait.ge [sflag:s17], $0x4000  }
0x40: {  	[sflag:s17] =	ssyncset.done $0x0  }
0x41: {  	[sflag:s17] =	ssyncadd.s32 $0xFFFFC000  }
0x42: {  	_ =	swait.ge [sflag:s23], $0x4000  }
0x43: {  	[sflag:s23] =	ssyncset.done $0x0  }
0x44: {  	s31 =	simm.s32 $0x1880;
	[sflag:s23] =	ssyncadd.s32 $0xFFFFC000  }
0x45: {  	[spmem:s2] =	stream.indirect.scatter.add.f32 [tilespmem:s21], [sflag:$0x3], $0x80, s31, s19, $0xb8;
	[tilespmem:$0x1F000] =	vst v63  }
0x46: {  	_ =	swait.ge [sflag:s17], $0x4000  }
0x47: {  	s25 =	simm.s32 $0x400;
	s26 =	simm.s32 $0x800;
	[sflag:s17] =	ssyncset.done $0x0  }
.LBB2_3:
0x48: {  	s28 =	sshra.s32 s25, $0x2  }
0x49: {  	[sflag:s17] =	ssyncadd.s32 $0xFFFFC000;
	s25 =	smov.u32 s26;
	s29 =	sadd.s32 $0x400, s26  }
0x4a: {  	[tilespmem:s20], [sflag:$0x1] =	stream.indirect.gather [hbm4b:s1+s19], $0x80, s28, s19, $0xb8;
	[tilespmem:$0x1F000] =	vst v63  }
0x4b: {  	p1 =	sne.s32 s26, $0x5C00;
	s26 =	sadd.s32 $0x80, s28  }
0x4c: {  	[tilespmem:s21], [sflag:$0x2] =	stream.indirect.gather [hbm4b:s1+s19], $0x80, s26, s19, $0xb8;
	[tilespmem:$0x1F000] =	vst v63  }
0x4d: {  	_ =	swait.ge [sflag:s22], $0x4000  }
0x4e: {  	[sflag:s22] =	ssyncset.done $0x0  }
0x4f: {  	s26 =	sadd.s32 $0x1800, s28;
	[sflag:s22] =	ssyncadd.s32 $0xFFFFC000  }
0x50: {  	[spmem:s2] =	stream.indirect.scatter.add.f32 [tilespmem:s20], [sflag:$0x3], $0x80, s26, s19, $0xb8;
	[tilespmem:$0x1F000] =	vst v63  }
0x51: {  	_ =	swait.ge [sflag:s17], $0x4000  }
0x52: {  	[sflag:s17] =	ssyncset.done $0x0  }
0x53: {  	[sflag:s17] =	ssyncadd.s32 $0xFFFFC000  }
0x54: {  	_ =	swait.ge [sflag:s23], $0x4000  }
.Ltmp3:
0x55: {  	[sflag:s23] =	ssyncset.done $0x0;
	(pc) =	sbr.rel @p1 .LBB2_3-.Ltmp3, $4  }
0x56: {  	s26 =	sadd.s32 $0x1880, s28;
	[sflag:s23] =	ssyncadd.s32 $0xFFFFC000  }
0x57: {  	[spmem:s2] =	stream.indirect.scatter.add.f32 [tilespmem:s21], [sflag:$0x3], $0x80, s26, s19, $0xb8;
	[tilespmem:$0x1F000] =	vst v63  }
0x58: {  	_ =	swait.ge [sflag:s17], $0x4000  }
0x59: {  	s26 =	smov.u32 s29;
	[sflag:s17] =	ssyncset.done $0x0  }
0x5a: {  	s25 =	sshra.s32 s25, $0x2;
	[sflag:s17] =	ssyncadd.s32 $0xFFFFC000  }
0x5b: {  	[tilespmem:s20], [sflag:$0x1] =	stream.indirect.gather [hbm4b:s1+s19], $0x80, s25, s19, $0xb8;
	[tilespmem:$0x1F000] =	vst v63  }
0x5c: {  	s26 =	sadd.s32 $0x80, s25  }
0x5d: {  	[tilespmem:s21], [sflag:$0x2] =	stream.indirect.gather [hbm4b:s1+s19], $0x80, s26, s19, $0xb8;
	[tilespmem:$0x1F000] =	vst v63  }
0x5e: {  	_ =	swait.ge [sflag:s22], $0x4000  }
0x5f: {  	[sflag:s22] =	ssyncset.done $0x0  }
0x60: {  	s31 =	sadd.s32 $0x1800, s25;
	[sflag:s22] =	ssyncadd.s32 $0xFFFFC000  }
0x61: {  	[spmem:s2] =	stream.indirect.scatter.add.f32 [tilespmem:s20], [sflag:$0x3], $0x80, s31, s19, $0xb8;
	[tilespmem:$0x1F000] =	vst v63  }
0x62: {  	_ =	swait.ge [sflag:s17], $0x4000  }
0x63: {  	[sflag:s17] =	ssyncset.done $0x0  }
0x64: {  	[sflag:s17] =	ssyncadd.s32 $0xFFFFC000  }
0x65: {  	_ =	swait.ge [sflag:s23], $0x4000  }
0x66: {  	[sflag:s23] =	ssyncset.done $0x0  }
0x67: {  	s25 =	sadd.s32 $0x1880, s25;
	[sflag:s23] =	ssyncadd.s32 $0xFFFFC000  }
0x68: {  	[spmem:s2] =	stream.indirect.scatter.add.f32 [tilespmem:s21], [sflag:$0x3], $0x80, s25, s19, $0xb8;
	[tilespmem:$0x1F000] =	vst v63  }
0x69: {  	_ =	swait.ge [sflag:s17], $0x4000  }
0x6a: {  	[sflag:s17] =	ssyncset.done $0x0  }
0x6b: {  	s26 =	simm.s32 $0x0;
	[sflag:s17] =	ssyncadd.s32 $0xFFFFC000  }
0x6c: {  	[tilespmem:s26], [sflag:$0x3] =	stream.linear.gather [hbm4b:s12+s26], $0x1800, $0x38;
	[tilespmem:$0x1F000] =	vst v63  }
0x6d: {  	_ =	swait.ge [sflag:s17], $0x1800  }
0x6e: {  	[sflag:s17] =	ssyncset.done $0x0  }
0x6f: {  	[sflag:s17] =	ssyncadd.s32 $0xFFFFE800  }
0x70: {  	[tilespmem:s18], [sflag:$0x3] =	stream.linear.gather [hbm4b:s13+s26], $0x1800, $0x38;
	[tilespmem:$0x1F000] =	vst v63  }
0x71: {  	_ =	swait.ge [sflag:s17], $0x1800  }
0x72: {  	[sflag:s17] =	ssyncset.done $0x0  }
0x73: {  	s28 =	simm.s32 $0x0;
	[sflag:s17] =	ssyncadd.s32 $0xFFFFE800  }
0x74: {  	[tilespmem:s20], [sflag:$0x1] =	stream.indirect.gather [hbm4b:s1+s19], $0x80, s28, s19, $0xb8;
	[tilespmem:$0x1F000] =	vst v63  }
0x75: {  	s29 =	simm.s32 $0x80  }
0x76: {  	[tilespmem:s21], [sflag:$0x2] =	stream.indirect.gather [hbm4b:s1+s19], $0x80, s29, s19, $0xb8;
	[tilespmem:$0x1F000] =	vst v63  }
0x77: {  	_ =	swait.ge [sflag:s22], $0x4000  }
0x78: {  	[sflag:s22] =	ssyncset.done $0x0  }
0x79: {  	s30 =	simm.s32 $0x1800;
	[sflag:s22] =	ssyncadd.s32 $0xFFFFC000  }
0x7a: {  	[spmem:s2] =	stream.indirect.scatter.add.f32 [tilespmem:s20], [sflag:$0x3], $0x80, s30, s19, $0xb8;
	[tilespmem:$0x1F000] =	vst v63  }
0x7b: {  	_ =	swait.ge [sflag:s17], $0x4000  }
0x7c: {  	[sflag:s17] =	ssyncset.done $0x0  }
0x7d: {  	[sflag:s17] =	ssyncadd.s32 $0xFFFFC000  }
0x7e: {  	_ =	swait.ge [sflag:s23], $0x4000  }
0x7f: {  	[sflag:s23] =	ssyncset.done $0x0  }
0x80: {  	s31 =	simm.s32 $0x1880;
	[sflag:s23] =	ssyncadd.s32 $0xFFFFC000  }
0x81: {  	[spmem:s2] =	stream.indirect.scatter.add.f32 [tilespmem:s21], [sflag:$0x3], $0x80, s31, s19, $0xb8;
	[tilespmem:$0x1F000] =	vst v63  }
0x82: {  	_ =	swait.ge [sflag:s17], $0x4000  }
0x83: {  	s25 =	simm.s32 $0x400;
	s26 =	simm.s32 $0x800;
	[sflag:s17] =	ssyncset.done $0x0  }
.LBB2_5:
0x84: {  	s28 =	sshra.s32 s25, $0x2  }
0x85: {  	[sflag:s17] =	ssyncadd.s32 $0xFFFFC000;
	s25 =	smov.u32 s26;
	s29 =	sadd.s32 $0x400, s26  }
0x86: {  	[tilespmem:s20], [sflag:$0x1] =	stream.indirect.gather [hbm4b:s1+s19], $0x80, s28, s19, $0xb8;
	[tilespmem:$0x1F000] =	vst v63  }
0x87: {  	p1 =	seq.s32 s26, $0x5C00;
	s26 =	sadd.s32 $0x80, s28  }
0x88: {  	[tilespmem:s21], [sflag:$0x2] =	stream.indirect.gather [hbm4b:s1+s19], $0x80, s26, s19, $0xb8;
	[tilespmem:$0x1F000] =	vst v63  }
0x89: {  	_ =	swait.ge [sflag:s22], $0x4000  }
0x8a: {  	[sflag:s22] =	ssyncset.done $0x0  }
0x8b: {  	s26 =	sadd.s32 $0x1800, s28;
	[sflag:s22] =	ssyncadd.s32 $0xFFFFC000  }
0x8c: {  	[spmem:s2] =	stream.indirect.scatter.add.f32 [tilespmem:s20], [sflag:$0x3], $0x80, s26, s19, $0xb8;
	[tilespmem:$0x1F000] =	vst v63  }
0x8d: {  	_ =	swait.ge [sflag:s17], $0x4000  }
0x8e: {  	[sflag:s17] =	ssyncset.done $0x0  }
0x8f: {  	[sflag:s17] =	ssyncadd.s32 $0xFFFFC000  }
0x90: {  	_ =	swait.ge [sflag:s23], $0x4000  }
.Ltmp4:
0x91: {  	[sflag:s23] =	ssyncset.done $0x0;
	(pc) =	sbr.rel @!p1 .LBB2_5-.Ltmp4, $4  }
0x92: {  	s26 =	sadd.s32 $0x1880, s28;
	[sflag:s23] =	ssyncadd.s32 $0xFFFFC000  }
0x93: {  	[spmem:s2] =	stream.indirect.scatter.add.f32 [tilespmem:s21], [sflag:$0x3], $0x80, s26, s19, $0xb8;
	[tilespmem:$0x1F000] =	vst v63  }
0x94: {  	_ =	swait.ge [sflag:s17], $0x4000  }
0x95: {  	s26 =	smov.u32 s29;
	[sflag:s17] =	ssyncset.done $0x0  }
0x96: {  	s25 =	sshra.s32 s25, $0x2;
	[sflag:s17] =	ssyncadd.s32 $0xFFFFC000  }
0x97: {  	[tilespmem:s20], [sflag:$0x1] =	stream.indirect.gather [hbm4b:s1+s19], $0x80, s25, s19, $0xb8;
	[tilespmem:$0x1F000] =	vst v63  }
0x98: {  	s26 =	sadd.s32 $0x80, s25  }
0x99: {  	[tilespmem:s21], [sflag:$0x2] =	stream.indirect.gather [hbm4b:s1+s19], $0x80, s26, s19, $0xb8;
	[tilespmem:$0x1F000] =	vst v63  }
0x9a: {  	_ =	swait.ge [sflag:s22], $0x4000  }
0x9b: {  	[sflag:s22] =	ssyncset.done $0x0  }
0x9c: {  	s31 =	sadd.s32 $0x1800, s25;
	[sflag:s22] =	ssyncadd.s32 $0xFFFFC000  }
0x9d: {  	[spmem:s2] =	stream.indirect.scatter.add.f32 [tilespmem:s20], [sflag:$0x3], $0x80, s31, s19, $0xb8;
	[tilespmem:$0x1F000] =	vst v63  }
0x9e: {  	_ =	swait.ge [sflag:s17], $0x4000  }
0x9f: {  	[sflag:s17] =	ssyncset.done $0x0  }
0xa0: {  	[sflag:s17] =	ssyncadd.s32 $0xFFFFC000  }
0xa1: {  	_ =	swait.ge [sflag:s23], $0x4000  }
0xa2: {  	[sflag:s23] =	ssyncset.done $0x0  }
.Ltmp5:
0xa3: {  	s25 =	sadd.s32 $0x1880, s25;
	[sflag:s23] =	ssyncadd.s32 $0xFFFFC000;
	(pc) =	sbr.rel .LBB2_12-.Ltmp5, $4  }
0xa4: {  	[spmem:s2] =	stream.indirect.scatter.add.f32 [tilespmem:s21], [sflag:$0x3], $0x80, s25, s19, $0xb8;
	[tilespmem:$0x1F000] =	vst v63  }
0xa5: {  	_ =	swait.ge [sflag:s17], $0x4000  }
0xa6: {  	[sflag:s17] =	ssyncset.done $0x0  }
0xa7: {  	s25 =	smov.u32 s7;
	[sflag:s17] =	ssyncadd.s32 $0xFFFFC000  }
.LBB2_7:
0xa8: {  	[tilespmem:s20], [sflag:$0x1] =	stream.indirect.gather [hbm4b:s5+s19], $0x80, s25, s19, $0xb8;
	[tilespmem:$0x1F000] =	vst v63  }
0xa9: {  	s29 =	simm.s32 $0x80  }
0xaa: {  	[tilespmem:s21], [sflag:$0x2] =	stream.indirect.gather [hbm4b:s5+s19], $0x80, s29, s19, $0xb8;
	[tilespmem:$0x1F000] =	vst v63  }
0xab: {  	_ =	swait.ge [sflag:s22], $0x4000  }
0xac: {  	[sflag:s22] =	ssyncset.done $0x0  }
0xad: {  	s30 =	simm.s32 $0x1800;
	[sflag:s22] =	ssyncadd.s32 $0xFFFFC000  }
0xae: {  	[spmem:s2] =	stream.indirect.scatter.add.f32 [tilespmem:s20], [sflag:$0x3], $0x80, s30, s19, $0xb8;
	[tilespmem:$0x1F000] =	vst v63  }
0xaf: {  	_ =	swait.ge [sflag:s17], $0x4000  }
0xb0: {  	[sflag:s17] =	ssyncset.done $0x0  }
0xb1: {  	[sflag:s17] =	ssyncadd.s32 $0xFFFFC000  }
0xb2: {  	_ =	swait.ge [sflag:s23], $0x4000  }
0xb3: {  	[sflag:s23] =	ssyncset.done $0x0  }
0xb4: {  	s31 =	simm.s32 $0x1880;
	[sflag:s23] =	ssyncadd.s32 $0xFFFFC000  }
0xb5: {  	[spmem:s2] =	stream.indirect.scatter.add.f32 [tilespmem:s21], [sflag:$0x3], $0x80, s31, s19, $0xb8;
	[tilespmem:$0x1F000] =	vst v63  }
0xb6: {  	_ =	swait.ge [sflag:s17], $0x4000  }
0xb7: {  	s25 =	simm.s32 $0x400;
	s26 =	simm.s32 $0x800;
	[sflag:s17] =	ssyncset.done $0x0  }
.LBB2_8:
0xb8: {  	s28 =	sshra.s32 s25, $0x2  }
0xb9: {  	[sflag:s17] =	ssyncadd.s32 $0xFFFFC000;
	s25 =	smov.u32 s26;
	s29 =	sadd.s32 $0x400, s26  }
0xba: {  	[tilespmem:s20], [sflag:$0x1] =	stream.indirect.gather [hbm4b:s5+s19], $0x80, s28, s19, $0xb8;
	[tilespmem:$0x1F000] =	vst v63  }
0xbb: {  	p1 =	sne.s32 s26, $0x5C00;
	s26 =	sadd.s32 $0x80, s28  }
0xbc: {  	[tilespmem:s21], [sflag:$0x2] =	stream.indirect.gather [hbm4b:s5+s19], $0x80, s26, s19, $0xb8;
	[tilespmem:$0x1F000] =	vst v63  }
0xbd: {  	_ =	swait.ge [sflag:s22], $0x4000  }
0xbe: {  	[sflag:s22] =	ssyncset.done $0x0  }
0xbf: {  	s26 =	sadd.s32 $0x1800, s28;
	[sflag:s22] =	ssyncadd.s32 $0xFFFFC000  }
0xc0: {  	[spmem:s2] =	stream.indirect.scatter.add.f32 [tilespmem:s20], [sflag:$0x3], $0x80, s26, s19, $0xb8;
	[tilespmem:$0x1F000] =	vst v63  }
0xc1: {  	_ =	swait.ge [sflag:s17], $0x4000  }
0xc2: {  	[sflag:s17] =	ssyncset.done $0x0  }
0xc3: {  	[sflag:s17] =	ssyncadd.s32 $0xFFFFC000  }
0xc4: {  	_ =	swait.ge [sflag:s23], $0x4000  }
.Ltmp6:
0xc5: {  	[sflag:s23] =	ssyncset.done $0x0;
	(pc) =	sbr.rel @p1 .LBB2_8-.Ltmp6, $4  }
0xc6: {  	s26 =	sadd.s32 $0x1880, s28;
	[sflag:s23] =	ssyncadd.s32 $0xFFFFC000  }
0xc7: {  	[spmem:s2] =	stream.indirect.scatter.add.f32 [tilespmem:s21], [sflag:$0x3], $0x80, s26, s19, $0xb8;
	[tilespmem:$0x1F000] =	vst v63  }
0xc8: {  	_ =	swait.ge [sflag:s17], $0x4000  }
0xc9: {  	s26 =	smov.u32 s29;
	[sflag:s17] =	ssyncset.done $0x0  }
0xca: {  	s25 =	sshra.s32 s25, $0x2;
	[sflag:s17] =	ssyncadd.s32 $0xFFFFC000  }
0xcb: {  	[tilespmem:s20], [sflag:$0x1] =	stream.indirect.gather [hbm4b:s5+s19], $0x80, s25, s19, $0xb8;
	[tilespmem:$0x1F000] =	vst v63  }
0xcc: {  	s26 =	sadd.s32 $0x80, s25  }
0xcd: {  	[tilespmem:s21], [sflag:$0x2] =	stream.indirect.gather [hbm4b:s5+s19], $0x80, s26, s19, $0xb8;
	[tilespmem:$0x1F000] =	vst v63  }
0xce: {  	_ =	swait.ge [sflag:s22], $0x4000  }
0xcf: {  	[sflag:s22] =	ssyncset.done $0x0  }
0xd0: {  	s31 =	sadd.s32 $0x1800, s25;
	[sflag:s22] =	ssyncadd.s32 $0xFFFFC000  }
0xd1: {  	[spmem:s2] =	stream.indirect.scatter.add.f32 [tilespmem:s20], [sflag:$0x3], $0x80, s31, s19, $0xb8;
	[tilespmem:$0x1F000] =	vst v63  }
0xd2: {  	_ =	swait.ge [sflag:s17], $0x4000  }
0xd3: {  	[sflag:s17] =	ssyncset.done $0x0  }
0xd4: {  	[sflag:s17] =	ssyncadd.s32 $0xFFFFC000  }
0xd5: {  	_ =	swait.ge [sflag:s23], $0x4000  }
0xd6: {  	[sflag:s23] =	ssyncset.done $0x0  }
0xd7: {  	s25 =	sadd.s32 $0x1880, s25;
	[sflag:s23] =	ssyncadd.s32 $0xFFFFC000  }
0xd8: {  	[spmem:s2] =	stream.indirect.scatter.add.f32 [tilespmem:s21], [sflag:$0x3], $0x80, s25, s19, $0xb8;
	[tilespmem:$0x1F000] =	vst v63  }
0xd9: {  	_ =	swait.ge [sflag:s17], $0x4000  }
0xda: {  	[sflag:s17] =	ssyncset.done $0x0  }
0xdb: {  	s26 =	simm.s32 $0x0;
	[sflag:s17] =	ssyncadd.s32 $0xFFFFC000  }
0xdc: {  	[tilespmem:s26], [sflag:$0x3] =	stream.linear.gather [hbm4b:s12+s26], $0x1800, $0x38;
	[tilespmem:$0x1F000] =	vst v63  }
0xdd: {  	_ =	swait.ge [sflag:s17], $0x1800  }
0xde: {  	[sflag:s17] =	ssyncset.done $0x0  }
0xdf: {  	[sflag:s17] =	ssyncadd.s32 $0xFFFFE800  }
0xe0: {  	[tilespmem:s18], [sflag:$0x3] =	stream.linear.gather [hbm4b:s13+s26], $0x1800, $0x38;
	[tilespmem:$0x1F000] =	vst v63  }
0xe1: {  	_ =	swait.ge [sflag:s17], $0x1800  }
0xe2: {  	[sflag:s17] =	ssyncset.done $0x0  }
0xe3: {  	s28 =	simm.s32 $0x0;
	[sflag:s17] =	ssyncadd.s32 $0xFFFFE800  }
0xe4: {  	[tilespmem:s20], [sflag:$0x1] =	stream.indirect.gather [hbm4b:s5+s19], $0x80, s28, s19, $0xb8;
	[tilespmem:$0x1F000] =	vst v63  }
0xe5: {  	s29 =	simm.s32 $0x80  }
0xe6: {  	[tilespmem:s21], [sflag:$0x2] =	stream.indirect.gather [hbm4b:s5+s19], $0x80, s29, s19, $0xb8;
	[tilespmem:$0x1F000] =	vst v63  }
0xe7: {  	_ =	swait.ge [sflag:s22], $0x4000  }
0xe8: {  	[sflag:s22] =	ssyncset.done $0x0  }
0xe9: {  	s30 =	simm.s32 $0x1800;
	[sflag:s22] =	ssyncadd.s32 $0xFFFFC000  }
0xea: {  	[spmem:s2] =	stream.indirect.scatter.add.f32 [tilespmem:s20], [sflag:$0x3], $0x80, s30, s19, $0xb8;
	[tilespmem:$0x1F000] =	vst v63  }
0xeb: {  	_ =	swait.ge [sflag:s17], $0x4000  }
0xec: {  	[sflag:s17] =	ssyncset.done $0x0  }
0xed: {  	[sflag:s17] =	ssyncadd.s32 $0xFFFFC000  }
0xee: {  	_ =	swait.ge [sflag:s23], $0x4000  }
0xef: {  	[sflag:s23] =	ssyncset.done $0x0  }
0xf0: {  	s31 =	simm.s32 $0x1880;
	[sflag:s23] =	ssyncadd.s32 $0xFFFFC000  }
0xf1: {  	[spmem:s2] =	stream.indirect.scatter.add.f32 [tilespmem:s21], [sflag:$0x3], $0x80, s31, s19, $0xb8;
	[tilespmem:$0x1F000] =	vst v63  }
0xf2: {  	_ =	swait.ge [sflag:s17], $0x4000  }
0xf3: {  	s25 =	simm.s32 $0x400;
	s26 =	simm.s32 $0x800;
	[sflag:s17] =	ssyncset.done $0x0  }
.LBB2_10:
0xf4: {  	s28 =	sshra.s32 s25, $0x2  }
0xf5: {  	[sflag:s17] =	ssyncadd.s32 $0xFFFFC000;
	s25 =	smov.u32 s26;
	s29 =	sadd.s32 $0x400, s26  }
0xf6: {  	[tilespmem:s20], [sflag:$0x1] =	stream.indirect.gather [hbm4b:s5+s19], $0x80, s28, s19, $0xb8;
	[tilespmem:$0x1F000] =	vst v63  }
0xf7: {  	p1 =	sne.s32 s26, $0x5C00;
	s26 =	sadd.s32 $0x80, s28  }
0xf8: {  	[tilespmem:s21], [sflag:$0x2] =	stream.indirect.gather [hbm4b:s5+s19], $0x80, s26, s19, $0xb8;
	[tilespmem:$0x1F000] =	vst v63  }
0xf9: {  	_ =	swait.ge [sflag:s22], $0x4000  }
0xfa: {  	[sflag:s22] =	ssyncset.done $0x0  }
0xfb: {  	s26 =	sadd.s32 $0x1800, s28;
	[sflag:s22] =	ssyncadd.s32 $0xFFFFC000  }
0xfc: {  	[spmem:s2] =	stream.indirect.scatter.add.f32 [tilespmem:s20], [sflag:$0x3], $0x80, s26, s19, $0xb8;
	[tilespmem:$0x1F000] =	vst v63  }
0xfd: {  	_ =	swait.ge [sflag:s17], $0x4000  }
0xfe: {  	[sflag:s17] =	ssyncset.done $0x0  }
0xff: {  	[sflag:s17] =	ssyncadd.s32 $0xFFFFC000  }
0x100: {  	_ =	swait.ge [sflag:s23], $0x4000  }
.Ltmp7:
0x101: {  	[sflag:s23] =	ssyncset.done $0x0;
	(pc) =	sbr.rel @p1 .LBB2_10-.Ltmp7, $4  }
0x102: {  	s26 =	sadd.s32 $0x1880, s28;
	[sflag:s23] =	ssyncadd.s32 $0xFFFFC000  }
0x103: {  	[spmem:s2] =	stream.indirect.scatter.add.f32 [tilespmem:s21], [sflag:$0x3], $0x80, s26, s19, $0xb8;
	[tilespmem:$0x1F000] =	vst v63  }
0x104: {  	_ =	swait.ge [sflag:s17], $0x4000  }
0x105: {  	s26 =	smov.u32 s29;
	[sflag:s17] =	ssyncset.done $0x0  }
.Ltmp8:
0x106: {  	_ = 	snop;
	(pc) =	sbr.rel .LBB2_11-.Ltmp8, $1  }
0x107: {  	_ =	sdelay $0x3  }
.LBB2_13:
0x108: {  	_ =	sfence.sel $0x180000  }
0x109: {  	[bflag:$0x0] =	sbarrier.arrive $0xFFFF  }
0x10a: {  	p0 =	sne.s32 s4, $0x0;
	_ =	strace $0x9000004D  }
0x10b: {  	s0 =	sadd.s32 @!p0 $0x100000, s0;
	[bflag:$0x2] =	sbarrier.arrive $0xFFFF  }
0x10c: {  	[sflag:s0] =	ssyncadd.tile.s32 @!p0 $0x1;
	_ =	shalt  }
.Lfunc_end2:
_tile_overlayer_lowered:
.L_overlay_start_2:
0x10d: {  	(tag) =	ssettag $0x2  }
0x10e: {  	s0 =	rddreg [dreg:$0x0];
	s2 =	stileid.u32  }
0x10f: {  	s1 =	rddreg [dreg:$0x1];
	p0 =	sne.s32 s2, $0x0  }
0x110: {  	s3 =	rddreg [dreg:$0x2];
	[bflag:$0x3] =	sbarrier.arrive $0xFFFF;
	s2 =	simm.s32 @!p0 $0x1C03  }
0x111: {  	[timem:s3], [sflag:s2] =	dma.local @!p0 [hbm:s0], s1  }
0x112: {  	s0 =	simm.s32 @!p0 $0x3  }
0x113: {  	_ =	swait.ge @!p0 [sflag:s0], s1  }
0x114: {  	s1 =	ssub.s32 @!p0 $0x0, s1;
	[sflag:s0] =	ssyncset.done @!p0 $0x0  }
0x115: {  	[sflag:s0] =	ssyncadd.s32 @!p0 s1  }
0x116: {  	[bflag:$0x3] =	sbarrier.arrive $0xFFFF  }
0x117: {  	_ =	shalt  }

// kernel: _run.8.cloned.1.call-start
scs
__scs_entry_jumppad:
0x0: {  	(pc) =	sbr.rel $0x88, $3  }
0x1: {  	(tag) =	ssettag $0x0;
	lr =	simm.s32 $0x1  }
0x2: {  	[smem:$0x3F9B] =	sst lr;
	_ =	strace $0xD0000000  }
0x3: {  	_ = 	snop  }
0x4: {  	_ = 	snop  }
0x5: {  	_ = 	snop  }
0x6: {  	_ = 	snop  }
0x7: {  	_ = 	snop  }
__scs_overlays_trampoline_lowered:
0x8: {  	[smem:$0x3FAA] =	sst s0  }
0x9: {  	[smem:$0x3FAB] =	sst s1  }
0xa: {  	[smem:$0x3FAC] =	sst s2  }
0xb: {  	[smem:$0x3FAD] =	sst s3  }
0xc: {  	[smem:$0x3FAE] =	sst s4  }
0xd: {  	[smem:$0x3FAF] =	sst s5  }
0xe: {  	[smem:$0x3FB0] =	sst s6  }
0xf: {  	[smem:$0x3FB1] =	sst s7  }
0x10: {  	[smem:$0x3FB2] =	sst s8  }
0x11: {  	[smem:$0x3FB3] =	sst s9;
	s0 =	simm.s32 @!p0 $0x0  }
0x12: {  	s1 =	sld [smem:$0x3F99];
	s0 =	simm.s32 @p0 $0x1  }
0x13: {  	[smem:$0x3FB4] =	sst s0;
	s0 =	simm.s32 @!p1 $0x0  }
0x14: {  	s2 =	sld [smem:$0x3F98];
	s0 =	simm.s32 @p1 $0x1  }
0x15: {  	[smem:$0x3FB5] =	sst s0;
	s0 =	simm.s32 @!p2 $0x0  }
0x16: {  	s3 =	sld [smem:$0x3FDB];
	s0 =	simm.s32 @p2 $0x1  }
0x17: {  	s4 =	simm.s32 $0x1BF5;
	[smem:$0x3FB7] =	sst s0  }
0x18: {  	s0 =	sld [smem:$0x3F9A];
	_ =	swait.ge [sflag:s4], $0x0  }
0x19: {  	s7 =	sld [smem:$0x3F9B]  }
0x1a: {  	s8 =	sadd.s32 $0xFFFFE003, lr  }
0x1b: {  	s9 =	sadd.s32 $0xFFFFFEF7, lr;
	s5 =	simm.s32 $0xFFFFFFFF;
	p2 =	slt.u32 s8, $0xFFFFF086  }
0x1c: {  	p1 =	slt.u32 s9, $0xF7A;
	s5 =	simm.s32 @!p2 $0x0  }
0x1d: {  	s5 =	simm.s32 @p1 $0x1;
	p0 =	seq.s32 s7, s2  }
0x1e: {  	s7 =	smul.u32 @!p0 $0xF7A, s2;
	p2 =	seq.s32 @!p0 s5, $0x0  }
0x1f: {  	s9 =	smul.u32 $0xF7A, s1;
	s8 =	simm.s32 @!p0 $0x1BF5;
	p2 =	por !p2, p0  }
0x20: {  	[sflag:s8] =	ssyncset.s32 @!p0 $0xFFFFF086;
	s6 =	sadd.s32 @!p0 s3, s7;
	s7 =	simm.s32 @!p0 $0x108  }
0x21: {  	s3 =	sadd.s32 s3, s9;
	s6 =	sadd.s32 @!p0 $0x88, s6;
	s7 =	simm.s32 @p2 $0x1082  }
0x22: {  	[simem:s7], [sflag:s8] =	dma.local @!p0 [hbm:s6], $0xF7A  }
0x23: {  	s9 =	sor.u32 $0xD0000000, s2;
	s6 =	simm.s32 $0x108;
	_ =	swait.ge @!p0 [sflag:s8], $0x0  }
0x24: {  	s3 =	sadd.s32 $0x88, s3;
	s6 =	simm.s32 @!p1 $0x1082;
	[sflag:s4] =	ssyncset.s32 $0xFFFFF086  }
0x25: {  	[simem:s6], [sflag:s4] =	dma.local [hbm:s3], $0xF7A  }
0x26: {  	[smem:$0x3F9B] =	sst s1;
	(tag) =	ssettag s2;
	_ =	strace s9  }
0x27: {  	s1 =	sld [smem:$0x3FAB]  }
0x28: {  	s2 =	sld [smem:$0x3FAC]  }
0x29: {  	s4 =	sld [smem:$0x3FAE]  }
0x2a: {  	p0 =	seq.s32 s5, $0x0;
	s5 =	sld [smem:$0x3FAF]  }
0x2b: {  	s6 =	sld [smem:$0x3FB0]  }
0x2c: {  	s7 =	sld [smem:$0x3FB1]  }
0x2d: {  	s3 =	simm.s32 $0x108;
	s8 =	sld [smem:$0x3FB2]  }
0x2e: {  	s3 =	simm.s32 @!p0 $0x1082;
	s9 =	sld [smem:$0x3FB3]  }
0x2f: {  	lr =	sadd.s32 s0, s3;
	s0 =	sld [smem:$0x3FAA]  }
0x30: {  	s3 =	sld [smem:$0x3FAD]  }
0x31: {  	[smem:$0x3FB6] =	sst s10  }
0x32: {  	s10 =	sld [smem:$0x3FB4];
	_ =	sdelay $0x3  }
0x33: {  	p0 =	seq.s32 s10, $0x1;
	s10 =	sld [smem:$0x3FB6];
	_ =	sdelay $0x3  }
0x34: {  	[smem:$0x3FB6] =	sst s10  }
0x35: {  	s10 =	sld [smem:$0x3FB5];
	_ =	sdelay $0x3  }
0x36: {  	p1 =	seq.s32 s10, $0x1;
	s10 =	sld [smem:$0x3FB6];
	_ =	sdelay $0x3  }
0x37: {  	[smem:$0x3FB6] =	sst s10  }
0x38: {  	s10 =	sld [smem:$0x3FB7]  }
0x39: {  	_ = 	snop;
	(pc) =	sbr.ind lr, $3  }
0x3a: {  	_ = 	snop  }
0x3b: {  	_ = 	snop  }
0x3c: {  	p2 =	seq.s32 s10, $0x1;
	s10 =	sld [smem:$0x3FB6]  }
0x3d: {  	_ =	shalt  }
0x3e: {  	_ =	shalt  }
0x3f: {  	_ =	shalt  }
0x40: {  	_ =	shalt  }
0x41: {  	_ =	shalt  }
0x42: {  	_ =	shalt  }
0x43: {  	_ =	shalt  }
0x44: {  	_ =	shalt  }
0x45: {  	_ =	shalt  }
0x46: {  	_ =	shalt  }
0x47: {  	_ =	shalt  }
0x48: {  	_ =	shalt  }
0x49: {  	_ =	shalt  }
0x4a: {  	_ =	shalt  }
0x4b: {  	_ =	shalt  }
0x4c: {  	_ =	shalt  }
0x4d: {  	_ =	shalt  }
0x4e: {  	_ =	shalt  }
0x4f: {  	_ =	shalt  }
0x50: {  	_ =	shalt  }
0x51: {  	_ =	shalt  }
0x52: {  	_ =	shalt  }
0x53: {  	_ =	shalt  }
0x54: {  	_ =	shalt  }
0x55: {  	_ =	shalt  }
0x56: {  	_ =	shalt  }
0x57: {  	_ =	shalt  }
0x58: {  	_ =	shalt  }
0x59: {  	_ =	shalt  }
0x5a: {  	_ =	shalt  }
0x5b: {  	_ =	shalt  }
0x5c: {  	_ =	shalt  }
0x5d: {  	_ =	shalt  }
0x5e: {  	_ =	shalt  }
0x5f: {  	_ =	shalt  }
0x60: {  	_ =	shalt  }
0x61: {  	_ =	shalt  }
0x62: {  	_ =	shalt  }
0x63: {  	_ =	shalt  }
0x64: {  	_ =	shalt  }
0x65: {  	_ =	shalt  }
0x66: {  	_ =	shalt  }
0x67: {  	_ =	shalt  }
0x68: {  	_ =	shalt  }
0x69: {  	_ =	shalt  }
0x6a: {  	_ =	shalt  }
0x6b: {  	_ =	shalt  }
0x6c: {  	_ =	shalt  }
0x6d: {  	_ =	shalt  }
0x6e: {  	_ =	shalt  }
0x6f: {  	_ =	shalt  }
0x70: {  	_ =	shalt  }
0x71: {  	_ =	shalt  }
0x72: {  	_ =	shalt  }
0x73: {  	_ =	shalt  }
0x74: {  	_ =	shalt  }
0x75: {  	_ =	shalt  }
0x76: {  	_ =	shalt  }
0x77: {  	_ =	shalt  }
0x78: {  	_ =	shalt  }
0x79: {  	_ =	shalt  }
0x7a: {  	_ =	shalt  }
0x7b: {  	_ =	shalt  }
0x7c: {  	_ =	shalt  }
0x7d: {  	_ =	shalt  }
0x7e: {  	_ =	shalt  }
0x7f: {  	_ =	shalt  }
0x80: {  	_ =	shalt  }
0x81: {  	_ =	shalt  }
0x82: {  	_ =	shalt  }
0x83: {  	_ =	shalt  }
0x84: {  	_ =	shalt  }
0x85: {  	_ =	shalt  }
0x86: {  	_ =	shalt  }
0x87: {  	_ =	shalt  }
.Lfunc_end0:
.L_simem_size_0:
called_computation_lowered:
.L_overlay_start_0:
0x88: {  	s2 =	sld [smem:$0x3FD9]  }
0x89: {  	s3 =	sld [smem:$0x3FFE];
	_ =	sdelay $0x1  }
0x8a: {  	s1 =	srdreg.scid  }
0x8b: {  	s0 =	sand.u32 $0x1, s1  }
0x8c: {  	s17 =	sshll.u32 s0, $0xA;
	s2 =	sadd.s32 s3, s2  }
0x8d: {  	s2 =	sadd.s32 s2, s17  }
0x8e: {  	[smem:$0x3FC2] =	sst s2  }
0x8f: {  	_ = 	snop  }
0x90: {  	s2 =	sld [smem:$0x3FD0];
	(tm) =	ssettm $0x1  }
0x91: {  	s18 =	sld [smem:$0x3FFB];
	_ =	sdelay $0x3  }
0x92: {  	_ =	strace s18  }
0x93: {  	s3 =	sld [smem:$0x3FFC];
	_ =	sdelay $0x3  }
0x94: {  	_ =	strace s3  }
0x95: {  	s3 =	sld [smem:$0x3FFD];
	_ =	sdelay $0x3  }
0x96: {  	_ =	strace s3  }
0x97: {  	_ =	strace $0x8FFFFFFF  }
0x98: {  	s19 =	sld [smem:$0x3FDB];
	_ =	sdelay $0x1  }
0x99: {  	s4 =	simm.s32 $_scs_section_size  }
0x9a: {  	s5 =	simm.s32 $_size__tile_overlayer_lowered;
	s6 =	simm.s32 $_tile_overlayer_lowered  }
0x9b: {  	s22 =	simm.s32 $0x1BFF;
	s21 =	sshll.u32 s6, $0x1;
	s3 =	sadd.s32 s4, s19  }
0x9c: {  	s7 =	simm.s32 $0x0;
	s20 =	sshll.u32 s5, $0x1;
	s5 =	sadd.s32 s21, s3  }
0x9d: {  	[timem:s7], [sflag:s22] =	dma.local [hbm:s5], s20  }
0x9e: {  	_ =	swait.ge [sflag:s22], s20  }
0x9f: {  	s4 =	ssub.s32 $0x0, s20;
	[sflag:s22] =	ssyncset.done $0x0  }
0xa0: {  	[sflag:s22] =	ssyncadd.s32 s4;
	_ =	sdelay $0x1  }
0xa1: {  	s23 =	simm.s32 $0x1B8B  }
0xa2: {  	_ =	swait.ge [sflag:s23], $0x1  }
0xa3: {  	[sflag:s23] =	ssyncset.done $0x0  }
0xa4: {  	s25 =	simm.s32 $0x1B8E;
	s24 =	sld [smem:$0x3FFE];
	[sflag:s23] =	ssyncadd.s32 $0xFFFFFFFF  }
0xa5: {  	s26 =	simm.s32 $execute0_lowered;
	[smem:$0x3FD2] =	sst s25  }
0xa6: {  	s5 =	sshll.u32 s26, $0x1;
	_ =	strace $0x80000046;
	[dreg:$0x1] =	wrdreg $0xFFFFFFFF  }
0xa7: {  	s28 =	simm.s32 $_size_execute0_lowered;
	s3 =	sadd.s32 s3, s5;
	[dreg:$0x0] =	wrdreg $0x0  }
0xa8: {  	s5 =	sshll.u32 s28, $0x1;
	[dreg:$0x2] =	wrdreg s3  }
0xa9: {  	[dreg:$0x3] =	wrdreg s5  }
0xaa: {  	[dreg:$0x4] =	wrdreg $0xC0  }
0xab: {  	_ =	task [dreg:s7], $0x5FFFF  }
0xac: {  	[dreg:$0x1] =	wrdreg $0xFFFFFFFF  }
0xad: {  	[dreg:$0x0] =	wrdreg $0x60  }
0xae: {  	[dreg:$0x2] =	wrdreg s2  }
0xaf: {  	[dreg:$0x3] =	wrdreg s24  }
0xb0: {  	[dreg:$0x4] =	wrdreg $0x6C000  }
0xb1: {  	[dreg:$0x5] =	wrdreg $0x9  }
0xb2: {  	_ =	task.clear_ibuf [dreg:s7], $0x6FFFF;
	_ =	strace $0x90000046  }
0xb3: {  	s29 =	simm.s32 $0x9;
	_ =	strace $0x80000048  }
0xb4: {  	_ =	swait.ge [sflag:s29], $0x1  }
0xb5: {  	[sflag:s29] =	ssyncadd.s32 $0xFFFFFFFF  }
0xb6: {  	_ =	strace $0x90000048  }
0xb7: {  	_ =	sfence  }
0xb8: {  	s30 =	sld [smem:$0x0];
	_ =	sdelay $0x2  }
0xb9: {  	s31 =	sshll.u32 s1, $0xD;
	s1 =	sshrl.u32 s1, $0x2  }
0xba: {  	s3 =	sand.u32 $0x4000, s31;
	s1 =	sadd.s32 s1, s30  }
0xbb: {  	s0 =	sor.u32 s3, s0;
	s1 =	sshll.u32 s1, $0x11  }
0xbc: {  	s0 =	sor.u32 s1, s0  }
0xbd: {  	s0 =	sadd.s32 $0x8F2B, s0  }
0xbe: {  	[sflag:s0] =	ssyncadd.remote.s32 $0x1  }
0xbf: {  	_ =	sfence.sel $0xFFFF  }
0xc0: {  	[dreg:$0x0] =	wrdreg $0xFFFFFFFF;
	(pc) =	sbr.abs _section_cstart, $3  }
0xc1: {  	[dreg:$0x1] =	wrdreg $0xFFFFFFFF  }
0xc2: {  	_ =	task.clear_ibuf [dreg:s7], $0x2FFFF;
	_ =	strace $0x9FFFFFFF  }
0xc3: {  	(tm) =	ssettm $0x7FFFFFFF  }
tec
execute0_lowered:
.L_overlay_start_1:
0x0: {  	(tag) =	ssettag $0x1  }
0x1: {  	s7 =	rddreg [dreg:$0x0]  }
0x2: {  	s6 =	rddreg [dreg:$0x1];
	s0 =	srdreg.scid  }
0x3: {  	s2 =	rddreg [dreg:$0x2];
	s1 =	stileid.u32  }
0x4: {  	s3 =	simm.s32 $0x0;
	s14 =	simm.s32 $0x80;
	s9 =	smul.u32 $0x14000, s1  }
0x5: {  	s8 =	sand.u32 $0x1, s0;
	s0 =	rddreg [dreg:$0x3];
	s11 =	smul.u32 $0x50000, s1  }
0x6: {  	s15 =	simm.s32 $0x0;
	[smem:$0x7FF] =	sst s3;
	s13 =	smul.u32 $0x580, s1  }
0x7: {  	s4 =	sadd.s32 $0x9600, s6;
	s12 =	sshll.u32 s1, $0x6;
	s5 =	smul.u32 $0x140000, s8  }
0x8: {  	_ =	strace $0x80000047;
	s10 =	ssub.s32 $0x2, s8;
	s8 =	sshll.u32 s8, $0x7  }
0x9: {  	s31 =	sshrl.u32 s10, $0x1;
	s11 =	sshrl.u32 s11, $0x2;
	s7 =	sadd.s32 s7, s13  }
0xa: {  	s13 =	simm.s32 $0x2C00;
	s5 =	sadd.s32 s9, s5;
	s10 =	ssub.s32 s10, s31  }
0xb: {  	s11 =	sadd.s32 s11, s2;
	s9 =	sshrl.u32 s5, $0x3;
	s5 =	sadd.s32 $0xBE00, s6  }
0xc: {  	s10 =	smax.u32 s10, $0x1;
	s11 =	sshrl.u32 s11, $0x3;
	s9 =	sadd.s32 s9, s6  }
0xd: {  	s6 =	sor.u32 $0x1C01, s12;
	s12 =	simm.s32 $0x1;
	s9 =	sadd.s32 $0xC600, s9  }
.LBB2_1:
0xe: {  	[spmem:s11], [sflag:s6] =	dma.local [hbm:s4], $0x2800  }
0xf: {  	_ =	swait.ge [sflag:s12], $0x2800  }
0x10: {  	[sflag:s12] =	ssyncset.done $0x0  }
0x11: {  	[sflag:s12] =	ssyncadd.s32 $0xFFFFD800  }
0x12: {  	[tilespmem:s13], [sflag:$0x1] =	stream.linear.gather [hbm4b:s5+s3], $0x4000, $0x38;
	[tilespmem:$0x1AC00] =	vst v63  }
0x13: {  	_ =	swait.ge [sflag:s12], $0x4000  }
0x14: {  	[sflag:s12] =	ssyncset.done $0x0  }
0x15: {  	[sflag:s12] =	ssyncadd.s32 $0xFFFFC000  }
0x16: {  	[tilespmem:s3], [sflag:$0x1] =	stream.linear.gather [hbm4b:s7+s3], $0x2A00, $0x38;
	[tilespmem:$0x1AC00] =	vst v63  }
0x17: {  	_ =	swait.ge [sflag:s12], $0x2A00  }
0x18: {  	[sflag:s12] =	ssyncset.done $0x0  }
0x19: {  	[sflag:s12] =	ssyncadd.s32 $0xFFFFD600  }
0x1a: {  	s16 =	sadd.s32 $0x0, s8;
	[bflag:$0x0] =	sbarrier.arrive $0xFFFF  }
0x1b: {  	[spmem:s2] =	stream.indirect.scatter.add.f32 [tilespmem:s13], [sflag:$0x1], $0x80, s16, s14, $0xb8;
	[tilespmem:$0x1AC00] =	vst v63  }
0x1c: {  	s16 =	simm.s32 $0x400;
	_ =	swait.ge [sflag:s12], $0x4000  }
.LBB2_2:
0x1d: {  	s17 =	sshra.s32 s16, $0x2;
	[sflag:s12] =	ssyncset.done $0x0;
	p0 =	sne.s32 s16, $0xA400  }
.Ltmp0:
0x1e: {  	s17 =	sadd.s32 s17, s8;
	[sflag:s12] =	ssyncadd.s32 $0xFFFFC000;
	(pc) =	sbr.rel @p0 .LBB2_2-.Ltmp0, $3  }
0x1f: {  	[spmem:s2] =	stream.indirect.scatter.add.f32 [tilespmem:s13], [sflag:$0x1], $0x80, s17, s14, $0xb8;
	[tilespmem:$0x1AC00] =	vst v63  }
0x20: {  	s16 =	sadd.s32 $0x400, s16;
	_ =	sdelay $0x1  }
0x21: {  	_ =	swait.ge [sflag:s12], $0x4000  }
0x22: {  	[sflag:s12] =	ssyncset.done $0x0;
	s15 =	sadd.s32 $0x1, s15  }
0x23: {  	[sflag:s12] =	ssyncadd.s32 $0xFFFFC000;
	p0 =	sne.s32 s15, s10  }
.Ltmp1:
0x24: {  	[bflag:$0x0] =	sbarrier.arrive $0xFFFF;
	(pc) =	sbr.rel @p0 .LBB2_1-.Ltmp1, $4  }
0x25: {  	[hbm:s9], [sflag:s6] =	dma.local [spmem:s11], $0x2800  }
0x26: {  	_ =	swait.ge [sflag:s12], $0x2800  }
0x27: {  	[sflag:s12] =	ssyncset.done $0x0  }
0x28: {  	[sflag:s12] =	ssyncadd.s32 $0xFFFFD800  }
0x29: {  	_ =	sfence.sel $0x180000  }
0x2a: {  	[bflag:$0x0] =	sbarrier.arrive $0xFFFF  }
0x2b: {  	p0 =	sne.s32 s1, $0x0;
	_ =	strace $0x90000047  }
0x2c: {  	s0 =	sadd.s32 @!p0 $0x100000, s0;
	[bflag:$0x2] =	sbarrier.arrive $0xFFFF  }
0x2d: {  	[sflag:s0] =	ssyncadd.tile.s32 @!p0 $0x1;
	_ =	shalt  }
.Lfunc_end2:
_tile_overlayer_lowered:
.L_overlay_start_2:
0x2e: {  	(tag) =	ssettag $0x2  }
0x2f: {  	s0 =	rddreg [dreg:$0x0];
	s2 =	stileid.u32  }
0x30: {  	s1 =	rddreg [dreg:$0x1];
	p0 =	sne.s32 s2, $0x0  }
0x31: {  	s3 =	rddreg [dreg:$0x2];
	[bflag:$0x3] =	sbarrier.arrive $0xFFFF;
	s2 =	simm.s32 @!p0 $0x1C01  }
0x32: {  	[timem:s3], [sflag:s2] =	dma.local @!p0 [hbm:s0], s1  }
0x33: {  	s0 =	simm.s32 @!p0 $0x1  }
0x34: {  	_ =	swait.ge @!p0 [sflag:s0], s1  }
0x35: {  	s1 =	ssub.s32 @!p0 $0x0, s1;
	[sflag:s0] =	ssyncset.done @!p0 $0x0  }
0x36: {  	[sflag:s0] =	ssyncadd.s32 @!p0 s1  }
0x37: {  	[bflag:$0x3] =	sbarrier.arrive $0xFFFF  }
0x38: {  	_ =	shalt  }

</sc_bundles>
